<compile_context>
chip_gen: v7x
topology: tpu7x:2x2x1
jax: 0.10.2.dev20260603
libtpu: 0.0.44.dev20260713+nightly
codegen_flags: <defaults>
</compile_context>

<pallas_src>
import functools

import jax
import jax.numpy as jnp
import numpy as np
from jax import lax
from jax.experimental import pallas as pl
from jax.experimental.pallas import tpu as pltpu
from jax.experimental.pallas import tpu_sc as plsc

N = 10000
E = 320000
D = 128
G = 64
NC, NS = 2, 16
NP = 10240
R = 1000
EB = 128
K = 80
CH = 20
NCH = K // CH
EP = NC * NS * K * EB
ROWS_PER_TILE = NP // NS


def _agg_body(h_hbm, src_hbm, dst_hbm, zeros_hbm, out_hbm,
              acc, src_v, dst_v, r0, r1, g0, g1, s0, s1, ixs, ixd):
    cid = lax.axis_index("c")
    sid = lax.axis_index("s")
    row0 = sid * ROWS_PER_TILE

    def gather(p, jj, rv, sem):
        pltpu.make_async_copy(h_hbm.at[src_v.at[p, jj]], rv, sem).start()

    def gather_wait(rv, sem):
        pltpu.make_async_copy(h_hbm.at[src_v.at[0, 0]], rv, sem).wait()

    def scatter(p, jj, rv, sem):
        pltpu.make_async_copy(rv, acc.at[dst_v.at[p, jj]], sem).start(add=True)

    def scatter_wait(rv, sem):
        pltpu.make_async_copy(rv, acc.at[dst_v.at[0, 0]], sem).wait()

    pltpu.sync_copy(src_hbm.at[cid, sid, 0], src_v.at[0])
    pltpu.sync_copy(dst_hbm.at[cid, sid, 0], dst_v.at[0])
    gather(0, 0, r0, g0)
    gather(0, 1, r1, g1)
    pltpu.sync_copy(zeros_hbm.at[pl.ds(row0, ROWS_PER_TILE)],
                    acc.at[pl.ds(row0, ROWS_PER_TILE)])
    plsc.subcore_barrier()
    DT = CH // 2

    def step(t, carry):
        m = t // DT
        p = lax.rem(m, 2)
        jj0 = 2 * lax.rem(t, DT)

        @pl.when(t > 0)
        def _():
            scatter_wait(r1, s1)
            gather(p, jj0 + 1, r1, g1)

        @pl.when(jnp.logical_and(lax.rem(t, DT) == 0, t < (NCH - 1) * DT))
        def _():
            pn = lax.rem(m + 1, 2)
            pltpu.make_async_copy(src_hbm.at[cid, sid, m + 1],
                                  src_v.at[pn], ixs).start()
            pltpu.make_async_copy(dst_hbm.at[cid, sid, m + 1],
                                  dst_v.at[pn], ixd).start()

        gather_wait(r0, g0)
        scatter(p, jj0, r0, s0)

        @pl.when(jnp.logical_and(lax.rem(t, DT) == DT - 1,
                                 t < (NCH - 1) * DT))
        def _():
            pltpu.make_async_copy(src_hbm.at[cid, sid, 0],
                                  src_v.at[0], ixs).wait()
            pltpu.make_async_copy(dst_hbm.at[cid, sid, 0],
                                  dst_v.at[0], ixd).wait()

        jn = 2 * t + 2
        mn = jn // CH
        pn0 = lax.rem(mn, 2)
        jjn = jn - mn * CH
        scatter_wait(r0, s0)

        @pl.when(t < K // 2 - 1)
        def _():
            gather(pn0, jjn, r0, g0)

        gather_wait(r1, g1)
        scatter(p, jj0 + 1, r1, s1)
        return carry

    lax.fori_loop(0, K // 2, step, 0)
    scatter_wait(r1, s1)
    plsc.subcore_barrier()
    pltpu.sync_copy(acc.at[pl.ds(row0, ROWS_PER_TILE)],
                    out_hbm.at[cid, pl.ds(row0, ROWS_PER_TILE)])


_agg = functools.partial(
    pl.kernel,
    out_type=jax.ShapeDtypeStruct((NC, NP, D), jnp.float32),
    mesh=plsc.VectorSubcoreMesh(core_axis_name="c", subcore_axis_name="s"),
    scratch_types=[
        pltpu.VMEM_SHARED((NP, D), jnp.float32),
        pltpu.VMEM((2, CH, EB), jnp.int32),
        pltpu.VMEM((2, CH, EB), jnp.int32),
        pltpu.VMEM((EB, D), jnp.float32),
        pltpu.VMEM((EB, D), jnp.float32),
        pltpu.SemaphoreType.DMA,
        pltpu.SemaphoreType.DMA,
        pltpu.SemaphoreType.DMA,
        pltpu.SemaphoreType.DMA,
        pltpu.SemaphoreType.DMA,
        pltpu.SemaphoreType.DMA,
    ],
)(_agg_body)


def _mlp_body(h_ref, p_ref, w1_ref, b1_ref, w2_ref, b2_ref, o_ref):
    z = h_ref[...] + p_ref[0] + p_ref[1]
    z = jnp.maximum(
        jnp.dot(z, w1_ref[...], preferred_element_type=jnp.float32) + b1_ref[...],
        0.0)
    z = jnp.dot(z, w2_ref[...], preferred_element_type=jnp.float32) + b2_ref[...]
    o_ref[...] = jnp.maximum(z, 0.0)


_mlp = pl.pallas_call(
    _mlp_body,
    grid=(N // R,),
    in_specs=[
        pl.BlockSpec((R, D), lambda i: (i, 0)),
        pl.BlockSpec((NC, R, D), lambda i: (0, i, 0)),
        pl.BlockSpec((D, D), lambda i: (0, 0)),
        pl.BlockSpec((1, D), lambda i: (0, 0)),
        pl.BlockSpec((D, D), lambda i: (0, 0)),
        pl.BlockSpec((1, D), lambda i: (0, 0)),
    ],
    out_specs=pl.BlockSpec((R, D), lambda i: (i, 0)),
    out_shape=jax.ShapeDtypeStruct((N, D), jnp.float32),
)


def _mlp_pool_body(h_ref, p_ref, batch_ref, w1_ref, b1_ref, w2_ref, b2_ref,
                   wf1_ref, bf1_ref, wf2_ref, bf2_ref, o_ref, pooled):
    i = pl.program_id(0)
    z = h_ref[...] + p_ref[0] + p_ref[1]
    z = jnp.maximum(
        jnp.dot(z, w1_ref[...], preferred_element_type=jnp.float32) + b1_ref[...],
        0.0)
    z = jnp.dot(z, w2_ref[...], preferred_element_type=jnp.float32) + b2_ref[...]
    h3 = jnp.maximum(z, 0.0)
    seg = batch_ref[0, 0, :]
    m = (lax.broadcasted_iota(jnp.int32, (G, R), 0) == seg[None, :]
         ).astype(jnp.float32)
    part = jnp.dot(m, h3, preferred_element_type=jnp.float32)

    @pl.when(i == 0)
    def _():
        pooled[...] = part

    @pl.when(i > 0)
    def _():
        pooled[...] += part

    @pl.when(i == pl.num_programs(0) - 1)
    def _():
        q = jnp.maximum(
            jnp.dot(pooled[...], wf1_ref[...],
                    preferred_element_type=jnp.float32) + bf1_ref[...],
            0.0)
        o_ref[...] = (jnp.dot(q, wf2_ref[...],
                              preferred_element_type=jnp.float32)
                      + bf2_ref[...])


_mlp_pool = pl.pallas_call(
    _mlp_pool_body,
    grid=(N // R,),
    in_specs=[
        pl.BlockSpec((R, D), lambda i: (i, 0)),
        pl.BlockSpec((NC, R, D), lambda i: (0, i, 0)),
        pl.BlockSpec((1, 1, R), lambda i: (i, 0, 0)),
        pl.BlockSpec((D, D), lambda i: (0, 0)),
        pl.BlockSpec((1, D), lambda i: (0, 0)),
        pl.BlockSpec((D, D), lambda i: (0, 0)),
        pl.BlockSpec((1, D), lambda i: (0, 0)),
        pl.BlockSpec((D, D), lambda i: (0, 0)),
        pl.BlockSpec((1, D), lambda i: (0, 0)),
        pl.BlockSpec((D, D), lambda i: (0, 0)),
        pl.BlockSpec((1, D), lambda i: (0, 0)),
    ],
    out_specs=pl.BlockSpec((G, D), lambda i: (0, 0)),
    out_shape=jax.ShapeDtypeStruct((G, D), jnp.float32),
    scratch_shapes=[pltpu.VMEM((G, D), jnp.float32)],
)


def kernel(x, edge_index, edge_attr, batch,
           W1_0, b1_0, W2_0, b2_0, W1_1, b1_1, W2_1, b2_1,
           W1_2, b1_2, W2_2, b2_2, Wf1, bf1, Wf2, bf2):
    del edge_attr
    pad = EP - E
    pad_src = (np.arange(pad, dtype=np.int32) * 97) % N
    pad_dst = N + (np.arange(pad, dtype=np.int32) % (NP - N))
    src = jnp.concatenate([edge_index[0].astype(jnp.int32), jnp.asarray(pad_src)])
    dst = jnp.concatenate([edge_index[1].astype(jnp.int32), jnp.asarray(pad_dst)])
    src = src.reshape(NC, NS, NCH, CH, EB)
    dst = dst.reshape(NC, NS, NCH, CH, EB)
    zeros = jnp.zeros((NP, D), jnp.float32)
    h = x
    batch_p = batch.astype(jnp.int32).reshape(N // R, 1, R)

    parts = _agg(h, src, dst, zeros)
    h = _mlp(h, parts, W1_0, b1_0.reshape(1, D), W2_0, b2_0.reshape(1, D))
    parts = _agg(h, src, dst, zeros)
    h = _mlp(h, parts, W1_1, b1_1.reshape(1, D), W2_1, b2_1.reshape(1, D))
    parts = _agg(h, src, dst, zeros)
    out = _mlp_pool(h, parts, batch_p,
                    W1_2, b1_2.reshape(1, D), W2_2, b2_2.reshape(1, D),
                    Wf1, bf1.reshape(1, D), Wf2, bf2.reshape(1, D))
    return out

# --- scband reference (transcript-rebuilt; emitter-appended) ---
"""Pipeline reference for scband-gin-10350871184011 (READ-ONLY COPY).

The authoritative reference and input builder live on the scoring server;
editing this copy changes nothing except your own understanding.
"""

import jax, jax.numpy as jnp
import numpy as np

N = 10000
E = 320000
D = 128
H = 128
O = 128
G = 64


def setup_inputs(seed: int = 0) -> dict:
    key = jax.random.key(seed)
    ks = jax.random.split(key, 24)
    inp = {}
    inp["x"] = jax.random.normal(ks[0], (N, D), dtype=jnp.float32)
    inp["edge_index"] = jax.random.randint(ks[1], (2, E), 0, N)
    inp["edge_attr"] = jax.random.normal(ks[2], (E,), dtype=jnp.float32)
    inp["batch"] = jnp.sort(jax.random.randint(ks[3], (N,), 0, G))
    # GINConv MLP params for 3 layers: Linear(in,H) -> ReLU -> Linear(H,H)
    dims_in = [D, H, H]
    for l in range(3):
        s1 = 1.0 / np.sqrt(dims_in[l])
        s2 = 1.0 / np.sqrt(H)
        inp[f"W1_{l}"] = jax.random.uniform(ks[4 + 4 * l], (dims_in[l], H), dtype=jnp.float32, minval=-s1, maxval=s1)
        inp[f"b1_{l}"] = jax.random.uniform(ks[5 + 4 * l], (H,), dtype=jnp.float32, minval=-s1, maxval=s1)
        inp[f"W2_{l}"] = jax.random.uniform(ks[6 + 4 * l], (H, H), dtype=jnp.float32, minval=-s2, maxval=s2)
        inp[f"b2_{l}"] = jax.random.uniform(ks[7 + 4 * l], (H,), dtype=jnp.float32, minval=-s2, maxval=s2)
    sf = 1.0 / np.sqrt(H)
    inp["Wf1"] = jax.random.uniform(ks[16], (H, H), dtype=jnp.float32, minval=-sf, maxval=sf)
    inp["bf1"] = jax.random.uniform(ks[17], (H,), dtype=jnp.float32, minval=-sf, maxval=sf)
    inp["Wf2"] = jax.random.uniform(ks[18], (H, O), dtype=jnp.float32, minval=-sf, maxval=sf)
    inp["bf2"] = jax.random.uniform(ks[19], (O,), dtype=jnp.float32, minval=-sf, maxval=sf)
    return inp


def reference(x, edge_index, edge_attr, batch, W1_0, b1_0, W2_0, b2_0, W1_1, b1_1, W2_1, b2_1, W1_2, b1_2, W2_2, b2_2, Wf1, bf1, Wf2, bf2):
    # GIN forward: per layer h = relu(GINConv(h, edge_index));
    # GINConv (eps=0, train_eps=False): nn((1+eps)*h + sum_{j->i} h_j)
    # edge_attr is carried by the data object but ignored by GINConv here.
    src = edge_index[0]
    dst = edge_index[1]
    h = x
    params = ((W1_0, b1_0, W2_0, b2_0), (W1_1, b1_1, W2_1, b2_1), (W1_2, b1_2, W2_2, b2_2))
    for W1, b1, W2, b2 in params:
        agg = jax.ops.segment_sum(h[src], dst, num_segments=N)
        z = h + agg
        z = jnp.maximum(z @ W1 + b1, 0.0) @ W2 + b2
        h = jnp.maximum(z, 0.0)
    pooled = jax.ops.segment_sum(h, batch, num_segments=G)
    # final mlp: Linear -> ReLU -> Dropout(0.5, eval=identity) -> Linear
    out = jnp.maximum(pooled @ Wf1 + bf1, 0.0) @ Wf2 + bf2
    return out

if __name__ == "__main__":
    import jax
    _d = setup_inputs()
    print(jax.jit(kernel)(*tuple(_d.values())))

</pallas_src>

<mosaic_0001>
#map = affine_map<(d0, d1) -> (0, 0)>
#map1 = affine_map<(d0, d1) -> (0, 0, 0, 0, 0)>
#map2 = affine_map<(d0, d1) -> (0, 0, 0)>
module attributes {stable_mosaic.version = 14 : i64} {
  func.func @_agg_body(%arg0: i32, %arg1: i32, %arg2: memref<10000x128xf32, #tpu.memory_space<hbm>>, %arg3: memref<2x16x4x20x128xi32, #tpu.memory_space<hbm>>, %arg4: memref<2x16x4x20x128xi32, #tpu.memory_space<hbm>>, %arg5: memref<10240x128xf32, #tpu.memory_space<hbm>>, %arg6: memref<2x10240x128xf32, #tpu.memory_space<hbm>>, %arg7: memref<10240x128xf32, #tpu.memory_space<vmem_shared>>, %arg8: memref<2x20x128xi32, #tpu.memory_space<vmem>>, %arg9: memref<2x20x128xi32, #tpu.memory_space<vmem>>, %arg10: memref<128x128xf32, #tpu.memory_space<vmem>>, %arg11: memref<128x128xf32, #tpu.memory_space<vmem>>, %arg12: memref<!tpu.dma_semaphore, #tpu.memory_space<semaphore_mem>>, %arg13: memref<!tpu.dma_semaphore, #tpu.memory_space<semaphore_mem>>, %arg14: memref<!tpu.dma_semaphore, #tpu.memory_space<semaphore_mem>>, %arg15: memref<!tpu.dma_semaphore, #tpu.memory_space<semaphore_mem>>, %arg16: memref<!tpu.dma_semaphore, #tpu.memory_space<semaphore_mem>>, %arg17: memref<!tpu.dma_semaphore, #tpu.memory_space<semaphore_mem>>) attributes {dimension_semantics = [#tpu.dimension_semantics<core_parallel>, #tpu.dimension_semantics<subcore_parallel>], iteration_bounds = array<i64: 2, 16>, scalar_prefetch = 0 : i64, scratch_operands = 11 : i64, tpu.core_type = #tpu.core_type<sc_vector_subcore>, window_params = [{transform_indices = #map}, {transform_indices = #map1}, {transform_indices = #map1}, {transform_indices = #map}, {transform_indices = #map2}]} {
    %mul3A = arith.constant 640 : i32
    %mul3A_0 = arith.muli %arg1, %mul3A : i32
    %run_scoped3A = arith.constant 0 : i32
    %run_scoped3A_1 = arith.constant 0 : i32
    "tpu.region"() ({
      %run_scoped3A_32 = tpu.sem_alloc : memref<!tpu.dma_semaphore, #tpu.memory_space<semaphore_mem>>
      %dma_start3A_33 = arith.constant 0 : i32
      %dma_start3A_34 = arith.constant 0 : i32
      %dma_start3A_35 = tpu.memref_slice %arg8[%run_scoped3A_1, %dma_start3A_33, %dma_start3A_34] : memref<2x20x128xi32, #tpu.memory_space<vmem>> -> memref<1x20x128xi32, #tpu.memory_space<vmem>>
      %dma_start3A_36 = tpu.memref_squeeze %dma_start3A_35 : memref<1x20x128xi32, #tpu.memory_space<vmem>> -> memref<20x128xi32, #tpu.memory_space<vmem>>
      %dma_start3A_37 = arith.constant 0 : i32
      %dma_start3A_38 = arith.constant 0 : i32
      %dma_start3A_39 = tpu.memref_slice %arg3[%arg0, %arg1, %run_scoped3A, %dma_start3A_37, %dma_start3A_38] : memref<2x16x4x20x128xi32, #tpu.memory_space<hbm>> -> memref<1x1x1x20x128xi32, #tpu.memory_space<hbm>>
      %dma_start3A_40 = tpu.memref_squeeze %dma_start3A_39 : memref<1x1x1x20x128xi32, #tpu.memory_space<hbm>> -> memref<20x128xi32, #tpu.memory_space<hbm>>
      %dma_start3A_41 = arith.constant 0 : i32
      %dma_start3A_42 = arith.constant 0 : i32
      %dma_start3A_43 = tpu.memref_slice %arg8[%run_scoped3A_1, %dma_start3A_41, %dma_start3A_42] : memref<2x20x128xi32, #tpu.memory_space<vmem>> -> memref<1x20x128xi32, #tpu.memory_space<vmem>>
      %dma_start3A_44 = tpu.memref_squeeze %dma_start3A_43 : memref<1x20x128xi32, #tpu.memory_space<vmem>> -> memref<20x128xi32, #tpu.memory_space<vmem>>
      %dma_start3A_45 = arith.constant 0 : i32
      %dma_start3A_46 = arith.constant 0 : i32
      %dma_start3A_47 = tpu.memref_slice %arg3[%arg0, %arg1, %run_scoped3A, %dma_start3A_45, %dma_start3A_46] : memref<2x16x4x20x128xi32, #tpu.memory_space<hbm>> -> memref<1x1x1x20x128xi32, #tpu.memory_space<hbm>>
      %dma_start3A_48 = tpu.memref_squeeze %dma_start3A_47 : memref<1x1x1x20x128xi32, #tpu.memory_space<hbm>> -> memref<20x128xi32, #tpu.memory_space<hbm>>
      tpu.enqueue_dma source(%dma_start3A_48 : memref<20x128xi32, #tpu.memory_space<hbm>>) target(%dma_start3A_44 : memref<20x128xi32, #tpu.memory_space<vmem>>) target_semaphore(%run_scoped3A_32 : memref<!tpu.dma_semaphore, #tpu.memory_space<semaphore_mem>>)
      %dma_wait3A_49 = arith.constant 0 : i32
      %dma_wait3A_50 = arith.constant 0 : i32
      %dma_wait3A_51 = tpu.memref_slice %arg8[%run_scoped3A_1, %dma_wait3A_49, %dma_wait3A_50] : memref<2x20x128xi32, #tpu.memory_space<vmem>> -> memref<1x20x128xi32, #tpu.memory_space<vmem>>
      %dma_wait3A_52 = tpu.memref_squeeze %dma_wait3A_51 : memref<1x20x128xi32, #tpu.memory_space<vmem>> -> memref<20x128xi32, #tpu.memory_space<vmem>>
      %dma_wait3A_53 = arith.constant 0 : i32
      %dma_wait3A_54 = arith.constant 0 : i32
      %dma_wait3A_55 = tpu.memref_slice %arg3[%arg0, %arg1, %run_scoped3A, %dma_wait3A_53, %dma_wait3A_54] : memref<2x16x4x20x128xi32, #tpu.memory_space<hbm>> -> memref<1x1x1x20x128xi32, #tpu.memory_space<hbm>>
      %dma_wait3A_56 = tpu.memref_squeeze %dma_wait3A_55 : memref<1x1x1x20x128xi32, #tpu.memory_space<hbm>> -> memref<20x128xi32, #tpu.memory_space<hbm>>
      %dma_wait3A_57 = arith.constant 0 : i32
      %dma_wait3A_58 = arith.constant 0 : i32
      %dma_wait3A_59 = tpu.memref_slice %arg8[%run_scoped3A_1, %dma_wait3A_57, %dma_wait3A_58] : memref<2x20x128xi32, #tpu.memory_space<vmem>> -> memref<1x20x128xi32, #tpu.memory_space<vmem>>
      %dma_wait3A_60 = tpu.memref_squeeze %dma_wait3A_59 : memref<1x20x128xi32, #tpu.memory_space<vmem>> -> memref<20x128xi32, #tpu.memory_space<vmem>>
      %dma_wait3A_61 = arith.constant 0 : i32
      %dma_wait3A_62 = arith.constant 0 : i32
      %dma_wait3A_63 = tpu.memref_slice %arg3[%arg0, %arg1, %run_scoped3A, %dma_wait3A_61, %dma_wait3A_62] : memref<2x16x4x20x128xi32, #tpu.memory_space<hbm>> -> memref<1x1x1x20x128xi32, #tpu.memory_space<hbm>>
      %dma_wait3A_64 = tpu.memref_squeeze %dma_wait3A_63 : memref<1x1x1x20x128xi32, #tpu.memory_space<hbm>> -> memref<20x128xi32, #tpu.memory_space<hbm>>
      tpu.wait_dma2 semaphore(%run_scoped3A_32 : memref<!tpu.dma_semaphore, #tpu.memory_space<semaphore_mem>>) src(%dma_wait3A_64 : memref<20x128xi32, #tpu.memory_space<hbm>>) dst(%dma_wait3A_60 : memref<20x128xi32, #tpu.memory_space<vmem>>)
      tpu.yield
    }) : () -> ()
    %run_scoped3A_2 = arith.constant 0 : i32
    %run_scoped3A_3 = arith.constant 0 : i32
    "tpu.region"() ({
      %run_scoped3A_32 = tpu.sem_alloc : memref<!tpu.dma_semaphore, #tpu.memory_space<semaphore_mem>>
      %dma_start3A_33 = arith.constant 0 : i32
      %dma_start3A_34 = arith.constant 0 : i32
      %dma_start3A_35 = tpu.memref_slice %arg9[%run_scoped3A_3, %dma_start3A_33, %dma_start3A_34] : memref<2x20x128xi32, #tpu.memory_space<vmem>> -> memref<1x20x128xi32, #tpu.memory_space<vmem>>
      %dma_start3A_36 = tpu.memref_squeeze %dma_start3A_35 : memref<1x20x128xi32, #tpu.memory_space<vmem>> -> memref<20x128xi32, #tpu.memory_space<vmem>>
      %dma_start3A_37 = arith.constant 0 : i32
      %dma_start3A_38 = arith.constant 0 : i32
      %dma_start3A_39 = tpu.memref_slice %arg4[%arg0, %arg1, %run_scoped3A_2, %dma_start3A_37, %dma_start3A_38] : memref<2x16x4x20x128xi32, #tpu.memory_space<hbm>> -> memref<1x1x1x20x128xi32, #tpu.memory_space<hbm>>
      %dma_start3A_40 = tpu.memref_squeeze %dma_start3A_39 : memref<1x1x1x20x128xi32, #tpu.memory_space<hbm>> -> memref<20x128xi32, #tpu.memory_space<hbm>>
      %dma_start3A_41 = arith.constant 0 : i32
      %dma_start3A_42 = arith.constant 0 : i32
      %dma_start3A_43 = tpu.memref_slice %arg9[%run_scoped3A_3, %dma_start3A_41, %dma_start3A_42] : memref<2x20x128xi32, #tpu.memory_space<vmem>> -> memref<1x20x128xi32, #tpu.memory_space<vmem>>
      %dma_start3A_44 = tpu.memref_squeeze %dma_start3A_43 : memref<1x20x128xi32, #tpu.memory_space<vmem>> -> memref<20x128xi32, #tpu.memory_space<vmem>>
      %dma_start3A_45 = arith.constant 0 : i32
      %dma_start3A_46 = arith.constant 0 : i32
      %dma_start3A_47 = tpu.memref_slice %arg4[%arg0, %arg1, %run_scoped3A_2, %dma_start3A_45, %dma_start3A_46] : memref<2x16x4x20x128xi32, #tpu.memory_space<hbm>> -> memref<1x1x1x20x128xi32, #tpu.memory_space<hbm>>
      %dma_start3A_48 = tpu.memref_squeeze %dma_start3A_47 : memref<1x1x1x20x128xi32, #tpu.memory_space<hbm>> -> memref<20x128xi32, #tpu.memory_space<hbm>>
      tpu.enqueue_dma source(%dma_start3A_48 : memref<20x128xi32, #tpu.memory_space<hbm>>) target(%dma_start3A_44 : memref<20x128xi32, #tpu.memory_space<vmem>>) target_semaphore(%run_scoped3A_32 : memref<!tpu.dma_semaphore, #tpu.memory_space<semaphore_mem>>)
      %dma_wait3A_49 = arith.constant 0 : i32
      %dma_wait3A_50 = arith.constant 0 : i32
      %dma_wait3A_51 = tpu.memref_slice %arg9[%run_scoped3A_3, %dma_wait3A_49, %dma_wait3A_50] : memref<2x20x128xi32, #tpu.memory_space<vmem>> -> memref<1x20x128xi32, #tpu.memory_space<vmem>>
      %dma_wait3A_52 = tpu.memref_squeeze %dma_wait3A_51 : memref<1x20x128xi32, #tpu.memory_space<vmem>> -> memref<20x128xi32, #tpu.memory_space<vmem>>
      %dma_wait3A_53 = arith.constant 0 : i32
      %dma_wait3A_54 = arith.constant 0 : i32
      %dma_wait3A_55 = tpu.memref_slice %arg4[%arg0, %arg1, %run_scoped3A_2, %dma_wait3A_53, %dma_wait3A_54] : memref<2x16x4x20x128xi32, #tpu.memory_space<hbm>> -> memref<1x1x1x20x128xi32, #tpu.memory_space<hbm>>
      %dma_wait3A_56 = tpu.memref_squeeze %dma_wait3A_55 : memref<1x1x1x20x128xi32, #tpu.memory_space<hbm>> -> memref<20x128xi32, #tpu.memory_space<hbm>>
      %dma_wait3A_57 = arith.constant 0 : i32
      %dma_wait3A_58 = arith.constant 0 : i32
      %dma_wait3A_59 = tpu.memref_slice %arg9[%run_scoped3A_3, %dma_wait3A_57, %dma_wait3A_58] : memref<2x20x128xi32, #tpu.memory_space<vmem>> -> memref<1x20x128xi32, #tpu.memory_space<vmem>>
      %dma_wait3A_60 = tpu.memref_squeeze %dma_wait3A_59 : memref<1x20x128xi32, #tpu.memory_space<vmem>> -> memref<20x128xi32, #tpu.memory_space<vmem>>
      %dma_wait3A_61 = arith.constant 0 : i32
      %dma_wait3A_62 = arith.constant 0 : i32
      %dma_wait3A_63 = tpu.memref_slice %arg4[%arg0, %arg1, %run_scoped3A_2, %dma_wait3A_61, %dma_wait3A_62] : memref<2x16x4x20x128xi32, #tpu.memory_space<hbm>> -> memref<1x1x1x20x128xi32, #tpu.memory_space<hbm>>
      %dma_wait3A_64 = tpu.memref_squeeze %dma_wait3A_63 : memref<1x1x1x20x128xi32, #tpu.memory_space<hbm>> -> memref<20x128xi32, #tpu.memory_space<hbm>>
      tpu.wait_dma2 semaphore(%run_scoped3A_32 : memref<!tpu.dma_semaphore, #tpu.memory_space<semaphore_mem>>) src(%dma_wait3A_64 : memref<20x128xi32, #tpu.memory_space<hbm>>) dst(%dma_wait3A_60 : memref<20x128xi32, #tpu.memory_space<vmem>>)
      tpu.yield
    }) : () -> ()
    %dma_start3A = arith.constant 0 : i32
    %dma_start3A_4 = arith.constant 0 : i32
    %dma_start3A_5 = arith.constant 0 : i32
    %dma_start3A_6 = tpu.memref_slice %arg8[%dma_start3A, %dma_start3A_4, %dma_start3A_5] : memref<2x20x128xi32, #tpu.memory_space<vmem>> -> memref<1x1x128xi32, #tpu.memory_space<vmem>>
    %dma_start3A_7 = tpu.memref_squeeze %dma_start3A_6 : memref<1x1x128xi32, #tpu.memory_space<vmem>> -> memref<128xi32, #tpu.memory_space<vmem>>
    %dma_start3A_8 = arith.constant 0 : i32
    %dma_start3A_9 = arith.constant 0 : i32
    %dma_start3A_10 = tpu.memref_slice %arg2[%dma_start3A_8, %dma_start3A_9] : memref<10000x128xf32, #tpu.memory_space<hbm>> -> memref<10000x128xf32, #tpu.memory_space<hbm>>
    tpu.enqueue_indirect_dma source(%dma_start3A_10 : memref<10000x128xf32, #tpu.memory_space<hbm>>) target(%arg10 : memref<128x128xf32, #tpu.memory_space<vmem>>) offsets(%dma_start3A_7 : memref<128xi32, #tpu.memory_space<vmem>>) semaphore(%arg12 : memref<!tpu.dma_semaphore, #tpu.memory_space<semaphore_mem>>)
    %dma_start3A_11 = arith.constant 0 : i32
    %dma_start3A_12 = arith.constant 1 : i32
    %dma_start3A_13 = arith.constant 0 : i32
    %dma_start3A_14 = tpu.memref_slice %arg8[%dma_start3A_11, %dma_start3A_12, %dma_start3A_13] : memref<2x20x128xi32, #tpu.memory_space<vmem>> -> memref<1x1x128xi32, #tpu.memory_space<vmem>>
    %dma_start3A_15 = tpu.memref_squeeze %dma_start3A_14 : memref<1x1x128xi32, #tpu.memory_space<vmem>> -> memref<128xi32, #tpu.memory_space<vmem>>
    %dma_start3A_16 = arith.constant 0 : i32
    %dma_start3A_17 = arith.constant 0 : i32
    %dma_start3A_18 = tpu.memref_slice %arg2[%dma_start3A_16, %dma_start3A_17] : memref<10000x128xf32, #tpu.memory_space<hbm>> -> memref<10000x128xf32, #tpu.memory_space<hbm>>
    tpu.enqueue_indirect_dma source(%dma_start3A_18 : memref<10000x128xf32, #tpu.memory_space<hbm>>) target(%arg11 : memref<128x128xf32, #tpu.memory_space<vmem>>) offsets(%dma_start3A_15 : memref<128xi32, #tpu.memory_space<vmem>>) semaphore(%arg13 : memref<!tpu.dma_semaphore, #tpu.memory_space<semaphore_mem>>)
    "tpu.region"() ({
      %run_scoped3A_32 = tpu.sem_alloc : memref<!tpu.dma_semaphore, #tpu.memory_space<semaphore_mem>>
      %dma_start3A_33 = arith.constant 0 : i32
      %dma_start3A_34 = tpu.memref_slice %arg7[%mul3A_0, %dma_start3A_33] : memref<10240x128xf32, #tpu.memory_space<vmem_shared>> -> memref<640x128xf32, #tpu.memory_space<vmem_shared>>
      %dma_start3A_35 = arith.constant 0 : i32
      %dma_start3A_36 = tpu.memref_slice %arg5[%mul3A_0, %dma_start3A_35] : memref<10240x128xf32, #tpu.memory_space<hbm>> -> memref<640x128xf32, #tpu.memory_space<hbm>>
      tpu.enqueue_dma source(%dma_start3A_36 : memref<640x128xf32, #tpu.memory_space<hbm>>) target(%dma_start3A_34 : memref<640x128xf32, #tpu.memory_space<vmem_shared>>) target_semaphore(%run_scoped3A_32 : memref<!tpu.dma_semaphore, #tpu.memory_space<semaphore_mem>>)
      %dma_wait3A_37 = arith.constant 0 : i32
      %dma_wait3A_38 = tpu.memref_slice %arg7[%mul3A_0, %dma_wait3A_37] : memref<10240x128xf32, #tpu.memory_space<vmem_shared>> -> memref<640x128xf32, #tpu.memory_space<vmem_shared>>
      %dma_wait3A_39 = arith.constant 0 : i32
      %dma_wait3A_40 = tpu.memref_slice %arg5[%mul3A_0, %dma_wait3A_39] : memref<10240x128xf32, #tpu.memory_space<hbm>> -> memref<640x128xf32, #tpu.memory_space<hbm>>
      tpu.wait_dma2 semaphore(%run_scoped3A_32 : memref<!tpu.dma_semaphore, #tpu.memory_space<semaphore_mem>>) src(%dma_wait3A_40 : memref<640x128xf32, #tpu.memory_space<hbm>>) dst(%dma_wait3A_38 : memref<640x128xf32, #tpu.memory_space<vmem_shared>>)
      tpu.yield
    }) : () -> ()
    %barrier3A = arith.constant 0 : index
    tpu.barrier barrier_id(%barrier3A)
    %scan3A = arith.constant 0 : i32
    %scan3A_19 = arith.constant 0 : i32
    %scan3A_20 = arith.constant 40 : i32
    %scan3A_21 = arith.addi %scan3A_19, %scan3A_20 : i32
    %scan3A_22 = arith.constant 1 : i32
    scf.for %scan3A_32 = %scan3A_19 to %scan3A_21 step %scan3A_22  : i32 {
      %jit3A = arith.constant 10 : i32
      %div3A = arith.divsi %scan3A_32, %jit3A : i32
      %sign3A = arith.constant 0 : i32
      %sign3A_33 = arith.cmpi sgt, %scan3A_32, %sign3A : i32
      %sign3A_34 = arith.extui %sign3A_33 : i1 to i32
      %sign3A_35 = arith.constant 0 : i32
      %sign3A_36 = arith.cmpi slt, %scan3A_32, %sign3A_35 : i32
      %sign3A_37 = arith.extui %sign3A_36 : i1 to i32
      %sign3A_38 = arith.subi %sign3A_34, %sign3A_37 : i32
      %sign3A_39 = arith.constant 0 : i32
      %sign3A_40 = arith.cmpi sgt, %jit3A, %sign3A_39 : i32
      %sign3A_41 = arith.extui %sign3A_40 : i1 to i32
      %sign3A_42 = arith.constant 0 : i32
      %sign3A_43 = arith.cmpi slt, %jit3A, %sign3A_42 : i32
      %sign3A_44 = arith.extui %sign3A_43 : i1 to i32
      %sign3A_45 = arith.subi %sign3A_41, %sign3A_44 : i32
      %ne3A = arith.cmpi ne, %sign3A_38, %sign3A_45 : i32
      %rem3A = arith.remsi %scan3A_32, %jit3A : i32
      %ne3A_46 = arith.constant 0 : i32
      %ne3A_47 = arith.cmpi ne, %rem3A, %ne3A_46 : i32
      %and3A = arith.andi %ne3A, %ne3A_47 : i1
      %sub3A = arith.constant 1 : i32
      %sub3A_48 = arith.subi %div3A, %sub3A : i32
      %select_n3A = arith.select %and3A, %sub3A_48, %div3A : i32
      %rem3A_49 = arith.constant 2 : i32
      %rem3A_50 = arith.remsi %select_n3A, %rem3A_49 : i32
      %rem3A_51 = arith.constant 10 : i32
      %rem3A_52 = arith.remsi %scan3A_32, %rem3A_51 : i32
      %mul3A_53 = arith.constant 2 : i32
      %mul3A_54 = arith.muli %mul3A_53, %rem3A_52 : i32
      %gt3A = arith.constant 0 : i32
      %gt3A_55 = arith.cmpi sgt, %scan3A_32, %gt3A : i32
      %convert_element_type3A = arith.extui %gt3A_55 : i1 to i32
      %cond3A = arith.constant 0 : i32
      %cond3A_56 = arith.cmpi ne, %convert_element_type3A, %cond3A : i32
      scf.if %cond3A_56 {
        %dma_wait3A_150 = arith.constant 0 : i32
        %dma_wait3A_151 = arith.constant 0 : i32
        %dma_wait3A_152 = arith.constant 0 : i32
        %dma_wait3A_153 = tpu.memref_slice %arg9[%dma_wait3A_150, %dma_wait3A_151, %dma_wait3A_152] : memref<2x20x128xi32, #tpu.memory_space<vmem>> -> memref<1x1x128xi32, #tpu.memory_space<vmem>>
        %dma_wait3A_154 = tpu.memref_squeeze %dma_wait3A_153 : memref<1x1x128xi32, #tpu.memory_space<vmem>> -> memref<128xi32, #tpu.memory_space<vmem>>
        %dma_wait3A_155 = arith.constant 0 : i32
        %dma_wait3A_156 = arith.constant 0 : i32
        %dma_wait3A_157 = tpu.memref_slice %arg7[%dma_wait3A_155, %dma_wait3A_156] : memref<10240x128xf32, #tpu.memory_space<vmem_shared>> -> memref<10240x128xf32, #tpu.memory_space<vmem_shared>>
        tpu.wait_indirect_dma semaphore(%arg15 : memref<!tpu.dma_semaphore, #tpu.memory_space<semaphore_mem>>) src(%arg11 : memref<128x128xf32, #tpu.memory_space<vmem>>) dst(%dma_wait3A_157 : memref<10240x128xf32, #tpu.memory_space<vmem_shared>>)
        %add3A_158 = arith.constant 1 : i32
        %add3A_159 = arith.addi %mul3A_54, %add3A_158 : i32
        %dma_start3A_160 = arith.constant 0 : i32
        %dma_start3A_161 = tpu.memref_slice %arg8[%rem3A_50, %add3A_159, %dma_start3A_160] : memref<2x20x128xi32, #tpu.memory_space<vmem>> -> memref<1x1x128xi32, #tpu.memory_space<vmem>>
        %dma_start3A_162 = tpu.memref_squeeze %dma_start3A_161 : memref<1x1x128xi32, #tpu.memory_space<vmem>> -> memref<128xi32, #tpu.memory_space<vmem>>
        %dma_start3A_163 = arith.constant 0 : i32
        %dma_start3A_164 = arith.constant 0 : i32
        %dma_start3A_165 = tpu.memref_slice %arg2[%dma_start3A_163, %dma_start3A_164] : memref<10000x128xf32, #tpu.memory_space<hbm>> -> memref<10000x128xf32, #tpu.memory_space<hbm>>
        tpu.enqueue_indirect_dma source(%dma_start3A_165 : memref<10000x128xf32, #tpu.memory_space<hbm>>) target(%arg11 : memref<128x128xf32, #tpu.memory_space<vmem>>) offsets(%dma_start3A_162 : memref<128xi32, #tpu.memory_space<vmem>>) semaphore(%arg13 : memref<!tpu.dma_semaphore, #tpu.memory_space<semaphore_mem>>)
      } else {
      }
      %rem3A_57 = arith.constant 10 : i32
      %rem3A_58 = arith.remsi %scan3A_32, %rem3A_57 : i32
      %eq3A = arith.constant 0 : i32
      %eq3A_59 = arith.cmpi eq, %rem3A_58, %eq3A : i32
      %lt3A = arith.constant 30 : i32
      %lt3A_60 = arith.cmpi slt, %scan3A_32, %lt3A : i32
      %and3A_61 = arith.andi %eq3A_59, %lt3A_60 : i1
      %convert_element_type3A_62 = arith.extui %and3A_61 : i1 to i32
      %cond3A_63 = arith.constant 0 : i32
      %cond3A_64 = arith.cmpi ne, %convert_element_type3A_62, %cond3A_63 : i32
      scf.if %cond3A_64 {
        %add3A_150 = arith.constant 1 : i32
        %add3A_151 = arith.addi %select_n3A, %add3A_150 : i32
        %rem3A_152 = arith.constant 2 : i32
        %rem3A_153 = arith.remsi %add3A_151, %rem3A_152 : i32
        %add3A_154 = arith.constant 1 : i32
        %add3A_155 = arith.addi %select_n3A, %add3A_154 : i32
        %dma_start3A_156 = arith.constant 0 : i32
        %dma_start3A_157 = arith.constant 0 : i32
        %dma_start3A_158 = tpu.memref_slice %arg8[%rem3A_153, %dma_start3A_156, %dma_start3A_157] : memref<2x20x128xi32, #tpu.memory_space<vmem>> -> memref<1x20x128xi32, #tpu.memory_space<vmem>>
        %dma_start3A_159 = tpu.memref_squeeze %dma_start3A_158 : memref<1x20x128xi32, #tpu.memory_space<vmem>> -> memref<20x128xi32, #tpu.memory_space<vmem>>
        %dma_start3A_160 = arith.constant 0 : i32
        %dma_start3A_161 = arith.constant 0 : i32
        %dma_start3A_162 = tpu.memref_slice %arg3[%arg0, %arg1, %add3A_155, %dma_start3A_160, %dma_start3A_161] : memref<2x16x4x20x128xi32, #tpu.memory_space<hbm>> -> memref<1x1x1x20x128xi32, #tpu.memory_space<hbm>>
        %dma_start3A_163 = tpu.memref_squeeze %dma_start3A_162 : memref<1x1x1x20x128xi32, #tpu.memory_space<hbm>> -> memref<20x128xi32, #tpu.memory_space<hbm>>
        %dma_start3A_164 = arith.constant 0 : i32
        %dma_start3A_165 = arith.constant 0 : i32
        %dma_start3A_166 = tpu.memref_slice %arg8[%rem3A_153, %dma_start3A_164, %dma_start3A_165] : memref<2x20x128xi32, #tpu.memory_space<vmem>> -> memref<1x20x128xi32, #tpu.memory_space<vmem>>
        %dma_start3A_167 = tpu.memref_squeeze %dma_start3A_166 : memref<1x20x128xi32, #tpu.memory_space<vmem>> -> memref<20x128xi32, #tpu.memory_space<vmem>>
        %dma_start3A_168 = arith.constant 0 : i32
        %dma_start3A_169 = arith.constant 0 : i32
        %dma_start3A_170 = tpu.memref_slice %arg3[%arg0, %arg1, %add3A_155, %dma_start3A_168, %dma_start3A_169] : memref<2x16x4x20x128xi32, #tpu.memory_space<hbm>> -> memref<1x1x1x20x128xi32, #tpu.memory_space<hbm>>
        %dma_start3A_171 = tpu.memref_squeeze %dma_start3A_170 : memref<1x1x1x20x128xi32, #tpu.memory_space<hbm>> -> memref<20x128xi32, #tpu.memory_space<hbm>>
        tpu.enqueue_dma source(%dma_start3A_171 : memref<20x128xi32, #tpu.memory_space<hbm>>) target(%dma_start3A_167 : memref<20x128xi32, #tpu.memory_space<vmem>>) target_semaphore(%arg16 : memref<!tpu.dma_semaphore, #tpu.memory_space<semaphore_mem>>)
        %add3A_172 = arith.constant 1 : i32
        %add3A_173 = arith.addi %select_n3A, %add3A_172 : i32
        %dma_start3A_174 = arith.constant 0 : i32
        %dma_start3A_175 = arith.constant 0 : i32
        %dma_start3A_176 = tpu.memref_slice %arg9[%rem3A_153, %dma_start3A_174, %dma_start3A_175] : memref<2x20x128xi32, #tpu.memory_space<vmem>> -> memref<1x20x128xi32, #tpu.memory_space<vmem>>
        %dma_start3A_177 = tpu.memref_squeeze %dma_start3A_176 : memref<1x20x128xi32, #tpu.memory_space<vmem>> -> memref<20x128xi32, #tpu.memory_space<vmem>>
        %dma_start3A_178 = arith.constant 0 : i32
        %dma_start3A_179 = arith.constant 0 : i32
        %dma_start3A_180 = tpu.memref_slice %arg4[%arg0, %arg1, %add3A_173, %dma_start3A_178, %dma_start3A_179] : memref<2x16x4x20x128xi32, #tpu.memory_space<hbm>> -> memref<1x1x1x20x128xi32, #tpu.memory_space<hbm>>
        %dma_start3A_181 = tpu.memref_squeeze %dma_start3A_180 : memref<1x1x1x20x128xi32, #tpu.memory_space<hbm>> -> memref<20x128xi32, #tpu.memory_space<hbm>>
        %dma_start3A_182 = arith.constant 0 : i32
        %dma_start3A_183 = arith.constant 0 : i32
        %dma_start3A_184 = tpu.memref_slice %arg9[%rem3A_153, %dma_start3A_182, %dma_start3A_183] : memref<2x20x128xi32, #tpu.memory_space<vmem>> -> memref<1x20x128xi32, #tpu.memory_space<vmem>>
        %dma_start3A_185 = tpu.memref_squeeze %dma_start3A_184 : memref<1x20x128xi32, #tpu.memory_space<vmem>> -> memref<20x128xi32, #tpu.memory_space<vmem>>
        %dma_start3A_186 = arith.constant 0 : i32
        %dma_start3A_187 = arith.constant 0 : i32
        %dma_start3A_188 = tpu.memref_slice %arg4[%arg0, %arg1, %add3A_173, %dma_start3A_186, %dma_start3A_187] : memref<2x16x4x20x128xi32, #tpu.memory_space<hbm>> -> memref<1x1x1x20x128xi32, #tpu.memory_space<hbm>>
        %dma_start3A_189 = tpu.memref_squeeze %dma_start3A_188 : memref<1x1x1x20x128xi32, #tpu.memory_space<hbm>> -> memref<20x128xi32, #tpu.memory_space<hbm>>
        tpu.enqueue_dma source(%dma_start3A_189 : memref<20x128xi32, #tpu.memory_space<hbm>>) target(%dma_start3A_185 : memref<20x128xi32, #tpu.memory_space<vmem>>) target_semaphore(%arg17 : memref<!tpu.dma_semaphore, #tpu.memory_space<semaphore_mem>>)
      } else {
      }
      %dma_wait3A_65 = arith.constant 0 : i32
      %dma_wait3A_66 = arith.constant 0 : i32
      %dma_wait3A_67 = arith.constant 0 : i32
      %dma_wait3A_68 = tpu.memref_slice %arg8[%dma_wait3A_65, %dma_wait3A_66, %dma_wait3A_67] : memref<2x20x128xi32, #tpu.memory_space<vmem>> -> memref<1x1x128xi32, #tpu.memory_space<vmem>>
      %dma_wait3A_69 = tpu.memref_squeeze %dma_wait3A_68 : memref<1x1x128xi32, #tpu.memory_space<vmem>> -> memref<128xi32, #tpu.memory_space<vmem>>
      %dma_wait3A_70 = arith.constant 0 : i32
      %dma_wait3A_71 = arith.constant 0 : i32
      %dma_wait3A_72 = tpu.memref_slice %arg2[%dma_wait3A_70, %dma_wait3A_71] : memref<10000x128xf32, #tpu.memory_space<hbm>> -> memref<10000x128xf32, #tpu.memory_space<hbm>>
      tpu.wait_indirect_dma semaphore(%arg12 : memref<!tpu.dma_semaphore, #tpu.memory_space<semaphore_mem>>) src(%dma_wait3A_72 : memref<10000x128xf32, #tpu.memory_space<hbm>>) dst(%arg10 : memref<128x128xf32, #tpu.memory_space<vmem>>)
      %dma_start3A_73 = arith.constant 0 : i32
      %dma_start3A_74 = tpu.memref_slice %arg9[%rem3A_50, %mul3A_54, %dma_start3A_73] : memref<2x20x128xi32, #tpu.memory_space<vmem>> -> memref<1x1x128xi32, #tpu.memory_space<vmem>>
      %dma_start3A_75 = tpu.memref_squeeze %dma_start3A_74 : memref<1x1x128xi32, #tpu.memory_space<vmem>> -> memref<128xi32, #tpu.memory_space<vmem>>
      %dma_start3A_76 = arith.constant 0 : i32
      %dma_start3A_77 = arith.constant 0 : i32
      %dma_start3A_78 = tpu.memref_slice %arg7[%dma_start3A_76, %dma_start3A_77] : memref<10240x128xf32, #tpu.memory_space<vmem_shared>> -> memref<10240x128xf32, #tpu.memory_space<vmem_shared>>
      tpu.enqueue_indirect_dma source(%arg10 : memref<128x128xf32, #tpu.memory_space<vmem>>) target(%dma_start3A_78 : memref<10240x128xf32, #tpu.memory_space<vmem_shared>>) offsets(%dma_start3A_75 : memref<128xi32, #tpu.memory_space<vmem>>) semaphore(%arg14 : memref<!tpu.dma_semaphore, #tpu.memory_space<semaphore_mem>>) {add = true}
      %rem3A_79 = arith.constant 10 : i32
      %rem3A_80 = arith.remsi %scan3A_32, %rem3A_79 : i32
      %eq3A_81 = arith.constant 9 : i32
      %eq3A_82 = arith.cmpi eq, %rem3A_80, %eq3A_81 : i32
      %lt3A_83 = arith.constant 30 : i32
      %lt3A_84 = arith.cmpi slt, %scan3A_32, %lt3A_83 : i32
      %and3A_85 = arith.andi %eq3A_82, %lt3A_84 : i1
      %convert_element_type3A_86 = arith.extui %and3A_85 : i1 to i32
      %cond3A_87 = arith.constant 0 : i32
      %cond3A_88 = arith.cmpi ne, %convert_element_type3A_86, %cond3A_87 : i32
      scf.if %cond3A_88 {
        %dma_wait3A_150 = arith.constant 0 : i32
        %dma_wait3A_151 = arith.constant 0 : i32
        %dma_wait3A_152 = arith.constant 0 : i32
        %dma_wait3A_153 = arith.constant 0 : i32
        %dma_wait3A_154 = tpu.memref_slice %arg8[%dma_wait3A_151, %dma_wait3A_152, %dma_wait3A_153] : memref<2x20x128xi32, #tpu.memory_space<vmem>> -> memref<1x20x128xi32, #tpu.memory_space<vmem>>
        %dma_wait3A_155 = tpu.memref_squeeze %dma_wait3A_154 : memref<1x20x128xi32, #tpu.memory_space<vmem>> -> memref<20x128xi32, #tpu.memory_space<vmem>>
        %dma_wait3A_156 = arith.constant 0 : i32
        %dma_wait3A_157 = arith.constant 0 : i32
        %dma_wait3A_158 = tpu.memref_slice %arg3[%arg0, %arg1, %dma_wait3A_150, %dma_wait3A_156, %dma_wait3A_157] : memref<2x16x4x20x128xi32, #tpu.memory_space<hbm>> -> memref<1x1x1x20x128xi32, #tpu.memory_space<hbm>>
        %dma_wait3A_159 = tpu.memref_squeeze %dma_wait3A_158 : memref<1x1x1x20x128xi32, #tpu.memory_space<hbm>> -> memref<20x128xi32, #tpu.memory_space<hbm>>
        %dma_wait3A_160 = arith.constant 0 : i32
        %dma_wait3A_161 = arith.constant 0 : i32
        %dma_wait3A_162 = tpu.memref_slice %arg8[%dma_wait3A_151, %dma_wait3A_160, %dma_wait3A_161] : memref<2x20x128xi32, #tpu.memory_space<vmem>> -> memref<1x20x128xi32, #tpu.memory_space<vmem>>
        %dma_wait3A_163 = tpu.memref_squeeze %dma_wait3A_162 : memref<1x20x128xi32, #tpu.memory_space<vmem>> -> memref<20x128xi32, #tpu.memory_space<vmem>>
        %dma_wait3A_164 = arith.constant 0 : i32
        %dma_wait3A_165 = arith.constant 0 : i32
        %dma_wait3A_166 = tpu.memref_slice %arg3[%arg0, %arg1, %dma_wait3A_150, %dma_wait3A_164, %dma_wait3A_165] : memref<2x16x4x20x128xi32, #tpu.memory_space<hbm>> -> memref<1x1x1x20x128xi32, #tpu.memory_space<hbm>>
        %dma_wait3A_167 = tpu.memref_squeeze %dma_wait3A_166 : memref<1x1x1x20x128xi32, #tpu.memory_space<hbm>> -> memref<20x128xi32, #tpu.memory_space<hbm>>
        tpu.wait_dma2 semaphore(%arg16 : memref<!tpu.dma_semaphore, #tpu.memory_space<semaphore_mem>>) src(%dma_wait3A_167 : memref<20x128xi32, #tpu.memory_space<hbm>>) dst(%dma_wait3A_163 : memref<20x128xi32, #tpu.memory_space<vmem>>)
        %dma_wait3A_168 = arith.constant 0 : i32
        %dma_wait3A_169 = arith.constant 0 : i32
        %dma_wait3A_170 = arith.constant 0 : i32
        %dma_wait3A_171 = arith.constant 0 : i32
        %dma_wait3A_172 = tpu.memref_slice %arg9[%dma_wait3A_169, %dma_wait3A_170, %dma_wait3A_171] : memref<2x20x128xi32, #tpu.memory_space<vmem>> -> memref<1x20x128xi32, #tpu.memory_space<vmem>>
        %dma_wait3A_173 = tpu.memref_squeeze %dma_wait3A_172 : memref<1x20x128xi32, #tpu.memory_space<vmem>> -> memref<20x128xi32, #tpu.memory_space<vmem>>
        %dma_wait3A_174 = arith.constant 0 : i32
        %dma_wait3A_175 = arith.constant 0 : i32
        %dma_wait3A_176 = tpu.memref_slice %arg4[%arg0, %arg1, %dma_wait3A_168, %dma_wait3A_174, %dma_wait3A_175] : memref<2x16x4x20x128xi32, #tpu.memory_space<hbm>> -> memref<1x1x1x20x128xi32, #tpu.memory_space<hbm>>
        %dma_wait3A_177 = tpu.memref_squeeze %dma_wait3A_176 : memref<1x1x1x20x128xi32, #tpu.memory_space<hbm>> -> memref<20x128xi32, #tpu.memory_space<hbm>>
        %dma_wait3A_178 = arith.constant 0 : i32
        %dma_wait3A_179 = arith.constant 0 : i32
        %dma_wait3A_180 = tpu.memref_slice %arg9[%dma_wait3A_169, %dma_wait3A_178, %dma_wait3A_179] : memref<2x20x128xi32, #tpu.memory_space<vmem>> -> memref<1x20x128xi32, #tpu.memory_space<vmem>>
        %dma_wait3A_181 = tpu.memref_squeeze %dma_wait3A_180 : memref<1x20x128xi32, #tpu.memory_space<vmem>> -> memref<20x128xi32, #tpu.memory_space<vmem>>
        %dma_wait3A_182 = arith.constant 0 : i32
        %dma_wait3A_183 = arith.constant 0 : i32
        %dma_wait3A_184 = tpu.memref_slice %arg4[%arg0, %arg1, %dma_wait3A_168, %dma_wait3A_182, %dma_wait3A_183] : memref<2x16x4x20x128xi32, #tpu.memory_space<hbm>> -> memref<1x1x1x20x128xi32, #tpu.memory_space<hbm>>
        %dma_wait3A_185 = tpu.memref_squeeze %dma_wait3A_184 : memref<1x1x1x20x128xi32, #tpu.memory_space<hbm>> -> memref<20x128xi32, #tpu.memory_space<hbm>>
        tpu.wait_dma2 semaphore(%arg17 : memref<!tpu.dma_semaphore, #tpu.memory_space<semaphore_mem>>) src(%dma_wait3A_185 : memref<20x128xi32, #tpu.memory_space<hbm>>) dst(%dma_wait3A_181 : memref<20x128xi32, #tpu.memory_space<vmem>>)
      } else {
      }
      %mul3A_89 = arith.constant 2 : i32
      %mul3A_90 = arith.muli %mul3A_89, %scan3A_32 : i32
      %add3A = arith.constant 2 : i32
      %add3A_91 = arith.addi %mul3A_90, %add3A : i32
      %jit3A_92 = arith.constant 20 : i32
      %div3A_93 = arith.divsi %add3A_91, %jit3A_92 : i32
      %sign3A_94 = arith.constant 0 : i32
      %sign3A_95 = arith.cmpi sgt, %add3A_91, %sign3A_94 : i32
      %sign3A_96 = arith.extui %sign3A_95 : i1 to i32
      %sign3A_97 = arith.constant 0 : i32
      %sign3A_98 = arith.cmpi slt, %add3A_91, %sign3A_97 : i32
      %sign3A_99 = arith.extui %sign3A_98 : i1 to i32
      %sign3A_100 = arith.subi %sign3A_96, %sign3A_99 : i32
      %sign3A_101 = arith.constant 0 : i32
      %sign3A_102 = arith.cmpi sgt, %jit3A_92, %sign3A_101 : i32
      %sign3A_103 = arith.extui %sign3A_102 : i1 to i32
      %sign3A_104 = arith.constant 0 : i32
      %sign3A_105 = arith.cmpi slt, %jit3A_92, %sign3A_104 : i32
      %sign3A_106 = arith.extui %sign3A_105 : i1 to i32
      %sign3A_107 = arith.subi %sign3A_103, %sign3A_106 : i32
      %ne3A_108 = arith.cmpi ne, %sign3A_100, %sign3A_107 : i32
      %rem3A_109 = arith.remsi %add3A_91, %jit3A_92 : i32
      %ne3A_110 = arith.constant 0 : i32
      %ne3A_111 = arith.cmpi ne, %rem3A_109, %ne3A_110 : i32
      %and3A_112 = arith.andi %ne3A_108, %ne3A_111 : i1
      %sub3A_113 = arith.constant 1 : i32
      %sub3A_114 = arith.subi %div3A_93, %sub3A_113 : i32
      %select_n3A_115 = arith.select %and3A_112, %sub3A_114, %div3A_93 : i32
      %rem3A_116 = arith.constant 2 : i32
      %rem3A_117 = arith.remsi %select_n3A_115, %rem3A_116 : i32
      %mul3A_118 = arith.constant 20 : i32
      %mul3A_119 = arith.muli %select_n3A_115, %mul3A_118 : i32
      %sub3A_120 = arith.subi %add3A_91, %mul3A_119 : i32
      %dma_wait3A_121 = arith.constant 0 : i32
      %dma_wait3A_122 = arith.constant 0 : i32
      %dma_wait3A_123 = arith.constant 0 : i32
      %dma_wait3A_124 = tpu.memref_slice %arg9[%dma_wait3A_121, %dma_wait3A_122, %dma_wait3A_123] : memref<2x20x128xi32, #tpu.memory_space<vmem>> -> memref<1x1x128xi32, #tpu.memory_space<vmem>>
      %dma_wait3A_125 = tpu.memref_squeeze %dma_wait3A_124 : memref<1x1x128xi32, #tpu.memory_space<vmem>> -> memref<128xi32, #tpu.memory_space<vmem>>
      %dma_wait3A_126 = arith.constant 0 : i32
      %dma_wait3A_127 = arith.constant 0 : i32
      %dma_wait3A_128 = tpu.memref_slice %arg7[%dma_wait3A_126, %dma_wait3A_127] : memref<10240x128xf32, #tpu.memory_space<vmem_shared>> -> memref<10240x128xf32, #tpu.memory_space<vmem_shared>>
      tpu.wait_indirect_dma semaphore(%arg14 : memref<!tpu.dma_semaphore, #tpu.memory_space<semaphore_mem>>) src(%arg10 : memref<128x128xf32, #tpu.memory_space<vmem>>) dst(%dma_wait3A_128 : memref<10240x128xf32, #tpu.memory_space<vmem_shared>>)
      %lt3A_129 = arith.constant 39 : i32
      %lt3A_130 = arith.cmpi slt, %scan3A_32, %lt3A_129 : i32
      %convert_element_type3A_131 = arith.extui %lt3A_130 : i1 to i32
      %cond3A_132 = arith.constant 0 : i32
      %cond3A_133 = arith.cmpi ne, %convert_element_type3A_131, %cond3A_132 : i32
      scf.if %cond3A_133 {
        %dma_start3A_150 = arith.constant 0 : i32
        %dma_start3A_151 = tpu.memref_slice %arg8[%rem3A_117, %sub3A_120, %dma_start3A_150] : memref<2x20x128xi32, #tpu.memory_space<vmem>> -> memref<1x1x128xi32, #tpu.memory_space<vmem>>
        %dma_start3A_152 = tpu.memref_squeeze %dma_start3A_151 : memref<1x1x128xi32, #tpu.memory_space<vmem>> -> memref<128xi32, #tpu.memory_space<vmem>>
        %dma_start3A_153 = arith.constant 0 : i32
        %dma_start3A_154 = arith.constant 0 : i32
        %dma_start3A_155 = tpu.memref_slice %arg2[%dma_start3A_153, %dma_start3A_154] : memref<10000x128xf32, #tpu.memory_space<hbm>> -> memref<10000x128xf32, #tpu.memory_space<hbm>>
        tpu.enqueue_indirect_dma source(%dma_start3A_155 : memref<10000x128xf32, #tpu.memory_space<hbm>>) target(%arg10 : memref<128x128xf32, #tpu.memory_space<vmem>>) offsets(%dma_start3A_152 : memref<128xi32, #tpu.memory_space<vmem>>) semaphore(%arg12 : memref<!tpu.dma_semaphore, #tpu.memory_space<semaphore_mem>>)
      } else {
      }
      %dma_wait3A_134 = arith.constant 0 : i32
      %dma_wait3A_135 = arith.constant 0 : i32
      %dma_wait3A_136 = arith.constant 0 : i32
      %dma_wait3A_137 = tpu.memref_slice %arg8[%dma_wait3A_134, %dma_wait3A_135, %dma_wait3A_136] : memref<2x20x128xi32, #tpu.memory_space<vmem>> -> memref<1x1x128xi32, #tpu.memory_space<vmem>>
      %dma_wait3A_138 = tpu.memref_squeeze %dma_wait3A_137 : memref<1x1x128xi32, #tpu.memory_space<vmem>> -> memref<128xi32, #tpu.memory_space<vmem>>
      %dma_wait3A_139 = arith.constant 0 : i32
      %dma_wait3A_140 = arith.constant 0 : i32
      %dma_wait3A_141 = tpu.memref_slice %arg2[%dma_wait3A_139, %dma_wait3A_140] : memref<10000x128xf32, #tpu.memory_space<hbm>> -> memref<10000x128xf32, #tpu.memory_space<hbm>>
      tpu.wait_indirect_dma semaphore(%arg13 : memref<!tpu.dma_semaphore, #tpu.memory_space<semaphore_mem>>) src(%dma_wait3A_141 : memref<10000x128xf32, #tpu.memory_space<hbm>>) dst(%arg11 : memref<128x128xf32, #tpu.memory_space<vmem>>)
      %add3A_142 = arith.constant 1 : i32
      %add3A_143 = arith.addi %mul3A_54, %add3A_142 : i32
      %dma_start3A_144 = arith.constant 0 : i32
      %dma_start3A_145 = tpu.memref_slice %arg9[%rem3A_50, %add3A_143, %dma_start3A_144] : memref<2x20x128xi32, #tpu.memory_space<vmem>> -> memref<1x1x128xi32, #tpu.memory_space<vmem>>
      %dma_start3A_146 = tpu.memref_squeeze %dma_start3A_145 : memref<1x1x128xi32, #tpu.memory_space<vmem>> -> memref<128xi32, #tpu.memory_space<vmem>>
      %dma_start3A_147 = arith.constant 0 : i32
      %dma_start3A_148 = arith.constant 0 : i32
      %dma_start3A_149 = tpu.memref_slice %arg7[%dma_start3A_147, %dma_start3A_148] : memref<10240x128xf32, #tpu.memory_space<vmem_shared>> -> memref<10240x128xf32, #tpu.memory_space<vmem_shared>>
      tpu.enqueue_indirect_dma source(%arg11 : memref<128x128xf32, #tpu.memory_space<vmem>>) target(%dma_start3A_149 : memref<10240x128xf32, #tpu.memory_space<vmem_shared>>) offsets(%dma_start3A_146 : memref<128xi32, #tpu.memory_space<vmem>>) semaphore(%arg15 : memref<!tpu.dma_semaphore, #tpu.memory_space<semaphore_mem>>) {add = true}
    }
    %scan3A_23 = arith.constant 40 : i32
    %dma_wait3A = arith.constant 0 : i32
    %dma_wait3A_24 = arith.constant 0 : i32
    %dma_wait3A_25 = arith.constant 0 : i32
    %dma_wait3A_26 = tpu.memref_slice %arg9[%dma_wait3A, %dma_wait3A_24, %dma_wait3A_25] : memref<2x20x128xi32, #tpu.memory_space<vmem>> -> memref<1x1x128xi32, #tpu.memory_space<vmem>>
    %dma_wait3A_27 = tpu.memref_squeeze %dma_wait3A_26 : memref<1x1x128xi32, #tpu.memory_space<vmem>> -> memref<128xi32, #tpu.memory_space<vmem>>
    %dma_wait3A_28 = arith.constant 0 : i32
    %dma_wait3A_29 = arith.constant 0 : i32
    %dma_wait3A_30 = tpu.memref_slice %arg7[%dma_wait3A_28, %dma_wait3A_29] : memref<10240x128xf32, #tpu.memory_space<vmem_shared>> -> memref<10240x128xf32, #tpu.memory_space<vmem_shared>>
    tpu.wait_indirect_dma semaphore(%arg15 : memref<!tpu.dma_semaphore, #tpu.memory_space<semaphore_mem>>) src(%arg11 : memref<128x128xf32, #tpu.memory_space<vmem>>) dst(%dma_wait3A_30 : memref<10240x128xf32, #tpu.memory_space<vmem_shared>>)
    %barrier3A_31 = arith.constant 0 : index
    tpu.barrier barrier_id(%barrier3A_31)
    "tpu.region"() ({
      %run_scoped3A_32 = tpu.sem_alloc : memref<!tpu.dma_semaphore, #tpu.memory_space<semaphore_mem>>
      %dma_start3A_33 = arith.constant 0 : i32
      %dma_start3A_34 = tpu.memref_slice %arg6[%arg0, %mul3A_0, %dma_start3A_33] : memref<2x10240x128xf32, #tpu.memory_space<hbm>> -> memref<1x640x128xf32, #tpu.memory_space<hbm>>
      %dma_start3A_35 = tpu.memref_squeeze %dma_start3A_34 : memref<1x640x128xf32, #tpu.memory_space<hbm>> -> memref<640x128xf32, #tpu.memory_space<hbm>>
      %dma_start3A_36 = arith.constant 0 : i32
      %dma_start3A_37 = tpu.memref_slice %arg7[%mul3A_0, %dma_start3A_36] : memref<10240x128xf32, #tpu.memory_space<vmem_shared>> -> memref<640x128xf32, #tpu.memory_space<vmem_shared>>
      tpu.enqueue_dma source(%dma_start3A_37 : memref<640x128xf32, #tpu.memory_space<vmem_shared>>) target(%dma_start3A_35 : memref<640x128xf32, #tpu.memory_space<hbm>>) target_semaphore(%run_scoped3A_32 : memref<!tpu.dma_semaphore, #tpu.memory_space<semaphore_mem>>)
      %dma_wait3A_38 = arith.constant 0 : i32
      %dma_wait3A_39 = tpu.memref_slice %arg6[%arg0, %mul3A_0, %dma_wait3A_38] : memref<2x10240x128xf32, #tpu.memory_space<hbm>> -> memref<1x640x128xf32, #tpu.memory_space<hbm>>
      %dma_wait3A_40 = tpu.memref_squeeze %dma_wait3A_39 : memref<1x640x128xf32, #tpu.memory_space<hbm>> -> memref<640x128xf32, #tpu.memory_space<hbm>>
      %dma_wait3A_41 = arith.constant 0 : i32
      %dma_wait3A_42 = tpu.memref_slice %arg7[%mul3A_0, %dma_wait3A_41] : memref<10240x128xf32, #tpu.memory_space<vmem_shared>> -> memref<640x128xf32, #tpu.memory_space<vmem_shared>>
      tpu.wait_dma2 semaphore(%run_scoped3A_32 : memref<!tpu.dma_semaphore, #tpu.memory_space<semaphore_mem>>) src(%dma_wait3A_42 : memref<640x128xf32, #tpu.memory_space<vmem_shared>>) dst(%dma_wait3A_40 : memref<640x128xf32, #tpu.memory_space<hbm>>)
      tpu.yield
    }) : () -> ()
    return
  }
}

#map = affine_map<(d0, d1) -> (0, 0)>
#map1 = affine_map<(d0, d1) -> (0, 0, 0, 0, 0)>
#map2 = affine_map<(d0, d1) -> (0, 0, 0)>
module attributes {stable_mosaic.version = 14 : i64} {
  func.func @_agg_body(%arg0: i32, %arg1: i32, %arg2: memref<10000x128xf32, #tpu.memory_space<hbm>>, %arg3: memref<2x16x4x20x128xi32, #tpu.memory_space<hbm>>, %arg4: memref<2x16x4x20x128xi32, #tpu.memory_space<hbm>>, %arg5: memref<10240x128xf32, #tpu.memory_space<hbm>>, %arg6: memref<2x10240x128xf32, #tpu.memory_space<hbm>>, %arg7: memref<10240x128xf32, #tpu.memory_space<vmem_shared>>, %arg8: memref<2x20x128xi32, #tpu.memory_space<vmem>>, %arg9: memref<2x20x128xi32, #tpu.memory_space<vmem>>, %arg10: memref<128x128xf32, #tpu.memory_space<vmem>>, %arg11: memref<128x128xf32, #tpu.memory_space<vmem>>, %arg12: memref<!tpu.dma_semaphore, #tpu.memory_space<semaphore_mem>>, %arg13: memref<!tpu.dma_semaphore, #tpu.memory_space<semaphore_mem>>, %arg14: memref<!tpu.dma_semaphore, #tpu.memory_space<semaphore_mem>>, %arg15: memref<!tpu.dma_semaphore, #tpu.memory_space<semaphore_mem>>, %arg16: memref<!tpu.dma_semaphore, #tpu.memory_space<semaphore_mem>>, %arg17: memref<!tpu.dma_semaphore, #tpu.memory_space<semaphore_mem>>) attributes {dimension_semantics = [#tpu.dimension_semantics<core_parallel>, #tpu.dimension_semantics<subcore_parallel>], iteration_bounds = array<i64: 2, 16>, scalar_prefetch = 0 : i64, scratch_operands = 11 : i64, tpu.core_type = #tpu.core_type<sc_vector_subcore>, window_params = [{transform_indices = #map}, {transform_indices = #map1}, {transform_indices = #map1}, {transform_indices = #map}, {transform_indices = #map2}]} {
    %mul3A = arith.constant 640 : i32
    %mul3A_0 = arith.muli %arg1, %mul3A : i32
    %run_scoped3A = arith.constant 0 : i32
    %run_scoped3A_1 = arith.constant 0 : i32
    "tpu.region"() ({
      %run_scoped3A_32 = tpu.sem_alloc : memref<!tpu.dma_semaphore, #tpu.memory_space<semaphore_mem>>
      %dma_start3A_33 = arith.constant 0 : i32
      %dma_start3A_34 = arith.constant 0 : i32
      %dma_start3A_35 = tpu.memref_slice %arg8[%run_scoped3A_1, %dma_start3A_33, %dma_start3A_34] : memref<2x20x128xi32, #tpu.memory_space<vmem>> -> memref<1x20x128xi32, #tpu.memory_space<vmem>>
      %dma_start3A_36 = tpu.memref_squeeze %dma_start3A_35 : memref<1x20x128xi32, #tpu.memory_space<vmem>> -> memref<20x128xi32, #tpu.memory_space<vmem>>
      %dma_start3A_37 = arith.constant 0 : i32
      %dma_start3A_38 = arith.constant 0 : i32
      %dma_start3A_39 = tpu.memref_slice %arg3[%arg0, %arg1, %run_scoped3A, %dma_start3A_37, %dma_start3A_38] : memref<2x16x4x20x128xi32, #tpu.memory_space<hbm>> -> memref<1x1x1x20x128xi32, #tpu.memory_space<hbm>>
      %dma_start3A_40 = tpu.memref_squeeze %dma_start3A_39 : memref<1x1x1x20x128xi32, #tpu.memory_space<hbm>> -> memref<20x128xi32, #tpu.memory_space<hbm>>
      %dma_start3A_41 = arith.constant 0 : i32
      %dma_start3A_42 = arith.constant 0 : i32
      %dma_start3A_43 = tpu.memref_slice %arg8[%run_scoped3A_1, %dma_start3A_41, %dma_start3A_42] : memref<2x20x128xi32, #tpu.memory_space<vmem>> -> memref<1x20x128xi32, #tpu.memory_space<vmem>>
      %dma_start3A_44 = tpu.memref_squeeze %dma_start3A_43 : memref<1x20x128xi32, #tpu.memory_space<vmem>> -> memref<20x128xi32, #tpu.memory_space<vmem>>
      %dma_start3A_45 = arith.constant 0 : i32
      %dma_start3A_46 = arith.constant 0 : i32
      %dma_start3A_47 = tpu.memref_slice %arg3[%arg0, %arg1, %run_scoped3A, %dma_start3A_45, %dma_start3A_46] : memref<2x16x4x20x128xi32, #tpu.memory_space<hbm>> -> memref<1x1x1x20x128xi32, #tpu.memory_space<hbm>>
      %dma_start3A_48 = tpu.memref_squeeze %dma_start3A_47 : memref<1x1x1x20x128xi32, #tpu.memory_space<hbm>> -> memref<20x128xi32, #tpu.memory_space<hbm>>
      tpu.enqueue_dma source(%dma_start3A_48 : memref<20x128xi32, #tpu.memory_space<hbm>>) target(%dma_start3A_44 : memref<20x128xi32, #tpu.memory_space<vmem>>) target_semaphore(%run_scoped3A_32 : memref<!tpu.dma_semaphore, #tpu.memory_space<semaphore_mem>>)
      %dma_wait3A_49 = arith.constant 0 : i32
      %dma_wait3A_50 = arith.constant 0 : i32
      %dma_wait3A_51 = tpu.memref_slice %arg8[%run_scoped3A_1, %dma_wait3A_49, %dma_wait3A_50] : memref<2x20x128xi32, #tpu.memory_space<vmem>> -> memref<1x20x128xi32, #tpu.memory_space<vmem>>
      %dma_wait3A_52 = tpu.memref_squeeze %dma_wait3A_51 : memref<1x20x128xi32, #tpu.memory_space<vmem>> -> memref<20x128xi32, #tpu.memory_space<vmem>>
      %dma_wait3A_53 = arith.constant 0 : i32
      %dma_wait3A_54 = arith.constant 0 : i32
      %dma_wait3A_55 = tpu.memref_slice %arg3[%arg0, %arg1, %run_scoped3A, %dma_wait3A_53, %dma_wait3A_54] : memref<2x16x4x20x128xi32, #tpu.memory_space<hbm>> -> memref<1x1x1x20x128xi32, #tpu.memory_space<hbm>>
      %dma_wait3A_56 = tpu.memref_squeeze %dma_wait3A_55 : memref<1x1x1x20x128xi32, #tpu.memory_space<hbm>> -> memref<20x128xi32, #tpu.memory_space<hbm>>
      %dma_wait3A_57 = arith.constant 0 : i32
      %dma_wait3A_58 = arith.constant 0 : i32
      %dma_wait3A_59 = tpu.memref_slice %arg8[%run_scoped3A_1, %dma_wait3A_57, %dma_wait3A_58] : memref<2x20x128xi32, #tpu.memory_space<vmem>> -> memref<1x20x128xi32, #tpu.memory_space<vmem>>
      %dma_wait3A_60 = tpu.memref_squeeze %dma_wait3A_59 : memref<1x20x128xi32, #tpu.memory_space<vmem>> -> memref<20x128xi32, #tpu.memory_space<vmem>>
      %dma_wait3A_61 = arith.constant 0 : i32
      %dma_wait3A_62 = arith.constant 0 : i32
      %dma_wait3A_63 = tpu.memref_slice %arg3[%arg0, %arg1, %run_scoped3A, %dma_wait3A_61, %dma_wait3A_62] : memref<2x16x4x20x128xi32, #tpu.memory_space<hbm>> -> memref<1x1x1x20x128xi32, #tpu.memory_space<hbm>>
      %dma_wait3A_64 = tpu.memref_squeeze %dma_wait3A_63 : memref<1x1x1x20x128xi32, #tpu.memory_space<hbm>> -> memref<20x128xi32, #tpu.memory_space<hbm>>
      tpu.wait_dma2 semaphore(%run_scoped3A_32 : memref<!tpu.dma_semaphore, #tpu.memory_space<semaphore_mem>>) src(%dma_wait3A_64 : memref<20x128xi32, #tpu.memory_space<hbm>>) dst(%dma_wait3A_60 : memref<20x128xi32, #tpu.memory_space<vmem>>)
      tpu.yield
    }) : () -> ()
    %run_scoped3A_2 = arith.constant 0 : i32
    %run_scoped3A_3 = arith.constant 0 : i32
    "tpu.region"() ({
      %run_scoped3A_32 = tpu.sem_alloc : memref<!tpu.dma_semaphore, #tpu.memory_space<semaphore_mem>>
      %dma_start3A_33 = arith.constant 0 : i32
      %dma_start3A_34 = arith.constant 0 : i32
      %dma_start3A_35 = tpu.memref_slice %arg9[%run_scoped3A_3, %dma_start3A_33, %dma_start3A_34] : memref<2x20x128xi32, #tpu.memory_space<vmem>> -> memref<1x20x128xi32, #tpu.memory_space<vmem>>
      %dma_start3A_36 = tpu.memref_squeeze %dma_start3A_35 : memref<1x20x128xi32, #tpu.memory_space<vmem>> -> memref<20x128xi32, #tpu.memory_space<vmem>>
      %dma_start3A_37 = arith.constant 0 : i32
      %dma_start3A_38 = arith.constant 0 : i32
      %dma_start3A_39 = tpu.memref_slice %arg4[%arg0, %arg1, %run_scoped3A_2, %dma_start3A_37, %dma_start3A_38] : memref<2x16x4x20x128xi32, #tpu.memory_space<hbm>> -> memref<1x1x1x20x128xi32, #tpu.memory_space<hbm>>
      %dma_start3A_40 = tpu.memref_squeeze %dma_start3A_39 : memref<1x1x1x20x128xi32, #tpu.memory_space<hbm>> -> memref<20x128xi32, #tpu.memory_space<hbm>>
      %dma_start3A_41 = arith.constant 0 : i32
      %dma_start3A_42 = arith.constant 0 : i32
      %dma_start3A_43 = tpu.memref_slice %arg9[%run_scoped3A_3, %dma_start3A_41, %dma_start3A_42] : memref<2x20x128xi32, #tpu.memory_space<vmem>> -> memref<1x20x128xi32, #tpu.memory_space<vmem>>
      %dma_start3A_44 = tpu.memref_squeeze %dma_start3A_43 : memref<1x20x128xi32, #tpu.memory_space<vmem>> -> memref<20x128xi32, #tpu.memory_space<vmem>>
      %dma_start3A_45 = arith.constant 0 : i32
      %dma_start3A_46 = arith.constant 0 : i32
      %dma_start3A_47 = tpu.memref_slice %arg4[%arg0, %arg1, %run_scoped3A_2, %dma_start3A_45, %dma_start3A_46] : memref<2x16x4x20x128xi32, #tpu.memory_space<hbm>> -> memref<1x1x1x20x128xi32, #tpu.memory_space<hbm>>
      %dma_start3A_48 = tpu.memref_squeeze %dma_start3A_47 : memref<1x1x1x20x128xi32, #tpu.memory_space<hbm>> -> memref<20x128xi32, #tpu.memory_space<hbm>>
      tpu.enqueue_dma source(%dma_start3A_48 : memref<20x128xi32, #tpu.memory_space<hbm>>) target(%dma_start3A_44 : memref<20x128xi32, #tpu.memory_space<vmem>>) target_semaphore(%run_scoped3A_32 : memref<!tpu.dma_semaphore, #tpu.memory_space<semaphore_mem>>)
      %dma_wait3A_49 = arith.constant 0 : i32
      %dma_wait3A_50 = arith.constant 0 : i32
      %dma_wait3A_51 = tpu.memref_slice %arg9[%run_scoped3A_3, %dma_wait3A_49, %dma_wait3A_50] : memref<2x20x128xi32, #tpu.memory_space<vmem>> -> memref<1x20x128xi32, #tpu.memory_space<vmem>>
      %dma_wait3A_52 = tpu.memref_squeeze %dma_wait3A_51 : memref<1x20x128xi32, #tpu.memory_space<vmem>> -> memref<20x128xi32, #tpu.memory_space<vmem>>
      %dma_wait3A_53 = arith.constant 0 : i32
      %dma_wait3A_54 = arith.constant 0 : i32
      %dma_wait3A_55 = tpu.memref_slice %arg4[%arg0, %arg1, %run_scoped3A_2, %dma_wait3A_53, %dma_wait3A_54] : memref<2x16x4x20x128xi32, #tpu.memory_space<hbm>> -> memref<1x1x1x20x128xi32, #tpu.memory_space<hbm>>
      %dma_wait3A_56 = tpu.memref_squeeze %dma_wait3A_55 : memref<1x1x1x20x128xi32, #tpu.memory_space<hbm>> -> memref<20x128xi32, #tpu.memory_space<hbm>>
      %dma_wait3A_57 = arith.constant 0 : i32
      %dma_wait3A_58 = arith.constant 0 : i32
      %dma_wait3A_59 = tpu.memref_slice %arg9[%run_scoped3A_3, %dma_wait3A_57, %dma_wait3A_58] : memref<2x20x128xi32, #tpu.memory_space<vmem>> -> memref<1x20x128xi32, #tpu.memory_space<vmem>>
      %dma_wait3A_60 = tpu.memref_squeeze %dma_wait3A_59 : memref<1x20x128xi32, #tpu.memory_space<vmem>> -> memref<20x128xi32, #tpu.memory_space<vmem>>
      %dma_wait3A_61 = arith.constant 0 : i32
      %dma_wait3A_62 = arith.constant 0 : i32
      %dma_wait3A_63 = tpu.memref_slice %arg4[%arg0, %arg1, %run_scoped3A_2, %dma_wait3A_61, %dma_wait3A_62] : memref<2x16x4x20x128xi32, #tpu.memory_space<hbm>> -> memref<1x1x1x20x128xi32, #tpu.memory_space<hbm>>
      %dma_wait3A_64 = tpu.memref_squeeze %dma_wait3A_63 : memref<1x1x1x20x128xi32, #tpu.memory_space<hbm>> -> memref<20x128xi32, #tpu.memory_space<hbm>>
      tpu.wait_dma2 semaphore(%run_scoped3A_32 : memref<!tpu.dma_semaphore, #tpu.memory_space<semaphore_mem>>) src(%dma_wait3A_64 : memref<20x128xi32, #tpu.memory_space<hbm>>) dst(%dma_wait3A_60 : memref<20x128xi32, #tpu.memory_space<vmem>>)
      tpu.yield
    }) : () -> ()
    %dma_start3A = arith.constant 0 : i32
    %dma_start3A_4 = arith.constant 0 : i32
    %dma_start3A_5 = arith.constant 0 : i32
    %dma_start3A_6 = tpu.memref_slice %arg8[%dma_start3A, %dma_start3A_4, %dma_start3A_5] : memref<2x20x128xi32, #tpu.memory_space<vmem>> -> memref<1x1x128xi32, #tpu.memory_space<vmem>>
    %dma_start3A_7 = tpu.memref_squeeze %dma_start3A_6 : memref<1x1x128xi32, #tpu.memory_space<vmem>> -> memref<128xi32, #tpu.memory_space<vmem>>
    %dma_start3A_8 = arith.constant 0 : i32
    %dma_start3A_9 = arith.constant 0 : i32
    %dma_start3A_10 = tpu.memref_slice %arg2[%dma_start3A_8, %dma_start3A_9] : memref<10000x128xf32, #tpu.memory_space<hbm>> -> memref<10000x128xf32, #tpu.memory_space<hbm>>
    tpu.enqueue_indirect_dma source(%dma_start3A_10 : memref<10000x128xf32, #tpu.memory_space<hbm>>) target(%arg10 : memref<128x128xf32, #tpu.memory_space<vmem>>) offsets(%dma_start3A_7 : memref<128xi32, #tpu.memory_space<vmem>>) semaphore(%arg12 : memref<!tpu.dma_semaphore, #tpu.memory_space<semaphore_mem>>)
    %dma_start3A_11 = arith.constant 0 : i32
    %dma_start3A_12 = arith.constant 1 : i32
    %dma_start3A_13 = arith.constant 0 : i32
    %dma_start3A_14 = tpu.memref_slice %arg8[%dma_start3A_11, %dma_start3A_12, %dma_start3A_13] : memref<2x20x128xi32, #tpu.memory_space<vmem>> -> memref<1x1x128xi32, #tpu.memory_space<vmem>>
    %dma_start3A_15 = tpu.memref_squeeze %dma_start3A_14 : memref<1x1x128xi32, #tpu.memory_space<vmem>> -> memref<128xi32, #tpu.memory_space<vmem>>
    %dma_start3A_16 = arith.constant 0 : i32
    %dma_start3A_17 = arith.constant 0 : i32
    %dma_start3A_18 = tpu.memref_slice %arg2[%dma_start3A_16, %dma_start3A_17] : memref<10000x128xf32, #tpu.memory_space<hbm>> -> memref<10000x128xf32, #tpu.memory_space<hbm>>
    tpu.enqueue_indirect_dma source(%dma_start3A_18 : memref<10000x128xf32, #tpu.memory_space<hbm>>) target(%arg11 : memref<128x128xf32, #tpu.memory_space<vmem>>) offsets(%dma_start3A_15 : memref<128xi32, #tpu.memory_space<vmem>>) semaphore(%arg13 : memref<!tpu.dma_semaphore, #tpu.memory_space<semaphore_mem>>)
    "tpu.region"() ({
      %run_scoped3A_32 = tpu.sem_alloc : memref<!tpu.dma_semaphore, #tpu.memory_space<semaphore_mem>>
      %dma_start3A_33 = arith.constant 0 : i32
      %dma_start3A_34 = tpu.memref_slice %arg7[%mul3A_0, %dma_start3A_33] : memref<10240x128xf32, #tpu.memory_space<vmem_shared>> -> memref<640x128xf32, #tpu.memory_space<vmem_shared>>
      %dma_start3A_35 = arith.constant 0 : i32
      %dma_start3A_36 = tpu.memref_slice %arg5[%mul3A_0, %dma_start3A_35] : memref<10240x128xf32, #tpu.memory_space<hbm>> -> memref<640x128xf32, #tpu.memory_space<hbm>>
      tpu.enqueue_dma source(%dma_start3A_36 : memref<640x128xf32, #tpu.memory_space<hbm>>) target(%dma_start3A_34 : memref<640x128xf32, #tpu.memory_space<vmem_shared>>) target_semaphore(%run_scoped3A_32 : memref<!tpu.dma_semaphore, #tpu.memory_space<semaphore_mem>>)
      %dma_wait3A_37 = arith.constant 0 : i32
      %dma_wait3A_38 = tpu.memref_slice %arg7[%mul3A_0, %dma_wait3A_37] : memref<10240x128xf32, #tpu.memory_space<vmem_shared>> -> memref<640x128xf32, #tpu.memory_space<vmem_shared>>
      %dma_wait3A_39 = arith.constant 0 : i32
      %dma_wait3A_40 = tpu.memref_slice %arg5[%mul3A_0, %dma_wait3A_39] : memref<10240x128xf32, #tpu.memory_space<hbm>> -> memref<640x128xf32, #tpu.memory_space<hbm>>
      tpu.wait_dma2 semaphore(%run_scoped3A_32 : memref<!tpu.dma_semaphore, #tpu.memory_space<semaphore_mem>>) src(%dma_wait3A_40 : memref<640x128xf32, #tpu.memory_space<hbm>>) dst(%dma_wait3A_38 : memref<640x128xf32, #tpu.memory_space<vmem_shared>>)
      tpu.yield
    }) : () -> ()
    %barrier3A = arith.constant 0 : index
    tpu.barrier barrier_id(%barrier3A)
    %scan3A = arith.constant 0 : i32
    %scan3A_19 = arith.constant 0 : i32
    %scan3A_20 = arith.constant 40 : i32
    %scan3A_21 = arith.addi %scan3A_19, %scan3A_20 : i32
    %scan3A_22 = arith.constant 1 : i32
    scf.for %scan3A_32 = %scan3A_19 to %scan3A_21 step %scan3A_22  : i32 {
      %jit3A = arith.constant 10 : i32
      %div3A = arith.divsi %scan3A_32, %jit3A : i32
      %sign3A = arith.constant 0 : i32
      %sign3A_33 = arith.cmpi sgt, %scan3A_32, %sign3A : i32
      %sign3A_34 = arith.extui %sign3A_33 : i1 to i32
      %sign3A_35 = arith.constant 0 : i32
      %sign3A_36 = arith.cmpi slt, %scan3A_32, %sign3A_35 : i32
      %sign3A_37 = arith.extui %sign3A_36 : i1 to i32
      %sign3A_38 = arith.subi %sign3A_34, %sign3A_37 : i32
      %sign3A_39 = arith.constant 0 : i32
      %sign3A_40 = arith.cmpi sgt, %jit3A, %sign3A_39 : i32
      %sign3A_41 = arith.extui %sign3A_40 : i1 to i32
      %sign3A_42 = arith.constant 0 : i32
      %sign3A_43 = arith.cmpi slt, %jit3A, %sign3A_42 : i32
      %sign3A_44 = arith.extui %sign3A_43 : i1 to i32
      %sign3A_45 = arith.subi %sign3A_41, %sign3A_44 : i32
      %ne3A = arith.cmpi ne, %sign3A_38, %sign3A_45 : i32
      %rem3A = arith.remsi %scan3A_32, %jit3A : i32
      %ne3A_46 = arith.constant 0 : i32
      %ne3A_47 = arith.cmpi ne, %rem3A, %ne3A_46 : i32
      %and3A = arith.andi %ne3A, %ne3A_47 : i1
      %sub3A = arith.constant 1 : i32
      %sub3A_48 = arith.subi %div3A, %sub3A : i32
      %select_n3A = arith.select %and3A, %sub3A_48, %div3A : i32
      %rem3A_49 = arith.constant 2 : i32
      %rem3A_50 = arith.remsi %select_n3A, %rem3A_49 : i32
      %rem3A_51 = arith.constant 10 : i32
      %rem3A_52 = arith.remsi %scan3A_32, %rem3A_51 : i32
      %mul3A_53 = arith.constant 2 : i32
      %mul3A_54 = arith.muli %mul3A_53, %rem3A_52 : i32
      %gt3A = arith.constant 0 : i32
      %gt3A_55 = arith.cmpi sgt, %scan3A_32, %gt3A : i32
      %convert_element_type3A = arith.extui %gt3A_55 : i1 to i32
      %cond3A = arith.constant 0 : i32
      %cond3A_56 = arith.cmpi ne, %convert_element_type3A, %cond3A : i32
      scf.if %cond3A_56 {
        %dma_wait3A_150 = arith.constant 0 : i32
        %dma_wait3A_151 = arith.constant 0 : i32
        %dma_wait3A_152 = arith.constant 0 : i32
        %dma_wait3A_153 = tpu.memref_slice %arg9[%dma_wait3A_150, %dma_wait3A_151, %dma_wait3A_152] : memref<2x20x128xi32, #tpu.memory_space<vmem>> -> memref<1x1x128xi32, #tpu.memory_space<vmem>>
        %dma_wait3A_154 = tpu.memref_squeeze %dma_wait3A_153 : memref<1x1x128xi32, #tpu.memory_space<vmem>> -> memref<128xi32, #tpu.memory_space<vmem>>
        %dma_wait3A_155 = arith.constant 0 : i32
        %dma_wait3A_156 = arith.constant 0 : i32
        %dma_wait3A_157 = tpu.memref_slice %arg7[%dma_wait3A_155, %dma_wait3A_156] : memref<10240x128xf32, #tpu.memory_space<vmem_shared>> -> memref<10240x128xf32, #tpu.memory_space<vmem_shared>>
        tpu.wait_indirect_dma semaphore(%arg15 : memref<!tpu.dma_semaphore, #tpu.memory_space<semaphore_mem>>) src(%arg11 : memref<128x128xf32, #tpu.memory_space<vmem>>) dst(%dma_wait3A_157 : memref<10240x128xf32, #tpu.memory_space<vmem_shared>>)
        %add3A_158 = arith.constant 1 : i32
        %add3A_159 = arith.addi %mul3A_54, %add3A_158 : i32
        %dma_start3A_160 = arith.constant 0 : i32
        %dma_start3A_161 = tpu.memref_slice %arg8[%rem3A_50, %add3A_159, %dma_start3A_160] : memref<2x20x128xi32, #tpu.memory_space<vmem>> -> memref<1x1x128xi32, #tpu.memory_space<vmem>>
        %dma_start3A_162 = tpu.memref_squeeze %dma_start3A_161 : memref<1x1x128xi32, #tpu.memory_space<vmem>> -> memref<128xi32, #tpu.memory_space<vmem>>
        %dma_start3A_163 = arith.constant 0 : i32
        %dma_start3A_164 = arith.constant 0 : i32
        %dma_start3A_165 = tpu.memref_slice %arg2[%dma_start3A_163, %dma_start3A_164] : memref<10000x128xf32, #tpu.memory_space<hbm>> -> memref<10000x128xf32, #tpu.memory_space<hbm>>
        tpu.enqueue_indirect_dma source(%dma_start3A_165 : memref<10000x128xf32, #tpu.memory_space<hbm>>) target(%arg11 : memref<128x128xf32, #tpu.memory_space<vmem>>) offsets(%dma_start3A_162 : memref<128xi32, #tpu.memory_space<vmem>>) semaphore(%arg13 : memref<!tpu.dma_semaphore, #tpu.memory_space<semaphore_mem>>)
      } else {
      }
      %rem3A_57 = arith.constant 10 : i32
      %rem3A_58 = arith.remsi %scan3A_32, %rem3A_57 : i32
      %eq3A = arith.constant 0 : i32
      %eq3A_59 = arith.cmpi eq, %rem3A_58, %eq3A : i32
      %lt3A = arith.constant 30 : i32
      %lt3A_60 = arith.cmpi slt, %scan3A_32, %lt3A : i32
      %and3A_61 = arith.andi %eq3A_59, %lt3A_60 : i1
      %convert_element_type3A_62 = arith.extui %and3A_61 : i1 to i32
      %cond3A_63 = arith.constant 0 : i32
      %cond3A_64 = arith.cmpi ne, %convert_element_type3A_62, %cond3A_63 : i32
      scf.if %cond3A_64 {
        %add3A_150 = arith.constant 1 : i32
        %add3A_151 = arith.addi %select_n3A, %add3A_150 : i32
        %rem3A_152 = arith.constant 2 : i32
        %rem3A_153 = arith.remsi %add3A_151, %rem3A_152 : i32
        %add3A_154 = arith.constant 1 : i32
        %add3A_155 = arith.addi %select_n3A, %add3A_154 : i32
        %dma_start3A_156 = arith.constant 0 : i32
        %dma_start3A_157 = arith.constant 0 : i32
        %dma_start3A_158 = tpu.memref_slice %arg8[%rem3A_153, %dma_start3A_156, %dma_start3A_157] : memref<2x20x128xi32, #tpu.memory_space<vmem>> -> memref<1x20x128xi32, #tpu.memory_space<vmem>>
        %dma_start3A_159 = tpu.memref_squeeze %dma_start3A_158 : memref<1x20x128xi32, #tpu.memory_space<vmem>> -> memref<20x128xi32, #tpu.memory_space<vmem>>
        %dma_start3A_160 = arith.constant 0 : i32
        %dma_start3A_161 = arith.constant 0 : i32
        %dma_start3A_162 = tpu.memref_slice %arg3[%arg0, %arg1, %add3A_155, %dma_start3A_160, %dma_start3A_161] : memref<2x16x4x20x128xi32, #tpu.memory_space<hbm>> -> memref<1x1x1x20x128xi32, #tpu.memory_space<hbm>>
        %dma_start3A_163 = tpu.memref_squeeze %dma_start3A_162 : memref<1x1x1x20x128xi32, #tpu.memory_space<hbm>> -> memref<20x128xi32, #tpu.memory_space<hbm>>
        %dma_start3A_164 = arith.constant 0 : i32
        %dma_start3A_165 = arith.constant 0 : i32
        %dma_start3A_166 = tpu.memref_slice %arg8[%rem3A_153, %dma_start3A_164, %dma_start3A_165] : memref<2x20x128xi32, #tpu.memory_space<vmem>> -> memref<1x20x128xi32, #tpu.memory_space<vmem>>
        %dma_start3A_167 = tpu.memref_squeeze %dma_start3A_166 : memref<1x20x128xi32, #tpu.memory_space<vmem>> -> memref<20x128xi32, #tpu.memory_space<vmem>>
        %dma_start3A_168 = arith.constant 0 : i32
        %dma_start3A_169 = arith.constant 0 : i32
        %dma_start3A_170 = tpu.memref_slice %arg3[%arg0, %arg1, %add3A_155, %dma_start3A_168, %dma_start3A_169] : memref<2x16x4x20x128xi32, #tpu.memory_space<hbm>> -> memref<1x1x1x20x128xi32, #tpu.memory_space<hbm>>
        %dma_start3A_171 = tpu.memref_squeeze %dma_start3A_170 : memref<1x1x1x20x128xi32, #tpu.memory_space<hbm>> -> memref<20x128xi32, #tpu.memory_space<hbm>>
        tpu.enqueue_dma source(%dma_start3A_171 : memref<20x128xi32, #tpu.memory_space<hbm>>) target(%dma_start3A_167 : memref<20x128xi32, #tpu.memory_space<vmem>>) target_semaphore(%arg16 : memref<!tpu.dma_semaphore, #tpu.memory_space<semaphore_mem>>)
        %add3A_172 = arith.constant 1 : i32
        %add3A_173 = arith.addi %select_n3A, %add3A_172 : i32
        %dma_start3A_174 = arith.constant 0 : i32
        %dma_start3A_175 = arith.constant 0 : i32
        %dma_start3A_176 = tpu.memref_slice %arg9[%rem3A_153, %dma_start3A_174, %dma_start3A_175] : memref<2x20x128xi32, #tpu.memory_space<vmem>> -> memref<1x20x128xi32, #tpu.memory_space<vmem>>
        %dma_start3A_177 = tpu.memref_squeeze %dma_start3A_176 : memref<1x20x128xi32, #tpu.memory_space<vmem>> -> memref<20x128xi32, #tpu.memory_space<vmem>>
        %dma_start3A_178 = arith.constant 0 : i32
        %dma_start3A_179 = arith.constant 0 : i32
        %dma_start3A_180 = tpu.memref_slice %arg4[%arg0, %arg1, %add3A_173, %dma_start3A_178, %dma_start3A_179] : memref<2x16x4x20x128xi32, #tpu.memory_space<hbm>> -> memref<1x1x1x20x128xi32, #tpu.memory_space<hbm>>
        %dma_start3A_181 = tpu.memref_squeeze %dma_start3A_180 : memref<1x1x1x20x128xi32, #tpu.memory_space<hbm>> -> memref<20x128xi32, #tpu.memory_space<hbm>>
        %dma_start3A_182 = arith.constant 0 : i32
        %dma_start3A_183 = arith.constant 0 : i32
        %dma_start3A_184 = tpu.memref_slice %arg9[%rem3A_153, %dma_start3A_182, %dma_start3A_183] : memref<2x20x128xi32, #tpu.memory_space<vmem>> -> memref<1x20x128xi32, #tpu.memory_space<vmem>>
        %dma_start3A_185 = tpu.memref_squeeze %dma_start3A_184 : memref<1x20x128xi32, #tpu.memory_space<vmem>> -> memref<20x128xi32, #tpu.memory_space<vmem>>
        %dma_start3A_186 = arith.constant 0 : i32
        %dma_start3A_187 = arith.constant 0 : i32
        %dma_start3A_188 = tpu.memref_slice %arg4[%arg0, %arg1, %add3A_173, %dma_start3A_186, %dma_start3A_187] : memref<2x16x4x20x128xi32, #tpu.memory_space<hbm>> -> memref<1x1x1x20x128xi32, #tpu.memory_space<hbm>>
        %dma_start3A_189 = tpu.memref_squeeze %dma_start3A_188 : memref<1x1x1x20x128xi32, #tpu.memory_space<hbm>> -> memref<20x128xi32, #tpu.memory_space<hbm>>
        tpu.enqueue_dma source(%dma_start3A_189 : memref<20x128xi32, #tpu.memory_space<hbm>>) target(%dma_start3A_185 : memref<20x128xi32, #tpu.memory_space<vmem>>) target_semaphore(%arg17 : memref<!tpu.dma_semaphore, #tpu.memory_space<semaphore_mem>>)
      } else {
      }
      %dma_wait3A_65 = arith.constant 0 : i32
      %dma_wait3A_66 = arith.constant 0 : i32
      %dma_wait3A_67 = arith.constant 0 : i32
      %dma_wait3A_68 = tpu.memref_slice %arg8[%dma_wait3A_65, %dma_wait3A_66, %dma_wait3A_67] : memref<2x20x128xi32, #tpu.memory_space<vmem>> -> memref<1x1x128xi32, #tpu.memory_space<vmem>>
      %dma_wait3A_69 = tpu.memref_squeeze %dma_wait3A_68 : memref<1x1x128xi32, #tpu.memory_space<vmem>> -> memref<128xi32, #tpu.memory_space<vmem>>
      %dma_wait3A_70 = arith.constant 0 : i32
      %dma_wait3A_71 = arith.constant 0 : i32
      %dma_wait3A_72 = tpu.memref_slice %arg2[%dma_wait3A_70, %dma_wait3A_71] : memref<10000x128xf32, #tpu.memory_space<hbm>> -> memref<10000x128xf32, #tpu.memory_space<hbm>>
      tpu.wait_indirect_dma semaphore(%arg12 : memref<!tpu.dma_semaphore, #tpu.memory_space<semaphore_mem>>) src(%dma_wait3A_72 : memref<10000x128xf32, #tpu.memory_space<hbm>>) dst(%arg10 : memref<128x128xf32, #tpu.memory_space<vmem>>)
      %dma_start3A_73 = arith.constant 0 : i32
      %dma_start3A_74 = tpu.memref_slice %arg9[%rem3A_50, %mul3A_54, %dma_start3A_73] : memref<2x20x128xi32, #tpu.memory_space<vmem>> -> memref<1x1x128xi32, #tpu.memory_space<vmem>>
      %dma_start3A_75 = tpu.memref_squeeze %dma_start3A_74 : memref<1x1x128xi32, #tpu.memory_space<vmem>> -> memref<128xi32, #tpu.memory_space<vmem>>
      %dma_start3A_76 = arith.constant 0 : i32
      %dma_start3A_77 = arith.constant 0 : i32
      %dma_start3A_78 = tpu.memref_slice %arg7[%dma_start3A_76, %dma_start3A_77] : memref<10240x128xf32, #tpu.memory_space<vmem_shared>> -> memref<10240x128xf32, #tpu.memory_space<vmem_shared>>
      tpu.enqueue_indirect_dma source(%arg10 : memref<128x128xf32, #tpu.memory_space<vmem>>) target(%dma_start3A_78 : memref<10240x128xf32, #tpu.memory_space<vmem_shared>>) offsets(%dma_start3A_75 : memref<128xi32, #tpu.memory_space<vmem>>) semaphore(%arg14 : memref<!tpu.dma_semaphore, #tpu.memory_space<semaphore_mem>>) {add = true}
      %rem3A_79 = arith.constant 10 : i32
      %rem3A_80 = arith.remsi %scan3A_32, %rem3A_79 : i32
      %eq3A_81 = arith.constant 9 : i32
      %eq3A_82 = arith.cmpi eq, %rem3A_80, %eq3A_81 : i32
      %lt3A_83 = arith.constant 30 : i32
      %lt3A_84 = arith.cmpi slt, %scan3A_32, %lt3A_83 : i32
      %and3A_85 = arith.andi %eq3A_82, %lt3A_84 : i1
      %convert_element_type3A_86 = arith.extui %and3A_85 : i1 to i32
      %cond3A_87 = arith.constant 0 : i32
      %cond3A_88 = arith.cmpi ne, %convert_element_type3A_86, %cond3A_87 : i32
      scf.if %cond3A_88 {
        %dma_wait3A_150 = arith.constant 0 : i32
        %dma_wait3A_151 = arith.constant 0 : i32
        %dma_wait3A_152 = arith.constant 0 : i32
        %dma_wait3A_153 = arith.constant 0 : i32
        %dma_wait3A_154 = tpu.memref_slice %arg8[%dma_wait3A_151, %dma_wait3A_152, %dma_wait3A_153] : memref<2x20x128xi32, #tpu.memory_space<vmem>> -> memref<1x20x128xi32, #tpu.memory_space<vmem>>
        %dma_wait3A_155 = tpu.memref_squeeze %dma_wait3A_154 : memref<1x20x128xi32, #tpu.memory_space<vmem>> -> memref<20x128xi32, #tpu.memory_space<vmem>>
        %dma_wait3A_156 = arith.constant 0 : i32
        %dma_wait3A_157 = arith.constant 0 : i32
        %dma_wait3A_158 = tpu.memref_slice %arg3[%arg0, %arg1, %dma_wait3A_150, %dma_wait3A_156, %dma_wait3A_157] : memref<2x16x4x20x128xi32, #tpu.memory_space<hbm>> -> memref<1x1x1x20x128xi32, #tpu.memory_space<hbm>>
        %dma_wait3A_159 = tpu.memref_squeeze %dma_wait3A_158 : memref<1x1x1x20x128xi32, #tpu.memory_space<hbm>> -> memref<20x128xi32, #tpu.memory_space<hbm>>
        %dma_wait3A_160 = arith.constant 0 : i32
        %dma_wait3A_161 = arith.constant 0 : i32
        %dma_wait3A_162 = tpu.memref_slice %arg8[%dma_wait3A_151, %dma_wait3A_160, %dma_wait3A_161] : memref<2x20x128xi32, #tpu.memory_space<vmem>> -> memref<1x20x128xi32, #tpu.memory_space<vmem>>
        %dma_wait3A_163 = tpu.memref_squeeze %dma_wait3A_162 : memref<1x20x128xi32, #tpu.memory_space<vmem>> -> memref<20x128xi32, #tpu.memory_space<vmem>>
        %dma_wait3A_164 = arith.constant 0 : i32
        %dma_wait3A_165 = arith.constant 0 : i32
        %dma_wait3A_166 = tpu.memref_slice %arg3[%arg0, %arg1, %dma_wait3A_150, %dma_wait3A_164, %dma_wait3A_165] : memref<2x16x4x20x128xi32, #tpu.memory_space<hbm>> -> memref<1x1x1x20x128xi32, #tpu.memory_space<hbm>>
        %dma_wait3A_167 = tpu.memref_squeeze %dma_wait3A_166 : memref<1x1x1x20x128xi32, #tpu.memory_space<hbm>> -> memref<20x128xi32, #tpu.memory_space<hbm>>
        tpu.wait_dma2 semaphore(%arg16 : memref<!tpu.dma_semaphore, #tpu.memory_space<semaphore_mem>>) src(%dma_wait3A_167 : memref<20x128xi32, #tpu.memory_space<hbm>>) dst(%dma_wait3A_163 : memref<20x128xi32, #tpu.memory_space<vmem>>)
        %dma_wait3A_168 = arith.constant 0 : i32
        %dma_wait3A_169 = arith.constant 0 : i32
        %dma_wait3A_170 = arith.constant 0 : i32
        %dma_wait3A_171 = arith.constant 0 : i32
        %dma_wait3A_172 = tpu.memref_slice %arg9[%dma_wait3A_169, %dma_wait3A_170, %dma_wait3A_171] : memref<2x20x128xi32, #tpu.memory_space<vmem>> -> memref<1x20x128xi32, #tpu.memory_space<vmem>>
        %dma_wait3A_173 = tpu.memref_squeeze %dma_wait3A_172 : memref<1x20x128xi32, #tpu.memory_space<vmem>> -> memref<20x128xi32, #tpu.memory_space<vmem>>
        %dma_wait3A_174 = arith.constant 0 : i32
        %dma_wait3A_175 = arith.constant 0 : i32
        %dma_wait3A_176 = tpu.memref_slice %arg4[%arg0, %arg1, %dma_wait3A_168, %dma_wait3A_174, %dma_wait3A_175] : memref<2x16x4x20x128xi32, #tpu.memory_space<hbm>> -> memref<1x1x1x20x128xi32, #tpu.memory_space<hbm>>
        %dma_wait3A_177 = tpu.memref_squeeze %dma_wait3A_176 : memref<1x1x1x20x128xi32, #tpu.memory_space<hbm>> -> memref<20x128xi32, #tpu.memory_space<hbm>>
        %dma_wait3A_178 = arith.constant 0 : i32
        %dma_wait3A_179 = arith.constant 0 : i32
        %dma_wait3A_180 = tpu.memref_slice %arg9[%dma_wait3A_169, %dma_wait3A_178, %dma_wait3A_179] : memref<2x20x128xi32, #tpu.memory_space<vmem>> -> memref<1x20x128xi32, #tpu.memory_space<vmem>>
        %dma_wait3A_181 = tpu.memref_squeeze %dma_wait3A_180 : memref<1x20x128xi32, #tpu.memory_space<vmem>> -> memref<20x128xi32, #tpu.memory_space<vmem>>
        %dma_wait3A_182 = arith.constant 0 : i32
        %dma_wait3A_183 = arith.constant 0 : i32
        %dma_wait3A_184 = tpu.memref_slice %arg4[%arg0, %arg1, %dma_wait3A_168, %dma_wait3A_182, %dma_wait3A_183] : memref<2x16x4x20x128xi32, #tpu.memory_space<hbm>> -> memref<1x1x1x20x128xi32, #tpu.memory_space<hbm>>
        %dma_wait3A_185 = tpu.memref_squeeze %dma_wait3A_184 : memref<1x1x1x20x128xi32, #tpu.memory_space<hbm>> -> memref<20x128xi32, #tpu.memory_space<hbm>>
        tpu.wait_dma2 semaphore(%arg17 : memref<!tpu.dma_semaphore, #tpu.memory_space<semaphore_mem>>) src(%dma_wait3A_185 : memref<20x128xi32, #tpu.memory_space<hbm>>) dst(%dma_wait3A_181 : memref<20x128xi32, #tpu.memory_space<vmem>>)
      } else {
      }
      %mul3A_89 = arith.constant 2 : i32
      %mul3A_90 = arith.muli %mul3A_89, %scan3A_32 : i32
      %add3A = arith.constant 2 : i32
      %add3A_91 = arith.addi %mul3A_90, %add3A : i32
      %jit3A_92 = arith.constant 20 : i32
      %div3A_93 = arith.divsi %add3A_91, %jit3A_92 : i32
      %sign3A_94 = arith.constant 0 : i32
      %sign3A_95 = arith.cmpi sgt, %add3A_91, %sign3A_94 : i32
      %sign3A_96 = arith.extui %sign3A_95 : i1 to i32
      %sign3A_97 = arith.constant 0 : i32
      %sign3A_98 = arith.cmpi slt, %add3A_91, %sign3A_97 : i32
      %sign3A_99 = arith.extui %sign3A_98 : i1 to i32
      %sign3A_100 = arith.subi %sign3A_96, %sign3A_99 : i32
      %sign3A_101 = arith.constant 0 : i32
      %sign3A_102 = arith.cmpi sgt, %jit3A_92, %sign3A_101 : i32
      %sign3A_103 = arith.extui %sign3A_102 : i1 to i32
      %sign3A_104 = arith.constant 0 : i32
      %sign3A_105 = arith.cmpi slt, %jit3A_92, %sign3A_104 : i32
      %sign3A_106 = arith.extui %sign3A_105 : i1 to i32
      %sign3A_107 = arith.subi %sign3A_103, %sign3A_106 : i32
      %ne3A_108 = arith.cmpi ne, %sign3A_100, %sign3A_107 : i32
      %rem3A_109 = arith.remsi %add3A_91, %jit3A_92 : i32
      %ne3A_110 = arith.constant 0 : i32
      %ne3A_111 = arith.cmpi ne, %rem3A_109, %ne3A_110 : i32
      %and3A_112 = arith.andi %ne3A_108, %ne3A_111 : i1
      %sub3A_113 = arith.constant 1 : i32
      %sub3A_114 = arith.subi %div3A_93, %sub3A_113 : i32
      %select_n3A_115 = arith.select %and3A_112, %sub3A_114, %div3A_93 : i32
      %rem3A_116 = arith.constant 2 : i32
      %rem3A_117 = arith.remsi %select_n3A_115, %rem3A_116 : i32
      %mul3A_118 = arith.constant 20 : i32
      %mul3A_119 = arith.muli %select_n3A_115, %mul3A_118 : i32
      %sub3A_120 = arith.subi %add3A_91, %mul3A_119 : i32
      %dma_wait3A_121 = arith.constant 0 : i32
      %dma_wait3A_122 = arith.constant 0 : i32
      %dma_wait3A_123 = arith.constant 0 : i32
      %dma_wait3A_124 = tpu.memref_slice %arg9[%dma_wait3A_121, %dma_wait3A_122, %dma_wait3A_123] : memref<2x20x128xi32, #tpu.memory_space<vmem>> -> memref<1x1x128xi32, #tpu.memory_space<vmem>>
      %dma_wait3A_125 = tpu.memref_squeeze %dma_wait3A_124 : memref<1x1x128xi32, #tpu.memory_space<vmem>> -> memref<128xi32, #tpu.memory_space<vmem>>
      %dma_wait3A_126 = arith.constant 0 : i32
      %dma_wait3A_127 = arith.constant 0 : i32
      %dma_wait3A_128 = tpu.memref_slice %arg7[%dma_wait3A_126, %dma_wait3A_127] : memref<10240x128xf32, #tpu.memory_space<vmem_shared>> -> memref<10240x128xf32, #tpu.memory_space<vmem_shared>>
      tpu.wait_indirect_dma semaphore(%arg14 : memref<!tpu.dma_semaphore, #tpu.memory_space<semaphore_mem>>) src(%arg10 : memref<128x128xf32, #tpu.memory_space<vmem>>) dst(%dma_wait3A_128 : memref<10240x128xf32, #tpu.memory_space<vmem_shared>>)
      %lt3A_129 = arith.constant 39 : i32
      %lt3A_130 = arith.cmpi slt, %scan3A_32, %lt3A_129 : i32
      %convert_element_type3A_131 = arith.extui %lt3A_130 : i1 to i32
      %cond3A_132 = arith.constant 0 : i32
      %cond3A_133 = arith.cmpi ne, %convert_element_type3A_131, %cond3A_132 : i32
      scf.if %cond3A_133 {
        %dma_start3A_150 = arith.constant 0 : i32
        %dma_start3A_151 = tpu.memref_slice %arg8[%rem3A_117, %sub3A_120, %dma_start3A_150] : memref<2x20x128xi32, #tpu.memory_space<vmem>> -> memref<1x1x128xi32, #tpu.memory_space<vmem>>
        %dma_start3A_152 = tpu.memref_squeeze %dma_start3A_151 : memref<1x1x128xi32, #tpu.memory_space<vmem>> -> memref<128xi32, #tpu.memory_space<vmem>>
        %dma_start3A_153 = arith.constant 0 : i32
        %dma_start3A_154 = arith.constant 0 : i32
        %dma_start3A_155 = tpu.memref_slice %arg2[%dma_start3A_153, %dma_start3A_154] : memref<10000x128xf32, #tpu.memory_space<hbm>> -> memref<10000x128xf32, #tpu.memory_space<hbm>>
        tpu.enqueue_indirect_dma source(%dma_start3A_155 : memref<10000x128xf32, #tpu.memory_space<hbm>>) target(%arg10 : memref<128x128xf32, #tpu.memory_space<vmem>>) offsets(%dma_start3A_152 : memref<128xi32, #tpu.memory_space<vmem>>) semaphore(%arg12 : memref<!tpu.dma_semaphore, #tpu.memory_space<semaphore_mem>>)
      } else {
      }
      %dma_wait3A_134 = arith.constant 0 : i32
      %dma_wait3A_135 = arith.constant 0 : i32
      %dma_wait3A_136 = arith.constant 0 : i32
      %dma_wait3A_137 = tpu.memref_slice %arg8[%dma_wait3A_134, %dma_wait3A_135, %dma_wait3A_136] : memref<2x20x128xi32, #tpu.memory_space<vmem>> -> memref<1x1x128xi32, #tpu.memory_space<vmem>>
      %dma_wait3A_138 = tpu.memref_squeeze %dma_wait3A_137 : memref<1x1x128xi32, #tpu.memory_space<vmem>> -> memref<128xi32, #tpu.memory_space<vmem>>
      %dma_wait3A_139 = arith.constant 0 : i32
      %dma_wait3A_140 = arith.constant 0 : i32
      %dma_wait3A_141 = tpu.memref_slice %arg2[%dma_wait3A_139, %dma_wait3A_140] : memref<10000x128xf32, #tpu.memory_space<hbm>> -> memref<10000x128xf32, #tpu.memory_space<hbm>>
      tpu.wait_indirect_dma semaphore(%arg13 : memref<!tpu.dma_semaphore, #tpu.memory_space<semaphore_mem>>) src(%dma_wait3A_141 : memref<10000x128xf32, #tpu.memory_space<hbm>>) dst(%arg11 : memref<128x128xf32, #tpu.memory_space<vmem>>)
      %add3A_142 = arith.constant 1 : i32
      %add3A_143 = arith.addi %mul3A_54, %add3A_142 : i32
      %dma_start3A_144 = arith.constant 0 : i32
      %dma_start3A_145 = tpu.memref_slice %arg9[%rem3A_50, %add3A_143, %dma_start3A_144] : memref<2x20x128xi32, #tpu.memory_space<vmem>> -> memref<1x1x128xi32, #tpu.memory_space<vmem>>
      %dma_start3A_146 = tpu.memref_squeeze %dma_start3A_145 : memref<1x1x128xi32, #tpu.memory_space<vmem>> -> memref<128xi32, #tpu.memory_space<vmem>>
      %dma_start3A_147 = arith.constant 0 : i32
      %dma_start3A_148 = arith.constant 0 : i32
      %dma_start3A_149 = tpu.memref_slice %arg7[%dma_start3A_147, %dma_start3A_148] : memref<10240x128xf32, #tpu.memory_space<vmem_shared>> -> memref<10240x128xf32, #tpu.memory_space<vmem_shared>>
      tpu.enqueue_indirect_dma source(%arg11 : memref<128x128xf32, #tpu.memory_space<vmem>>) target(%dma_start3A_149 : memref<10240x128xf32, #tpu.memory_space<vmem_shared>>) offsets(%dma_start3A_146 : memref<128xi32, #tpu.memory_space<vmem>>) semaphore(%arg15 : memref<!tpu.dma_semaphore, #tpu.memory_space<semaphore_mem>>) {add = true}
    }
    %scan3A_23 = arith.constant 40 : i32
    %dma_wait3A = arith.constant 0 : i32
    %dma_wait3A_24 = arith.constant 0 : i32
    %dma_wait3A_25 = arith.constant 0 : i32
    %dma_wait3A_26 = tpu.memref_slice %arg9[%dma_wait3A, %dma_wait3A_24, %dma_wait3A_25] : memref<2x20x128xi32, #tpu.memory_space<vmem>> -> memref<1x1x128xi32, #tpu.memory_space<vmem>>
    %dma_wait3A_27 = tpu.memref_squeeze %dma_wait3A_26 : memref<1x1x128xi32, #tpu.memory_space<vmem>> -> memref<128xi32, #tpu.memory_space<vmem>>
    %dma_wait3A_28 = arith.constant 0 : i32
    %dma_wait3A_29 = arith.constant 0 : i32
    %dma_wait3A_30 = tpu.memref_slice %arg7[%dma_wait3A_28, %dma_wait3A_29] : memref<10240x128xf32, #tpu.memory_space<vmem_shared>> -> memref<10240x128xf32, #tpu.memory_space<vmem_shared>>
    tpu.wait_indirect_dma semaphore(%arg15 : memref<!tpu.dma_semaphore, #tpu.memory_space<semaphore_mem>>) src(%arg11 : memref<128x128xf32, #tpu.memory_space<vmem>>) dst(%dma_wait3A_30 : memref<10240x128xf32, #tpu.memory_space<vmem_shared>>)
    %barrier3A_31 = arith.constant 0 : index
    tpu.barrier barrier_id(%barrier3A_31)
    "tpu.region"() ({
      %run_scoped3A_32 = tpu.sem_alloc : memref<!tpu.dma_semaphore, #tpu.memory_space<semaphore_mem>>
      %dma_start3A_33 = arith.constant 0 : i32
      %dma_start3A_34 = tpu.memref_slice %arg6[%arg0, %mul3A_0, %dma_start3A_33] : memref<2x10240x128xf32, #tpu.memory_space<hbm>> -> memref<1x640x128xf32, #tpu.memory_space<hbm>>
      %dma_start3A_35 = tpu.memref_squeeze %dma_start3A_34 : memref<1x640x128xf32, #tpu.memory_space<hbm>> -> memref<640x128xf32, #tpu.memory_space<hbm>>
      %dma_start3A_36 = arith.constant 0 : i32
      %dma_start3A_37 = tpu.memref_slice %arg7[%mul3A_0, %dma_start3A_36] : memref<10240x128xf32, #tpu.memory_space<vmem_shared>> -> memref<640x128xf32, #tpu.memory_space<vmem_shared>>
      tpu.enqueue_dma source(%dma_start3A_37 : memref<640x128xf32, #tpu.memory_space<vmem_shared>>) target(%dma_start3A_35 : memref<640x128xf32, #tpu.memory_space<hbm>>) target_semaphore(%run_scoped3A_32 : memref<!tpu.dma_semaphore, #tpu.memory_space<semaphore_mem>>)
      %dma_wait3A_38 = arith.constant 0 : i32
      %dma_wait3A_39 = tpu.memref_slice %arg6[%arg0, %mul3A_0, %dma_wait3A_38] : memref<2x10240x128xf32, #tpu.memory_space<hbm>> -> memref<1x640x128xf32, #tpu.memory_space<hbm>>
      %dma_wait3A_40 = tpu.memref_squeeze %dma_wait3A_39 : memref<1x640x128xf32, #tpu.memory_space<hbm>> -> memref<640x128xf32, #tpu.memory_space<hbm>>
      %dma_wait3A_41 = arith.constant 0 : i32
      %dma_wait3A_42 = tpu.memref_slice %arg7[%mul3A_0, %dma_wait3A_41] : memref<10240x128xf32, #tpu.memory_space<vmem_shared>> -> memref<640x128xf32, #tpu.memory_space<vmem_shared>>
      tpu.wait_dma2 semaphore(%run_scoped3A_32 : memref<!tpu.dma_semaphore, #tpu.memory_space<semaphore_mem>>) src(%dma_wait3A_42 : memref<640x128xf32, #tpu.memory_space<vmem_shared>>) dst(%dma_wait3A_40 : memref<640x128xf32, #tpu.memory_space<hbm>>)
      tpu.yield
    }) : () -> ()
    return
  }
}

#map = affine_map<(d0, d1) -> (0, 0)>
#map1 = affine_map<(d0, d1) -> (0, 0, 0, 0, 0)>
#map2 = affine_map<(d0, d1) -> (0, 0, 0)>
module attributes {stable_mosaic.version = 14 : i64} {
  func.func @_agg_body(%arg0: i32, %arg1: i32, %arg2: memref<10000x128xf32, #tpu.memory_space<hbm>>, %arg3: memref<2x16x4x20x128xi32, #tpu.memory_space<hbm>>, %arg4: memref<2x16x4x20x128xi32, #tpu.memory_space<hbm>>, %arg5: memref<10240x128xf32, #tpu.memory_space<hbm>>, %arg6: memref<2x10240x128xf32, #tpu.memory_space<hbm>>, %arg7: memref<10240x128xf32, #tpu.memory_space<vmem_shared>>, %arg8: memref<2x20x128xi32, #tpu.memory_space<vmem>>, %arg9: memref<2x20x128xi32, #tpu.memory_space<vmem>>, %arg10: memref<128x128xf32, #tpu.memory_space<vmem>>, %arg11: memref<128x128xf32, #tpu.memory_space<vmem>>, %arg12: memref<!tpu.dma_semaphore, #tpu.memory_space<semaphore_mem>>, %arg13: memref<!tpu.dma_semaphore, #tpu.memory_space<semaphore_mem>>, %arg14: memref<!tpu.dma_semaphore, #tpu.memory_space<semaphore_mem>>, %arg15: memref<!tpu.dma_semaphore, #tpu.memory_space<semaphore_mem>>, %arg16: memref<!tpu.dma_semaphore, #tpu.memory_space<semaphore_mem>>, %arg17: memref<!tpu.dma_semaphore, #tpu.memory_space<semaphore_mem>>) attributes {dimension_semantics = [#tpu.dimension_semantics<core_parallel>, #tpu.dimension_semantics<subcore_parallel>], iteration_bounds = array<i64: 2, 16>, scalar_prefetch = 0 : i64, scratch_operands = 11 : i64, tpu.core_type = #tpu.core_type<sc_vector_subcore>, window_params = [{transform_indices = #map}, {transform_indices = #map1}, {transform_indices = #map1}, {transform_indices = #map}, {transform_indices = #map2}]} {
    %mul3A = arith.constant 640 : i32
    %mul3A_0 = arith.muli %arg1, %mul3A : i32
    %run_scoped3A = arith.constant 0 : i32
    %run_scoped3A_1 = arith.constant 0 : i32
    "tpu.region"() ({
      %run_scoped3A_32 = tpu.sem_alloc : memref<!tpu.dma_semaphore, #tpu.memory_space<semaphore_mem>>
      %dma_start3A_33 = arith.constant 0 : i32
      %dma_start3A_34 = arith.constant 0 : i32
      %dma_start3A_35 = tpu.memref_slice %arg8[%run_scoped3A_1, %dma_start3A_33, %dma_start3A_34] : memref<2x20x128xi32, #tpu.memory_space<vmem>> -> memref<1x20x128xi32, #tpu.memory_space<vmem>>
      %dma_start3A_36 = tpu.memref_squeeze %dma_start3A_35 : memref<1x20x128xi32, #tpu.memory_space<vmem>> -> memref<20x128xi32, #tpu.memory_space<vmem>>
      %dma_start3A_37 = arith.constant 0 : i32
      %dma_start3A_38 = arith.constant 0 : i32
      %dma_start3A_39 = tpu.memref_slice %arg3[%arg0, %arg1, %run_scoped3A, %dma_start3A_37, %dma_start3A_38] : memref<2x16x4x20x128xi32, #tpu.memory_space<hbm>> -> memref<1x1x1x20x128xi32, #tpu.memory_space<hbm>>
      %dma_start3A_40 = tpu.memref_squeeze %dma_start3A_39 : memref<1x1x1x20x128xi32, #tpu.memory_space<hbm>> -> memref<20x128xi32, #tpu.memory_space<hbm>>
      %dma_start3A_41 = arith.constant 0 : i32
      %dma_start3A_42 = arith.constant 0 : i32
      %dma_start3A_43 = tpu.memref_slice %arg8[%run_scoped3A_1, %dma_start3A_41, %dma_start3A_42] : memref<2x20x128xi32, #tpu.memory_space<vmem>> -> memref<1x20x128xi32, #tpu.memory_space<vmem>>
      %dma_start3A_44 = tpu.memref_squeeze %dma_start3A_43 : memref<1x20x128xi32, #tpu.memory_space<vmem>> -> memref<20x128xi32, #tpu.memory_space<vmem>>
      %dma_start3A_45 = arith.constant 0 : i32
      %dma_start3A_46 = arith.constant 0 : i32
      %dma_start3A_47 = tpu.memref_slice %arg3[%arg0, %arg1, %run_scoped3A, %dma_start3A_45, %dma_start3A_46] : memref<2x16x4x20x128xi32, #tpu.memory_space<hbm>> -> memref<1x1x1x20x128xi32, #tpu.memory_space<hbm>>
      %dma_start3A_48 = tpu.memref_squeeze %dma_start3A_47 : memref<1x1x1x20x128xi32, #tpu.memory_space<hbm>> -> memref<20x128xi32, #tpu.memory_space<hbm>>
      tpu.enqueue_dma source(%dma_start3A_48 : memref<20x128xi32, #tpu.memory_space<hbm>>) target(%dma_start3A_44 : memref<20x128xi32, #tpu.memory_space<vmem>>) target_semaphore(%run_scoped3A_32 : memref<!tpu.dma_semaphore, #tpu.memory_space<semaphore_mem>>)
      %dma_wait3A_49 = arith.constant 0 : i32
      %dma_wait3A_50 = arith.constant 0 : i32
      %dma_wait3A_51 = tpu.memref_slice %arg8[%run_scoped3A_1, %dma_wait3A_49, %dma_wait3A_50] : memref<2x20x128xi32, #tpu.memory_space<vmem>> -> memref<1x20x128xi32, #tpu.memory_space<vmem>>
      %dma_wait3A_52 = tpu.memref_squeeze %dma_wait3A_51 : memref<1x20x128xi32, #tpu.memory_space<vmem>> -> memref<20x128xi32, #tpu.memory_space<vmem>>
      %dma_wait3A_53 = arith.constant 0 : i32
      %dma_wait3A_54 = arith.constant 0 : i32
      %dma_wait3A_55 = tpu.memref_slice %arg3[%arg0, %arg1, %run_scoped3A, %dma_wait3A_53, %dma_wait3A_54] : memref<2x16x4x20x128xi32, #tpu.memory_space<hbm>> -> memref<1x1x1x20x128xi32, #tpu.memory_space<hbm>>
      %dma_wait3A_56 = tpu.memref_squeeze %dma_wait3A_55 : memref<1x1x1x20x128xi32, #tpu.memory_space<hbm>> -> memref<20x128xi32, #tpu.memory_space<hbm>>
      %dma_wait3A_57 = arith.constant 0 : i32
      %dma_wait3A_58 = arith.constant 0 : i32
      %dma_wait3A_59 = tpu.memref_slice %arg8[%run_scoped3A_1, %dma_wait3A_57, %dma_wait3A_58] : memref<2x20x128xi32, #tpu.memory_space<vmem>> -> memref<1x20x128xi32, #tpu.memory_space<vmem>>
      %dma_wait3A_60 = tpu.memref_squeeze %dma_wait3A_59 : memref<1x20x128xi32, #tpu.memory_space<vmem>> -> memref<20x128xi32, #tpu.memory_space<vmem>>
      %dma_wait3A_61 = arith.constant 0 : i32
      %dma_wait3A_62 = arith.constant 0 : i32
      %dma_wait3A_63 = tpu.memref_slice %arg3[%arg0, %arg1, %run_scoped3A, %dma_wait3A_61, %dma_wait3A_62] : memref<2x16x4x20x128xi32, #tpu.memory_space<hbm>> -> memref<1x1x1x20x128xi32, #tpu.memory_space<hbm>>
      %dma_wait3A_64 = tpu.memref_squeeze %dma_wait3A_63 : memref<1x1x1x20x128xi32, #tpu.memory_space<hbm>> -> memref<20x128xi32, #tpu.memory_space<hbm>>
      tpu.wait_dma2 semaphore(%run_scoped3A_32 : memref<!tpu.dma_semaphore, #tpu.memory_space<semaphore_mem>>) src(%dma_wait3A_64 : memref<20x128xi32, #tpu.memory_space<hbm>>) dst(%dma_wait3A_60 : memref<20x128xi32, #tpu.memory_space<vmem>>)
      tpu.yield
    }) : () -> ()
    %run_scoped3A_2 = arith.constant 0 : i32
    %run_scoped3A_3 = arith.constant 0 : i32
    "tpu.region"() ({
      %run_scoped3A_32 = tpu.sem_alloc : memref<!tpu.dma_semaphore, #tpu.memory_space<semaphore_mem>>
      %dma_start3A_33 = arith.constant 0 : i32
      %dma_start3A_34 = arith.constant 0 : i32
      %dma_start3A_35 = tpu.memref_slice %arg9[%run_scoped3A_3, %dma_start3A_33, %dma_start3A_34] : memref<2x20x128xi32, #tpu.memory_space<vmem>> -> memref<1x20x128xi32, #tpu.memory_space<vmem>>
      %dma_start3A_36 = tpu.memref_squeeze %dma_start3A_35 : memref<1x20x128xi32, #tpu.memory_space<vmem>> -> memref<20x128xi32, #tpu.memory_space<vmem>>
      %dma_start3A_37 = arith.constant 0 : i32
      %dma_start3A_38 = arith.constant 0 : i32
      %dma_start3A_39 = tpu.memref_slice %arg4[%arg0, %arg1, %run_scoped3A_2, %dma_start3A_37, %dma_start3A_38] : memref<2x16x4x20x128xi32, #tpu.memory_space<hbm>> -> memref<1x1x1x20x128xi32, #tpu.memory_space<hbm>>
      %dma_start3A_40 = tpu.memref_squeeze %dma_start3A_39 : memref<1x1x1x20x128xi32, #tpu.memory_space<hbm>> -> memref<20x128xi32, #tpu.memory_space<hbm>>
      %dma_start3A_41 = arith.constant 0 : i32
      %dma_start3A_42 = arith.constant 0 : i32
      %dma_start3A_43 = tpu.memref_slice %arg9[%run_scoped3A_3, %dma_start3A_41, %dma_start3A_42] : memref<2x20x128xi32, #tpu.memory_space<vmem>> -> memref<1x20x128xi32, #tpu.memory_space<vmem>>
      %dma_start3A_44 = tpu.memref_squeeze %dma_start3A_43 : memref<1x20x128xi32, #tpu.memory_space<vmem>> -> memref<20x128xi32, #tpu.memory_space<vmem>>
      %dma_start3A_45 = arith.constant 0 : i32
      %dma_start3A_46 = arith.constant 0 : i32
      %dma_start3A_47 = tpu.memref_slice %arg4[%arg0, %arg1, %run_scoped3A_2, %dma_start3A_45, %dma_start3A_46] : memref<2x16x4x20x128xi32, #tpu.memory_space<hbm>> -> memref<1x1x1x20x128xi32, #tpu.memory_space<hbm>>
      %dma_start3A_48 = tpu.memref_squeeze %dma_start3A_47 : memref<1x1x1x20x128xi32, #tpu.memory_space<hbm>> -> memref<20x128xi32, #tpu.memory_space<hbm>>
      tpu.enqueue_dma source(%dma_start3A_48 : memref<20x128xi32, #tpu.memory_space<hbm>>) target(%dma_start3A_44 : memref<20x128xi32, #tpu.memory_space<vmem>>) target_semaphore(%run_scoped3A_32 : memref<!tpu.dma_semaphore, #tpu.memory_space<semaphore_mem>>)
      %dma_wait3A_49 = arith.constant 0 : i32
      %dma_wait3A_50 = arith.constant 0 : i32
      %dma_wait3A_51 = tpu.memref_slice %arg9[%run_scoped3A_3, %dma_wait3A_49, %dma_wait3A_50] : memref<2x20x128xi32, #tpu.memory_space<vmem>> -> memref<1x20x128xi32, #tpu.memory_space<vmem>>
      %dma_wait3A_52 = tpu.memref_squeeze %dma_wait3A_51 : memref<1x20x128xi32, #tpu.memory_space<vmem>> -> memref<20x128xi32, #tpu.memory_space<vmem>>
      %dma_wait3A_53 = arith.constant 0 : i32
      %dma_wait3A_54 = arith.constant 0 : i32
      %dma_wait3A_55 = tpu.memref_slice %arg4[%arg0, %arg1, %run_scoped3A_2, %dma_wait3A_53, %dma_wait3A_54] : memref<2x16x4x20x128xi32, #tpu.memory_space<hbm>> -> memref<1x1x1x20x128xi32, #tpu.memory_space<hbm>>
      %dma_wait3A_56 = tpu.memref_squeeze %dma_wait3A_55 : memref<1x1x1x20x128xi32, #tpu.memory_space<hbm>> -> memref<20x128xi32, #tpu.memory_space<hbm>>
      %dma_wait3A_57 = arith.constant 0 : i32
      %dma_wait3A_58 = arith.constant 0 : i32
      %dma_wait3A_59 = tpu.memref_slice %arg9[%run_scoped3A_3, %dma_wait3A_57, %dma_wait3A_58] : memref<2x20x128xi32, #tpu.memory_space<vmem>> -> memref<1x20x128xi32, #tpu.memory_space<vmem>>
      %dma_wait3A_60 = tpu.memref_squeeze %dma_wait3A_59 : memref<1x20x128xi32, #tpu.memory_space<vmem>> -> memref<20x128xi32, #tpu.memory_space<vmem>>
      %dma_wait3A_61 = arith.constant 0 : i32
      %dma_wait3A_62 = arith.constant 0 : i32
      %dma_wait3A_63 = tpu.memref_slice %arg4[%arg0, %arg1, %run_scoped3A_2, %dma_wait3A_61, %dma_wait3A_62] : memref<2x16x4x20x128xi32, #tpu.memory_space<hbm>> -> memref<1x1x1x20x128xi32, #tpu.memory_space<hbm>>
      %dma_wait3A_64 = tpu.memref_squeeze %dma_wait3A_63 : memref<1x1x1x20x128xi32, #tpu.memory_space<hbm>> -> memref<20x128xi32, #tpu.memory_space<hbm>>
      tpu.wait_dma2 semaphore(%run_scoped3A_32 : memref<!tpu.dma_semaphore, #tpu.memory_space<semaphore_mem>>) src(%dma_wait3A_64 : memref<20x128xi32, #tpu.memory_space<hbm>>) dst(%dma_wait3A_60 : memref<20x128xi32, #tpu.memory_space<vmem>>)
      tpu.yield
    }) : () -> ()
    %dma_start3A = arith.constant 0 : i32
    %dma_start3A_4 = arith.constant 0 : i32
    %dma_start3A_5 = arith.constant 0 : i32
    %dma_start3A_6 = tpu.memref_slice %arg8[%dma_start3A, %dma_start3A_4, %dma_start3A_5] : memref<2x20x128xi32, #tpu.memory_space<vmem>> -> memref<1x1x128xi32, #tpu.memory_space<vmem>>
    %dma_start3A_7 = tpu.memref_squeeze %dma_start3A_6 : memref<1x1x128xi32, #tpu.memory_space<vmem>> -> memref<128xi32, #tpu.memory_space<vmem>>
    %dma_start3A_8 = arith.constant 0 : i32
    %dma_start3A_9 = arith.constant 0 : i32
    %dma_start3A_10 = tpu.memref_slice %arg2[%dma_start3A_8, %dma_start3A_9] : memref<10000x128xf32, #tpu.memory_space<hbm>> -> memref<10000x128xf32, #tpu.memory_space<hbm>>
    tpu.enqueue_indirect_dma source(%dma_start3A_10 : memref<10000x128xf32, #tpu.memory_space<hbm>>) target(%arg10 : memref<128x128xf32, #tpu.memory_space<vmem>>) offsets(%dma_start3A_7 : memref<128xi32, #tpu.memory_space<vmem>>) semaphore(%arg12 : memref<!tpu.dma_semaphore, #tpu.memory_space<semaphore_mem>>)
    %dma_start3A_11 = arith.constant 0 : i32
    %dma_start3A_12 = arith.constant 1 : i32
    %dma_start3A_13 = arith.constant 0 : i32
    %dma_start3A_14 = tpu.memref_slice %arg8[%dma_start3A_11, %dma_start3A_12, %dma_start3A_13] : memref<2x20x128xi32, #tpu.memory_space<vmem>> -> memref<1x1x128xi32, #tpu.memory_space<vmem>>
    %dma_start3A_15 = tpu.memref_squeeze %dma_start3A_14 : memref<1x1x128xi32, #tpu.memory_space<vmem>> -> memref<128xi32, #tpu.memory_space<vmem>>
    %dma_start3A_16 = arith.constant 0 : i32
    %dma_start3A_17 = arith.constant 0 : i32
    %dma_start3A_18 = tpu.memref_slice %arg2[%dma_start3A_16, %dma_start3A_17] : memref<10000x128xf32, #tpu.memory_space<hbm>> -> memref<10000x128xf32, #tpu.memory_space<hbm>>
    tpu.enqueue_indirect_dma source(%dma_start3A_18 : memref<10000x128xf32, #tpu.memory_space<hbm>>) target(%arg11 : memref<128x128xf32, #tpu.memory_space<vmem>>) offsets(%dma_start3A_15 : memref<128xi32, #tpu.memory_space<vmem>>) semaphore(%arg13 : memref<!tpu.dma_semaphore, #tpu.memory_space<semaphore_mem>>)
    "tpu.region"() ({
      %run_scoped3A_32 = tpu.sem_alloc : memref<!tpu.dma_semaphore, #tpu.memory_space<semaphore_mem>>
      %dma_start3A_33 = arith.constant 0 : i32
      %dma_start3A_34 = tpu.memref_slice %arg7[%mul3A_0, %dma_start3A_33] : memref<10240x128xf32, #tpu.memory_space<vmem_shared>> -> memref<640x128xf32, #tpu.memory_space<vmem_shared>>
      %dma_start3A_35 = arith.constant 0 : i32
      %dma_start3A_36 = tpu.memref_slice %arg5[%mul3A_0, %dma_start3A_35] : memref<10240x128xf32, #tpu.memory_space<hbm>> -> memref<640x128xf32, #tpu.memory_space<hbm>>
      tpu.enqueue_dma source(%dma_start3A_36 : memref<640x128xf32, #tpu.memory_space<hbm>>) target(%dma_start3A_34 : memref<640x128xf32, #tpu.memory_space<vmem_shared>>) target_semaphore(%run_scoped3A_32 : memref<!tpu.dma_semaphore, #tpu.memory_space<semaphore_mem>>)
      %dma_wait3A_37 = arith.constant 0 : i32
      %dma_wait3A_38 = tpu.memref_slice %arg7[%mul3A_0, %dma_wait3A_37] : memref<10240x128xf32, #tpu.memory_space<vmem_shared>> -> memref<640x128xf32, #tpu.memory_space<vmem_shared>>
      %dma_wait3A_39 = arith.constant 0 : i32
      %dma_wait3A_40 = tpu.memref_slice %arg5[%mul3A_0, %dma_wait3A_39] : memref<10240x128xf32, #tpu.memory_space<hbm>> -> memref<640x128xf32, #tpu.memory_space<hbm>>
      tpu.wait_dma2 semaphore(%run_scoped3A_32 : memref<!tpu.dma_semaphore, #tpu.memory_space<semaphore_mem>>) src(%dma_wait3A_40 : memref<640x128xf32, #tpu.memory_space<hbm>>) dst(%dma_wait3A_38 : memref<640x128xf32, #tpu.memory_space<vmem_shared>>)
      tpu.yield
    }) : () -> ()
    %barrier3A = arith.constant 0 : index
    tpu.barrier barrier_id(%barrier3A)
    %scan3A = arith.constant 0 : i32
    %scan3A_19 = arith.constant 0 : i32
    %scan3A_20 = arith.constant 40 : i32
    %scan3A_21 = arith.addi %scan3A_19, %scan3A_20 : i32
    %scan3A_22 = arith.constant 1 : i32
    scf.for %scan3A_32 = %scan3A_19 to %scan3A_21 step %scan3A_22  : i32 {
      %jit3A = arith.constant 10 : i32
      %div3A = arith.divsi %scan3A_32, %jit3A : i32
      %sign3A = arith.constant 0 : i32
      %sign3A_33 = arith.cmpi sgt, %scan3A_32, %sign3A : i32
      %sign3A_34 = arith.extui %sign3A_33 : i1 to i32
      %sign3A_35 = arith.constant 0 : i32
      %sign3A_36 = arith.cmpi slt, %scan3A_32, %sign3A_35 : i32
      %sign3A_37 = arith.extui %sign3A_36 : i1 to i32
      %sign3A_38 = arith.subi %sign3A_34, %sign3A_37 : i32
      %sign3A_39 = arith.constant 0 : i32
      %sign3A_40 = arith.cmpi sgt, %jit3A, %sign3A_39 : i32
      %sign3A_41 = arith.extui %sign3A_40 : i1 to i32
      %sign3A_42 = arith.constant 0 : i32
      %sign3A_43 = arith.cmpi slt, %jit3A, %sign3A_42 : i32
      %sign3A_44 = arith.extui %sign3A_43 : i1 to i32
      %sign3A_45 = arith.subi %sign3A_41, %sign3A_44 : i32
      %ne3A = arith.cmpi ne, %sign3A_38, %sign3A_45 : i32
      %rem3A = arith.remsi %scan3A_32, %jit3A : i32
      %ne3A_46 = arith.constant 0 : i32
      %ne3A_47 = arith.cmpi ne, %rem3A, %ne3A_46 : i32
      %and3A = arith.andi %ne3A, %ne3A_47 : i1
      %sub3A = arith.constant 1 : i32
      %sub3A_48 = arith.subi %div3A, %sub3A : i32
      %select_n3A = arith.select %and3A, %sub3A_48, %div3A : i32
      %rem3A_49 = arith.constant 2 : i32
      %rem3A_50 = arith.remsi %select_n3A, %rem3A_49 : i32
      %rem3A_51 = arith.constant 10 : i32
      %rem3A_52 = arith.remsi %scan3A_32, %rem3A_51 : i32
      %mul3A_53 = arith.constant 2 : i32
      %mul3A_54 = arith.muli %mul3A_53, %rem3A_52 : i32
      %gt3A = arith.constant 0 : i32
      %gt3A_55 = arith.cmpi sgt, %scan3A_32, %gt3A : i32
      %convert_element_type3A = arith.extui %gt3A_55 : i1 to i32
      %cond3A = arith.constant 0 : i32
      %cond3A_56 = arith.cmpi ne, %convert_element_type3A, %cond3A : i32
      scf.if %cond3A_56 {
        %dma_wait3A_150 = arith.constant 0 : i32
        %dma_wait3A_151 = arith.constant 0 : i32
        %dma_wait3A_152 = arith.constant 0 : i32
        %dma_wait3A_153 = tpu.memref_slice %arg9[%dma_wait3A_150, %dma_wait3A_151, %dma_wait3A_152] : memref<2x20x128xi32, #tpu.memory_space<vmem>> -> memref<1x1x128xi32, #tpu.memory_space<vmem>>
        %dma_wait3A_154 = tpu.memref_squeeze %dma_wait3A_153 : memref<1x1x128xi32, #tpu.memory_space<vmem>> -> memref<128xi32, #tpu.memory_space<vmem>>
        %dma_wait3A_155 = arith.constant 0 : i32
        %dma_wait3A_156 = arith.constant 0 : i32
        %dma_wait3A_157 = tpu.memref_slice %arg7[%dma_wait3A_155, %dma_wait3A_156] : memref<10240x128xf32, #tpu.memory_space<vmem_shared>> -> memref<10240x128xf32, #tpu.memory_space<vmem_shared>>
        tpu.wait_indirect_dma semaphore(%arg15 : memref<!tpu.dma_semaphore, #tpu.memory_space<semaphore_mem>>) src(%arg11 : memref<128x128xf32, #tpu.memory_space<vmem>>) dst(%dma_wait3A_157 : memref<10240x128xf32, #tpu.memory_space<vmem_shared>>)
        %add3A_158 = arith.constant 1 : i32
        %add3A_159 = arith.addi %mul3A_54, %add3A_158 : i32
        %dma_start3A_160 = arith.constant 0 : i32
        %dma_start3A_161 = tpu.memref_slice %arg8[%rem3A_50, %add3A_159, %dma_start3A_160] : memref<2x20x128xi32, #tpu.memory_space<vmem>> -> memref<1x1x128xi32, #tpu.memory_space<vmem>>
        %dma_start3A_162 = tpu.memref_squeeze %dma_start3A_161 : memref<1x1x128xi32, #tpu.memory_space<vmem>> -> memref<128xi32, #tpu.memory_space<vmem>>
        %dma_start3A_163 = arith.constant 0 : i32
        %dma_start3A_164 = arith.constant 0 : i32
        %dma_start3A_165 = tpu.memref_slice %arg2[%dma_start3A_163, %dma_start3A_164] : memref<10000x128xf32, #tpu.memory_space<hbm>> -> memref<10000x128xf32, #tpu.memory_space<hbm>>
        tpu.enqueue_indirect_dma source(%dma_start3A_165 : memref<10000x128xf32, #tpu.memory_space<hbm>>) target(%arg11 : memref<128x128xf32, #tpu.memory_space<vmem>>) offsets(%dma_start3A_162 : memref<128xi32, #tpu.memory_space<vmem>>) semaphore(%arg13 : memref<!tpu.dma_semaphore, #tpu.memory_space<semaphore_mem>>)
      } else {
      }
      %rem3A_57 = arith.constant 10 : i32
      %rem3A_58 = arith.remsi %scan3A_32, %rem3A_57 : i32
      %eq3A = arith.constant 0 : i32
      %eq3A_59 = arith.cmpi eq, %rem3A_58, %eq3A : i32
      %lt3A = arith.constant 30 : i32
      %lt3A_60 = arith.cmpi slt, %scan3A_32, %lt3A : i32
      %and3A_61 = arith.andi %eq3A_59, %lt3A_60 : i1
      %convert_element_type3A_62 = arith.extui %and3A_61 : i1 to i32
      %cond3A_63 = arith.constant 0 : i32
      %cond3A_64 = arith.cmpi ne, %convert_element_type3A_62, %cond3A_63 : i32
      scf.if %cond3A_64 {
        %add3A_150 = arith.constant 1 : i32
        %add3A_151 = arith.addi %select_n3A, %add3A_150 : i32
        %rem3A_152 = arith.constant 2 : i32
        %rem3A_153 = arith.remsi %add3A_151, %rem3A_152 : i32
        %add3A_154 = arith.constant 1 : i32
        %add3A_155 = arith.addi %select_n3A, %add3A_154 : i32
        %dma_start3A_156 = arith.constant 0 : i32
        %dma_start3A_157 = arith.constant 0 : i32
        %dma_start3A_158 = tpu.memref_slice %arg8[%rem3A_153, %dma_start3A_156, %dma_start3A_157] : memref<2x20x128xi32, #tpu.memory_space<vmem>> -> memref<1x20x128xi32, #tpu.memory_space<vmem>>
        %dma_start3A_159 = tpu.memref_squeeze %dma_start3A_158 : memref<1x20x128xi32, #tpu.memory_space<vmem>> -> memref<20x128xi32, #tpu.memory_space<vmem>>
        %dma_start3A_160 = arith.constant 0 : i32
        %dma_start3A_161 = arith.constant 0 : i32
        %dma_start3A_162 = tpu.memref_slice %arg3[%arg0, %arg1, %add3A_155, %dma_start3A_160, %dma_start3A_161] : memref<2x16x4x20x128xi32, #tpu.memory_space<hbm>> -> memref<1x1x1x20x128xi32, #tpu.memory_space<hbm>>
        %dma_start3A_163 = tpu.memref_squeeze %dma_start3A_162 : memref<1x1x1x20x128xi32, #tpu.memory_space<hbm>> -> memref<20x128xi32, #tpu.memory_space<hbm>>
        %dma_start3A_164 = arith.constant 0 : i32
        %dma_start3A_165 = arith.constant 0 : i32
        %dma_start3A_166 = tpu.memref_slice %arg8[%rem3A_153, %dma_start3A_164, %dma_start3A_165] : memref<2x20x128xi32, #tpu.memory_space<vmem>> -> memref<1x20x128xi32, #tpu.memory_space<vmem>>
        %dma_start3A_167 = tpu.memref_squeeze %dma_start3A_166 : memref<1x20x128xi32, #tpu.memory_space<vmem>> -> memref<20x128xi32, #tpu.memory_space<vmem>>
        %dma_start3A_168 = arith.constant 0 : i32
        %dma_start3A_169 = arith.constant 0 : i32
        %dma_start3A_170 = tpu.memref_slice %arg3[%arg0, %arg1, %add3A_155, %dma_start3A_168, %dma_start3A_169] : memref<2x16x4x20x128xi32, #tpu.memory_space<hbm>> -> memref<1x1x1x20x128xi32, #tpu.memory_space<hbm>>
        %dma_start3A_171 = tpu.memref_squeeze %dma_start3A_170 : memref<1x1x1x20x128xi32, #tpu.memory_space<hbm>> -> memref<20x128xi32, #tpu.memory_space<hbm>>
        tpu.enqueue_dma source(%dma_start3A_171 : memref<20x128xi32, #tpu.memory_space<hbm>>) target(%dma_start3A_167 : memref<20x128xi32, #tpu.memory_space<vmem>>) target_semaphore(%arg16 : memref<!tpu.dma_semaphore, #tpu.memory_space<semaphore_mem>>)
        %add3A_172 = arith.constant 1 : i32
        %add3A_173 = arith.addi %select_n3A, %add3A_172 : i32
        %dma_start3A_174 = arith.constant 0 : i32
        %dma_start3A_175 = arith.constant 0 : i32
        %dma_start3A_176 = tpu.memref_slice %arg9[%rem3A_153, %dma_start3A_174, %dma_start3A_175] : memref<2x20x128xi32, #tpu.memory_space<vmem>> -> memref<1x20x128xi32, #tpu.memory_space<vmem>>
        %dma_start3A_177 = tpu.memref_squeeze %dma_start3A_176 : memref<1x20x128xi32, #tpu.memory_space<vmem>> -> memref<20x128xi32, #tpu.memory_space<vmem>>
        %dma_start3A_178 = arith.constant 0 : i32
        %dma_start3A_179 = arith.constant 0 : i32
        %dma_start3A_180 = tpu.memref_slice %arg4[%arg0, %arg1, %add3A_173, %dma_start3A_178, %dma_start3A_179] : memref<2x16x4x20x128xi32, #tpu.memory_space<hbm>> -> memref<1x1x1x20x128xi32, #tpu.memory_space<hbm>>
        %dma_start3A_181 = tpu.memref_squeeze %dma_start3A_180 : memref<1x1x1x20x128xi32, #tpu.memory_space<hbm>> -> memref<20x128xi32, #tpu.memory_space<hbm>>
        %dma_start3A_182 = arith.constant 0 : i32
        %dma_start3A_183 = arith.constant 0 : i32
        %dma_start3A_184 = tpu.memref_slice %arg9[%rem3A_153, %dma_start3A_182, %dma_start3A_183] : memref<2x20x128xi32, #tpu.memory_space<vmem>> -> memref<1x20x128xi32, #tpu.memory_space<vmem>>
        %dma_start3A_185 = tpu.memref_squeeze %dma_start3A_184 : memref<1x20x128xi32, #tpu.memory_space<vmem>> -> memref<20x128xi32, #tpu.memory_space<vmem>>
        %dma_start3A_186 = arith.constant 0 : i32
        %dma_start3A_187 = arith.constant 0 : i32
        %dma_start3A_188 = tpu.memref_slice %arg4[%arg0, %arg1, %add3A_173, %dma_start3A_186, %dma_start3A_187] : memref<2x16x4x20x128xi32, #tpu.memory_space<hbm>> -> memref<1x1x1x20x128xi32, #tpu.memory_space<hbm>>
        %dma_start3A_189 = tpu.memref_squeeze %dma_start3A_188 : memref<1x1x1x20x128xi32, #tpu.memory_space<hbm>> -> memref<20x128xi32, #tpu.memory_space<hbm>>
        tpu.enqueue_dma source(%dma_start3A_189 : memref<20x128xi32, #tpu.memory_space<hbm>>) target(%dma_start3A_185 : memref<20x128xi32, #tpu.memory_space<vmem>>) target_semaphore(%arg17 : memref<!tpu.dma_semaphore, #tpu.memory_space<semaphore_mem>>)
      } else {
      }
      %dma_wait3A_65 = arith.constant 0 : i32
      %dma_wait3A_66 = arith.constant 0 : i32
      %dma_wait3A_67 = arith.constant 0 : i32
      %dma_wait3A_68 = tpu.memref_slice %arg8[%dma_wait3A_65, %dma_wait3A_66, %dma_wait3A_67] : memref<2x20x128xi32, #tpu.memory_space<vmem>> -> memref<1x1x128xi32, #tpu.memory_space<vmem>>
      %dma_wait3A_69 = tpu.memref_squeeze %dma_wait3A_68 : memref<1x1x128xi32, #tpu.memory_space<vmem>> -> memref<128xi32, #tpu.memory_space<vmem>>
      %dma_wait3A_70 = arith.constant 0 : i32
      %dma_wait3A_71 = arith.constant 0 : i32
      %dma_wait3A_72 = tpu.memref_slice %arg2[%dma_wait3A_70, %dma_wait3A_71] : memref<10000x128xf32, #tpu.memory_space<hbm>> -> memref<10000x128xf32, #tpu.memory_space<hbm>>
      tpu.wait_indirect_dma semaphore(%arg12 : memref<!tpu.dma_semaphore, #tpu.memory_space<semaphore_mem>>) src(%dma_wait3A_72 : memref<10000x128xf32, #tpu.memory_space<hbm>>) dst(%arg10 : memref<128x128xf32, #tpu.memory_space<vmem>>)
      %dma_start3A_73 = arith.constant 0 : i32
      %dma_start3A_74 = tpu.memref_slice %arg9[%rem3A_50, %mul3A_54, %dma_start3A_73] : memref<2x20x128xi32, #tpu.memory_space<vmem>> -> memref<1x1x128xi32, #tpu.memory_space<vmem>>
      %dma_start3A_75 = tpu.memref_squeeze %dma_start3A_74 : memref<1x1x128xi32, #tpu.memory_space<vmem>> -> memref<128xi32, #tpu.memory_space<vmem>>
      %dma_start3A_76 = arith.constant 0 : i32
      %dma_start3A_77 = arith.constant 0 : i32
      %dma_start3A_78 = tpu.memref_slice %arg7[%dma_start3A_76, %dma_start3A_77] : memref<10240x128xf32, #tpu.memory_space<vmem_shared>> -> memref<10240x128xf32, #tpu.memory_space<vmem_shared>>
      tpu.enqueue_indirect_dma source(%arg10 : memref<128x128xf32, #tpu.memory_space<vmem>>) target(%dma_start3A_78 : memref<10240x128xf32, #tpu.memory_space<vmem_shared>>) offsets(%dma_start3A_75 : memref<128xi32, #tpu.memory_space<vmem>>) semaphore(%arg14 : memref<!tpu.dma_semaphore, #tpu.memory_space<semaphore_mem>>) {add = true}
      %rem3A_79 = arith.constant 10 : i32
      %rem3A_80 = arith.remsi %scan3A_32, %rem3A_79 : i32
      %eq3A_81 = arith.constant 9 : i32
      %eq3A_82 = arith.cmpi eq, %rem3A_80, %eq3A_81 : i32
      %lt3A_83 = arith.constant 30 : i32
      %lt3A_84 = arith.cmpi slt, %scan3A_32, %lt3A_83 : i32
      %and3A_85 = arith.andi %eq3A_82, %lt3A_84 : i1
      %convert_element_type3A_86 = arith.extui %and3A_85 : i1 to i32
      %cond3A_87 = arith.constant 0 : i32
      %cond3A_88 = arith.cmpi ne, %convert_element_type3A_86, %cond3A_87 : i32
      scf.if %cond3A_88 {
        %dma_wait3A_150 = arith.constant 0 : i32
        %dma_wait3A_151 = arith.constant 0 : i32
        %dma_wait3A_152 = arith.constant 0 : i32
        %dma_wait3A_153 = arith.constant 0 : i32
        %dma_wait3A_154 = tpu.memref_slice %arg8[%dma_wait3A_151, %dma_wait3A_152, %dma_wait3A_153] : memref<2x20x128xi32, #tpu.memory_space<vmem>> -> memref<1x20x128xi32, #tpu.memory_space<vmem>>
        %dma_wait3A_155 = tpu.memref_squeeze %dma_wait3A_154 : memref<1x20x128xi32, #tpu.memory_space<vmem>> -> memref<20x128xi32, #tpu.memory_space<vmem>>
        %dma_wait3A_156 = arith.constant 0 : i32
        %dma_wait3A_157 = arith.constant 0 : i32
        %dma_wait3A_158 = tpu.memref_slice %arg3[%arg0, %arg1, %dma_wait3A_150, %dma_wait3A_156, %dma_wait3A_157] : memref<2x16x4x20x128xi32, #tpu.memory_space<hbm>> -> memref<1x1x1x20x128xi32, #tpu.memory_space<hbm>>
        %dma_wait3A_159 = tpu.memref_squeeze %dma_wait3A_158 : memref<1x1x1x20x128xi32, #tpu.memory_space<hbm>> -> memref<20x128xi32, #tpu.memory_space<hbm>>
        %dma_wait3A_160 = arith.constant 0 : i32
        %dma_wait3A_161 = arith.constant 0 : i32
        %dma_wait3A_162 = tpu.memref_slice %arg8[%dma_wait3A_151, %dma_wait3A_160, %dma_wait3A_161] : memref<2x20x128xi32, #tpu.memory_space<vmem>> -> memref<1x20x128xi32, #tpu.memory_space<vmem>>
        %dma_wait3A_163 = tpu.memref_squeeze %dma_wait3A_162 : memref<1x20x128xi32, #tpu.memory_space<vmem>> -> memref<20x128xi32, #tpu.memory_space<vmem>>
        %dma_wait3A_164 = arith.constant 0 : i32
        %dma_wait3A_165 = arith.constant 0 : i32
        %dma_wait3A_166 = tpu.memref_slice %arg3[%arg0, %arg1, %dma_wait3A_150, %dma_wait3A_164, %dma_wait3A_165] : memref<2x16x4x20x128xi32, #tpu.memory_space<hbm>> -> memref<1x1x1x20x128xi32, #tpu.memory_space<hbm>>
        %dma_wait3A_167 = tpu.memref_squeeze %dma_wait3A_166 : memref<1x1x1x20x128xi32, #tpu.memory_space<hbm>> -> memref<20x128xi32, #tpu.memory_space<hbm>>
        tpu.wait_dma2 semaphore(%arg16 : memref<!tpu.dma_semaphore, #tpu.memory_space<semaphore_mem>>) src(%dma_wait3A_167 : memref<20x128xi32, #tpu.memory_space<hbm>>) dst(%dma_wait3A_163 : memref<20x128xi32, #tpu.memory_space<vmem>>)
        %dma_wait3A_168 = arith.constant 0 : i32
        %dma_wait3A_169 = arith.constant 0 : i32
        %dma_wait3A_170 = arith.constant 0 : i32
        %dma_wait3A_171 = arith.constant 0 : i32
        %dma_wait3A_172 = tpu.memref_slice %arg9[%dma_wait3A_169, %dma_wait3A_170, %dma_wait3A_171] : memref<2x20x128xi32, #tpu.memory_space<vmem>> -> memref<1x20x128xi32, #tpu.memory_space<vmem>>
        %dma_wait3A_173 = tpu.memref_squeeze %dma_wait3A_172 : memref<1x20x128xi32, #tpu.memory_space<vmem>> -> memref<20x128xi32, #tpu.memory_space<vmem>>
        %dma_wait3A_174 = arith.constant 0 : i32
        %dma_wait3A_175 = arith.constant 0 : i32
        %dma_wait3A_176 = tpu.memref_slice %arg4[%arg0, %arg1, %dma_wait3A_168, %dma_wait3A_174, %dma_wait3A_175] : memref<2x16x4x20x128xi32, #tpu.memory_space<hbm>> -> memref<1x1x1x20x128xi32, #tpu.memory_space<hbm>>
        %dma_wait3A_177 = tpu.memref_squeeze %dma_wait3A_176 : memref<1x1x1x20x128xi32, #tpu.memory_space<hbm>> -> memref<20x128xi32, #tpu.memory_space<hbm>>
        %dma_wait3A_178 = arith.constant 0 : i32
        %dma_wait3A_179 = arith.constant 0 : i32
        %dma_wait3A_180 = tpu.memref_slice %arg9[%dma_wait3A_169, %dma_wait3A_178, %dma_wait3A_179] : memref<2x20x128xi32, #tpu.memory_space<vmem>> -> memref<1x20x128xi32, #tpu.memory_space<vmem>>
        %dma_wait3A_181 = tpu.memref_squeeze %dma_wait3A_180 : memref<1x20x128xi32, #tpu.memory_space<vmem>> -> memref<20x128xi32, #tpu.memory_space<vmem>>
        %dma_wait3A_182 = arith.constant 0 : i32
        %dma_wait3A_183 = arith.constant 0 : i32
        %dma_wait3A_184 = tpu.memref_slice %arg4[%arg0, %arg1, %dma_wait3A_168, %dma_wait3A_182, %dma_wait3A_183] : memref<2x16x4x20x128xi32, #tpu.memory_space<hbm>> -> memref<1x1x1x20x128xi32, #tpu.memory_space<hbm>>
        %dma_wait3A_185 = tpu.memref_squeeze %dma_wait3A_184 : memref<1x1x1x20x128xi32, #tpu.memory_space<hbm>> -> memref<20x128xi32, #tpu.memory_space<hbm>>
        tpu.wait_dma2 semaphore(%arg17 : memref<!tpu.dma_semaphore, #tpu.memory_space<semaphore_mem>>) src(%dma_wait3A_185 : memref<20x128xi32, #tpu.memory_space<hbm>>) dst(%dma_wait3A_181 : memref<20x128xi32, #tpu.memory_space<vmem>>)
      } else {
      }
      %mul3A_89 = arith.constant 2 : i32
      %mul3A_90 = arith.muli %mul3A_89, %scan3A_32 : i32
      %add3A = arith.constant 2 : i32
      %add3A_91 = arith.addi %mul3A_90, %add3A : i32
      %jit3A_92 = arith.constant 20 : i32
      %div3A_93 = arith.divsi %add3A_91, %jit3A_92 : i32
      %sign3A_94 = arith.constant 0 : i32
      %sign3A_95 = arith.cmpi sgt, %add3A_91, %sign3A_94 : i32
      %sign3A_96 = arith.extui %sign3A_95 : i1 to i32
      %sign3A_97 = arith.constant 0 : i32
      %sign3A_98 = arith.cmpi slt, %add3A_91, %sign3A_97 : i32
      %sign3A_99 = arith.extui %sign3A_98 : i1 to i32
      %sign3A_100 = arith.subi %sign3A_96, %sign3A_99 : i32
      %sign3A_101 = arith.constant 0 : i32
      %sign3A_102 = arith.cmpi sgt, %jit3A_92, %sign3A_101 : i32
      %sign3A_103 = arith.extui %sign3A_102 : i1 to i32
      %sign3A_104 = arith.constant 0 : i32
      %sign3A_105 = arith.cmpi slt, %jit3A_92, %sign3A_104 : i32
      %sign3A_106 = arith.extui %sign3A_105 : i1 to i32
      %sign3A_107 = arith.subi %sign3A_103, %sign3A_106 : i32
      %ne3A_108 = arith.cmpi ne, %sign3A_100, %sign3A_107 : i32
      %rem3A_109 = arith.remsi %add3A_91, %jit3A_92 : i32
      %ne3A_110 = arith.constant 0 : i32
      %ne3A_111 = arith.cmpi ne, %rem3A_109, %ne3A_110 : i32
      %and3A_112 = arith.andi %ne3A_108, %ne3A_111 : i1
      %sub3A_113 = arith.constant 1 : i32
      %sub3A_114 = arith.subi %div3A_93, %sub3A_113 : i32
      %select_n3A_115 = arith.select %and3A_112, %sub3A_114, %div3A_93 : i32
      %rem3A_116 = arith.constant 2 : i32
      %rem3A_117 = arith.remsi %select_n3A_115, %rem3A_116 : i32
      %mul3A_118 = arith.constant 20 : i32
      %mul3A_119 = arith.muli %select_n3A_115, %mul3A_118 : i32
      %sub3A_120 = arith.subi %add3A_91, %mul3A_119 : i32
      %dma_wait3A_121 = arith.constant 0 : i32
      %dma_wait3A_122 = arith.constant 0 : i32
      %dma_wait3A_123 = arith.constant 0 : i32
      %dma_wait3A_124 = tpu.memref_slice %arg9[%dma_wait3A_121, %dma_wait3A_122, %dma_wait3A_123] : memref<2x20x128xi32, #tpu.memory_space<vmem>> -> memref<1x1x128xi32, #tpu.memory_space<vmem>>
      %dma_wait3A_125 = tpu.memref_squeeze %dma_wait3A_124 : memref<1x1x128xi32, #tpu.memory_space<vmem>> -> memref<128xi32, #tpu.memory_space<vmem>>
      %dma_wait3A_126 = arith.constant 0 : i32
      %dma_wait3A_127 = arith.constant 0 : i32
      %dma_wait3A_128 = tpu.memref_slice %arg7[%dma_wait3A_126, %dma_wait3A_127] : memref<10240x128xf32, #tpu.memory_space<vmem_shared>> -> memref<10240x128xf32, #tpu.memory_space<vmem_shared>>
      tpu.wait_indirect_dma semaphore(%arg14 : memref<!tpu.dma_semaphore, #tpu.memory_space<semaphore_mem>>) src(%arg10 : memref<128x128xf32, #tpu.memory_space<vmem>>) dst(%dma_wait3A_128 : memref<10240x128xf32, #tpu.memory_space<vmem_shared>>)
      %lt3A_129 = arith.constant 39 : i32
      %lt3A_130 = arith.cmpi slt, %scan3A_32, %lt3A_129 : i32
      %convert_element_type3A_131 = arith.extui %lt3A_130 : i1 to i32
      %cond3A_132 = arith.constant 0 : i32
      %cond3A_133 = arith.cmpi ne, %convert_element_type3A_131, %cond3A_132 : i32
      scf.if %cond3A_133 {
        %dma_start3A_150 = arith.constant 0 : i32
        %dma_start3A_151 = tpu.memref_slice %arg8[%rem3A_117, %sub3A_120, %dma_start3A_150] : memref<2x20x128xi32, #tpu.memory_space<vmem>> -> memref<1x1x128xi32, #tpu.memory_space<vmem>>
        %dma_start3A_152 = tpu.memref_squeeze %dma_start3A_151 : memref<1x1x128xi32, #tpu.memory_space<vmem>> -> memref<128xi32, #tpu.memory_space<vmem>>
        %dma_start3A_153 = arith.constant 0 : i32
        %dma_start3A_154 = arith.constant 0 : i32
        %dma_start3A_155 = tpu.memref_slice %arg2[%dma_start3A_153, %dma_start3A_154] : memref<10000x128xf32, #tpu.memory_space<hbm>> -> memref<10000x128xf32, #tpu.memory_space<hbm>>
        tpu.enqueue_indirect_dma source(%dma_start3A_155 : memref<10000x128xf32, #tpu.memory_space<hbm>>) target(%arg10 : memref<128x128xf32, #tpu.memory_space<vmem>>) offsets(%dma_start3A_152 : memref<128xi32, #tpu.memory_space<vmem>>) semaphore(%arg12 : memref<!tpu.dma_semaphore, #tpu.memory_space<semaphore_mem>>)
      } else {
      }
      %dma_wait3A_134 = arith.constant 0 : i32
      %dma_wait3A_135 = arith.constant 0 : i32
      %dma_wait3A_136 = arith.constant 0 : i32
      %dma_wait3A_137 = tpu.memref_slice %arg8[%dma_wait3A_134, %dma_wait3A_135, %dma_wait3A_136] : memref<2x20x128xi32, #tpu.memory_space<vmem>> -> memref<1x1x128xi32, #tpu.memory_space<vmem>>
      %dma_wait3A_138 = tpu.memref_squeeze %dma_wait3A_137 : memref<1x1x128xi32, #tpu.memory_space<vmem>> -> memref<128xi32, #tpu.memory_space<vmem>>
      %dma_wait3A_139 = arith.constant 0 : i32
      %dma_wait3A_140 = arith.constant 0 : i32
      %dma_wait3A_141 = tpu.memref_slice %arg2[%dma_wait3A_139, %dma_wait3A_140] : memref<10000x128xf32, #tpu.memory_space<hbm>> -> memref<10000x128xf32, #tpu.memory_space<hbm>>
      tpu.wait_indirect_dma semaphore(%arg13 : memref<!tpu.dma_semaphore, #tpu.memory_space<semaphore_mem>>) src(%dma_wait3A_141 : memref<10000x128xf32, #tpu.memory_space<hbm>>) dst(%arg11 : memref<128x128xf32, #tpu.memory_space<vmem>>)
      %add3A_142 = arith.constant 1 : i32
      %add3A_143 = arith.addi %mul3A_54, %add3A_142 : i32
      %dma_start3A_144 = arith.constant 0 : i32
      %dma_start3A_145 = tpu.memref_slice %arg9[%rem3A_50, %add3A_143, %dma_start3A_144] : memref<2x20x128xi32, #tpu.memory_space<vmem>> -> memref<1x1x128xi32, #tpu.memory_space<vmem>>
      %dma_start3A_146 = tpu.memref_squeeze %dma_start3A_145 : memref<1x1x128xi32, #tpu.memory_space<vmem>> -> memref<128xi32, #tpu.memory_space<vmem>>
      %dma_start3A_147 = arith.constant 0 : i32
      %dma_start3A_148 = arith.constant 0 : i32
      %dma_start3A_149 = tpu.memref_slice %arg7[%dma_start3A_147, %dma_start3A_148] : memref<10240x128xf32, #tpu.memory_space<vmem_shared>> -> memref<10240x128xf32, #tpu.memory_space<vmem_shared>>
      tpu.enqueue_indirect_dma source(%arg11 : memref<128x128xf32, #tpu.memory_space<vmem>>) target(%dma_start3A_149 : memref<10240x128xf32, #tpu.memory_space<vmem_shared>>) offsets(%dma_start3A_146 : memref<128xi32, #tpu.memory_space<vmem>>) semaphore(%arg15 : memref<!tpu.dma_semaphore, #tpu.memory_space<semaphore_mem>>) {add = true}
    }
    %scan3A_23 = arith.constant 40 : i32
    %dma_wait3A = arith.constant 0 : i32
    %dma_wait3A_24 = arith.constant 0 : i32
    %dma_wait3A_25 = arith.constant 0 : i32
    %dma_wait3A_26 = tpu.memref_slice %arg9[%dma_wait3A, %dma_wait3A_24, %dma_wait3A_25] : memref<2x20x128xi32, #tpu.memory_space<vmem>> -> memref<1x1x128xi32, #tpu.memory_space<vmem>>
    %dma_wait3A_27 = tpu.memref_squeeze %dma_wait3A_26 : memref<1x1x128xi32, #tpu.memory_space<vmem>> -> memref<128xi32, #tpu.memory_space<vmem>>
    %dma_wait3A_28 = arith.constant 0 : i32
    %dma_wait3A_29 = arith.constant 0 : i32
    %dma_wait3A_30 = tpu.memref_slice %arg7[%dma_wait3A_28, %dma_wait3A_29] : memref<10240x128xf32, #tpu.memory_space<vmem_shared>> -> memref<10240x128xf32, #tpu.memory_space<vmem_shared>>
    tpu.wait_indirect_dma semaphore(%arg15 : memref<!tpu.dma_semaphore, #tpu.memory_space<semaphore_mem>>) src(%arg11 : memref<128x128xf32, #tpu.memory_space<vmem>>) dst(%dma_wait3A_30 : memref<10240x128xf32, #tpu.memory_space<vmem_shared>>)
    %barrier3A_31 = arith.constant 0 : index
    tpu.barrier barrier_id(%barrier3A_31)
    "tpu.region"() ({
      %run_scoped3A_32 = tpu.sem_alloc : memref<!tpu.dma_semaphore, #tpu.memory_space<semaphore_mem>>
      %dma_start3A_33 = arith.constant 0 : i32
      %dma_start3A_34 = tpu.memref_slice %arg6[%arg0, %mul3A_0, %dma_start3A_33] : memref<2x10240x128xf32, #tpu.memory_space<hbm>> -> memref<1x640x128xf32, #tpu.memory_space<hbm>>
      %dma_start3A_35 = tpu.memref_squeeze %dma_start3A_34 : memref<1x640x128xf32, #tpu.memory_space<hbm>> -> memref<640x128xf32, #tpu.memory_space<hbm>>
      %dma_start3A_36 = arith.constant 0 : i32
      %dma_start3A_37 = tpu.memref_slice %arg7[%mul3A_0, %dma_start3A_36] : memref<10240x128xf32, #tpu.memory_space<vmem_shared>> -> memref<640x128xf32, #tpu.memory_space<vmem_shared>>
      tpu.enqueue_dma source(%dma_start3A_37 : memref<640x128xf32, #tpu.memory_space<vmem_shared>>) target(%dma_start3A_35 : memref<640x128xf32, #tpu.memory_space<hbm>>) target_semaphore(%run_scoped3A_32 : memref<!tpu.dma_semaphore, #tpu.memory_space<semaphore_mem>>)
      %dma_wait3A_38 = arith.constant 0 : i32
      %dma_wait3A_39 = tpu.memref_slice %arg6[%arg0, %mul3A_0, %dma_wait3A_38] : memref<2x10240x128xf32, #tpu.memory_space<hbm>> -> memref<1x640x128xf32, #tpu.memory_space<hbm>>
      %dma_wait3A_40 = tpu.memref_squeeze %dma_wait3A_39 : memref<1x640x128xf32, #tpu.memory_space<hbm>> -> memref<640x128xf32, #tpu.memory_space<hbm>>
      %dma_wait3A_41 = arith.constant 0 : i32
      %dma_wait3A_42 = tpu.memref_slice %arg7[%mul3A_0, %dma_wait3A_41] : memref<10240x128xf32, #tpu.memory_space<vmem_shared>> -> memref<640x128xf32, #tpu.memory_space<vmem_shared>>
      tpu.wait_dma2 semaphore(%run_scoped3A_32 : memref<!tpu.dma_semaphore, #tpu.memory_space<semaphore_mem>>) src(%dma_wait3A_42 : memref<640x128xf32, #tpu.memory_space<vmem_shared>>) dst(%dma_wait3A_40 : memref<640x128xf32, #tpu.memory_space<hbm>>)
      tpu.yield
    }) : () -> ()
    return
  }
}

module attributes {stable_mosaic.version = 14 : i64} {
  func.func @_mlp_body(%arg0: i32, %arg1: memref<1000x128xf32, #tpu.memory_space<vmem>>, %arg2: memref<2x1000x128xf32, #tpu.memory_space<vmem>>, %arg3: memref<128x128xf32, #tpu.memory_space<vmem>>, %arg4: memref<1x128xf32, #tpu.memory_space<vmem>>, %arg5: memref<128x128xf32, #tpu.memory_space<vmem>>, %arg6: memref<1x128xf32, #tpu.memory_space<vmem>>, %arg7: memref<1000x128xf32, #tpu.memory_space<vmem>>) attributes {dimension_semantics = [#tpu.dimension_semantics<arbitrary>], iteration_bounds = array<i64: 10>, scalar_prefetch = 0 : i64, scratch_operands = 0 : i64, tpu.core_type = #tpu.core_type<tc>, window_params = [{transform_indices = @transform_0, window_bounds = array<i64: 1000, 128>}, {transform_indices = @transform_1, window_bounds = array<i64: 2, 1000, 128>}, {pipeline_mode = #tpu.pipeline_mode<synchronous>, transform_indices = @transform_2, window_bounds = array<i64: 128, 128>}, {pipeline_mode = #tpu.pipeline_mode<synchronous>, transform_indices = @transform_3, window_bounds = array<i64: 1, 128>}, {pipeline_mode = #tpu.pipeline_mode<synchronous>, transform_indices = @transform_4, window_bounds = array<i64: 128, 128>}, {pipeline_mode = #tpu.pipeline_mode<synchronous>, transform_indices = @transform_5, window_bounds = array<i64: 1, 128>}, {transform_indices = @transform_6, window_bounds = array<i64: 1000, 128>}]} {
    %get3A = arith.constant 0 : index
    %get3A_0 = arith.constant 0 : index
    %get3A_1 = vector.load %arg1[%get3A, %get3A_0] : memref<1000x128xf32, #tpu.memory_space<vmem>>, vector<1000x128xf32>
    %get3A_2 = arith.constant 0 : index
    %get3A_3 = arith.constant 0 : index
    %get3A_4 = arith.constant 0 : index
    %get3A_5 = vector.load %arg2[%get3A_2, %get3A_3, %get3A_4] : memref<2x1000x128xf32, #tpu.memory_space<vmem>>, vector<1x1000x128xf32>
    %get3A_6 = vector.shape_cast %get3A_5 : vector<1x1000x128xf32> to vector<1000x128xf32>
    %add3A = arith.addf %get3A_1, %get3A_6 : vector<1000x128xf32>
    %get3A_7 = arith.constant 1 : index
    %get3A_8 = arith.constant 0 : index
    %get3A_9 = arith.constant 0 : index
    %get3A_10 = vector.load %arg2[%get3A_7, %get3A_8, %get3A_9] : memref<2x1000x128xf32, #tpu.memory_space<vmem>>, vector<1x1000x128xf32>
    %get3A_11 = vector.shape_cast %get3A_10 : vector<1x1000x128xf32> to vector<1000x128xf32>
    %add3A_12 = arith.addf %add3A, %get3A_11 : vector<1000x128xf32>
    %get3A_13 = arith.constant 0 : index
    %get3A_14 = arith.constant 0 : index
    %get3A_15 = vector.load %arg3[%get3A_13, %get3A_14] : memref<128x128xf32, #tpu.memory_space<vmem>>, vector<128x128xf32>
    %dot_general3A = arith.constant dense<0.000000e+00> : vector<1000x128xf32>
    %dot_general3A_16 = tpu.matmul %add3A_12, %get3A_15, %dot_general3A {dimension_numbers = #tpu.dot_dimension_numbers<[1], [0], [0], [1], [0, 0, 1, 1], [], []>, transpose_lhs_hint = false} : vector<1000x128xf32>, vector<128x128xf32>, vector<1000x128xf32> -> vector<1000x128xf32>
    %get3A_17 = arith.constant 0 : index
    %get3A_18 = arith.constant 0 : index
    %get3A_19 = vector.load %arg4[%get3A_17, %get3A_18] : memref<1x128xf32, #tpu.memory_space<vmem>>, vector<1x128xf32>
    %add3A_20 = vector.broadcast %get3A_19 : vector<1x128xf32> to vector<1000x128xf32>
    %add3A_21 = arith.addf %dot_general3A_16, %add3A_20 : vector<1000x128xf32>
    %max3A = arith.constant 0.000000e+00 : f32
    %max3A_22 = vector.broadcast %max3A : f32 to vector<1000x128xf32>
    %max3A_23 = arith.maximumf %add3A_21, %max3A_22 : vector<1000x128xf32>
    %get3A_24 = arith.constant 0 : index
    %get3A_25 = arith.constant 0 : index
    %get3A_26 = vector.load %arg5[%get3A_24, %get3A_25] : memref<128x128xf32, #tpu.memory_space<vmem>>, vector<128x128xf32>
    %dot_general3A_27 = arith.constant dense<0.000000e+00> : vector<1000x128xf32>
    %dot_general3A_28 = tpu.matmul %max3A_23, %get3A_26, %dot_general3A_27 {dimension_numbers = #tpu.dot_dimension_numbers<[1], [0], [0], [1], [0, 0, 1, 1], [], []>, transpose_lhs_hint = false} : vector<1000x128xf32>, vector<128x128xf32>, vector<1000x128xf32> -> vector<1000x128xf32>
    %get3A_29 = arith.constant 0 : index
    %get3A_30 = arith.constant 0 : index
    %get3A_31 = vector.load %arg6[%get3A_29, %get3A_30] : memref<1x128xf32, #tpu.memory_space<vmem>>, vector<1x128xf32>
    %add3A_32 = vector.broadcast %get3A_31 : vector<1x128xf32> to vector<1000x128xf32>
    %add3A_33 = arith.addf %dot_general3A_28, %add3A_32 : vector<1000x128xf32>
    %max3A_34 = arith.constant 0.000000e+00 : f32
    %max3A_35 = vector.broadcast %max3A_34 : f32 to vector<1000x128xf32>
    %max3A_36 = arith.maximumf %add3A_33, %max3A_35 : vector<1000x128xf32>
    %swap3A = arith.constant 0 : index
    %swap3A_37 = arith.constant 0 : index
    %swap3A_38 = vector.load %arg7[%swap3A, %swap3A_37] : memref<1000x128xf32, #tpu.memory_space<vmem>>, vector<1000x128xf32>
    tpu.vector_store %arg7[%swap3A, %swap3A_37], %max3A_36 {strides = array<i32>} : memref<1000x128xf32, #tpu.memory_space<vmem>>, vector<1000x128xf32>,
    return
  }
  func.func @transform_0(%arg0: i32) -> (i32, i32) {
    %c0_i32 = arith.constant 0 : i32
    %c0_i32_0 = arith.constant 0 : i32
    return %arg0, %c0_i32 : i32, i32
  }
  func.func @transform_1(%arg0: i32) -> (i32, i32, i32) {
    %c0_i32 = arith.constant 0 : i32
    %c0_i32_0 = arith.constant 0 : i32
    %c0_i32_1 = arith.constant 0 : i32
    return %c0_i32, %arg0, %c0_i32_0 : i32, i32, i32
  }
  func.func @transform_2(%arg0: i32) -> (i32, i32) {
    %c0_i32 = arith.constant 0 : i32
    %c0_i32_0 = arith.constant 0 : i32
    %c0_i32_1 = arith.constant 0 : i32
    return %c0_i32, %c0_i32_0 : i32, i32
  }
  func.func @transform_3(%arg0: i32) -> (i32, i32) {
    %c0_i32 = arith.constant 0 : i32
    %c0_i32_0 = arith.constant 0 : i32
    %c0_i32_1 = arith.constant 0 : i32
    return %c0_i32, %c0_i32_0 : i32, i32
  }
  func.func @transform_4(%arg0: i32) -> (i32, i32) {
    %c0_i32 = arith.constant 0 : i32
    %c0_i32_0 = arith.constant 0 : i32
    %c0_i32_1 = arith.constant 0 : i32
    return %c0_i32, %c0_i32_0 : i32, i32
  }
  func.func @transform_5(%arg0: i32) -> (i32, i32) {
    %c0_i32 = arith.constant 0 : i32
    %c0_i32_0 = arith.constant 0 : i32
    %c0_i32_1 = arith.constant 0 : i32
    return %c0_i32, %c0_i32_0 : i32, i32
  }
  func.func @transform_6(%arg0: i32) -> (i32, i32) {
    %c0_i32 = arith.constant 0 : i32
    %c0_i32_0 = arith.constant 0 : i32
    return %arg0, %c0_i32 : i32, i32
  }
}

module attributes {stable_mosaic.version = 14 : i64} {
  func.func @_mlp_pool_body(%arg0: i32, %arg1: memref<1000x128xf32, #tpu.memory_space<vmem>>, %arg2: memref<2x1000x128xf32, #tpu.memory_space<vmem>>, %arg3: memref<1x1x1000xi32, #tpu.memory_space<vmem>>, %arg4: memref<128x128xf32, #tpu.memory_space<vmem>>, %arg5: memref<1x128xf32, #tpu.memory_space<vmem>>, %arg6: memref<128x128xf32, #tpu.memory_space<vmem>>, %arg7: memref<1x128xf32, #tpu.memory_space<vmem>>, %arg8: memref<128x128xf32, #tpu.memory_space<vmem>>, %arg9: memref<1x128xf32, #tpu.memory_space<vmem>>, %arg10: memref<128x128xf32, #tpu.memory_space<vmem>>, %arg11: memref<1x128xf32, #tpu.memory_space<vmem>>, %arg12: memref<64x128xf32, #tpu.memory_space<vmem>>, %arg13: memref<64x128xf32, #tpu.memory_space<vmem>>) attributes {dimension_semantics = [#tpu.dimension_semantics<arbitrary>], iteration_bounds = array<i64: 10>, scalar_prefetch = 0 : i64, scratch_operands = 1 : i64, tpu.core_type = #tpu.core_type<tc>, window_params = [{transform_indices = @transform_0, window_bounds = array<i64: 1000, 128>}, {transform_indices = @transform_1, window_bounds = array<i64: 2, 1000, 128>}, {transform_indices = @transform_2, window_bounds = array<i64: 1, 1, 1000>}, {pipeline_mode = #tpu.pipeline_mode<synchronous>, transform_indices = @transform_3, window_bounds = array<i64: 128, 128>}, {pipeline_mode = #tpu.pipeline_mode<synchronous>, transform_indices = @transform_4, window_bounds = array<i64: 1, 128>}, {pipeline_mode = #tpu.pipeline_mode<synchronous>, transform_indices = @transform_5, window_bounds = array<i64: 128, 128>}, {pipeline_mode = #tpu.pipeline_mode<synchronous>, transform_indices = @transform_6, window_bounds = array<i64: 1, 128>}, {pipeline_mode = #tpu.pipeline_mode<synchronous>, transform_indices = @transform_7, window_bounds = array<i64: 128, 128>}, {pipeline_mode = #tpu.pipeline_mode<synchronous>, transform_indices = @transform_8, window_bounds = array<i64: 1, 128>}, {pipeline_mode = #tpu.pipeline_mode<synchronous>, transform_indices = @transform_9, window_bounds = array<i64: 128, 128>}, {pipeline_mode = #tpu.pipeline_mode<synchronous>, transform_indices = @transform_10, window_bounds = array<i64: 1, 128>}, {pipeline_mode = #tpu.pipeline_mode<synchronous>, transform_indices = @transform_11, window_bounds = array<i64: 64, 128>}]} {
    %get3A = arith.constant 0 : index
    %get3A_0 = arith.constant 0 : index
    %get3A_1 = vector.load %arg1[%get3A, %get3A_0] : memref<1000x128xf32, #tpu.memory_space<vmem>>, vector<1000x128xf32>
    %get3A_2 = arith.constant 0 : index
    %get3A_3 = arith.constant 0 : index
    %get3A_4 = arith.constant 0 : index
    %get3A_5 = vector.load %arg2[%get3A_2, %get3A_3, %get3A_4] : memref<2x1000x128xf32, #tpu.memory_space<vmem>>, vector<1x1000x128xf32>
    %get3A_6 = vector.shape_cast %get3A_5 : vector<1x1000x128xf32> to vector<1000x128xf32>
    %add3A = arith.addf %get3A_1, %get3A_6 : vector<1000x128xf32>
    %get3A_7 = arith.constant 1 : index
    %get3A_8 = arith.constant 0 : index
    %get3A_9 = arith.constant 0 : index
    %get3A_10 = vector.load %arg2[%get3A_7, %get3A_8, %get3A_9] : memref<2x1000x128xf32, #tpu.memory_space<vmem>>, vector<1x1000x128xf32>
    %get3A_11 = vector.shape_cast %get3A_10 : vector<1x1000x128xf32> to vector<1000x128xf32>
    %add3A_12 = arith.addf %add3A, %get3A_11 : vector<1000x128xf32>
    %get3A_13 = arith.constant 0 : index
    %get3A_14 = arith.constant 0 : index
    %get3A_15 = vector.load %arg4[%get3A_13, %get3A_14] : memref<128x128xf32, #tpu.memory_space<vmem>>, vector<128x128xf32>
    %dot_general3A = arith.constant dense<0.000000e+00> : vector<1000x128xf32>
    %dot_general3A_16 = tpu.matmul %add3A_12, %get3A_15, %dot_general3A {dimension_numbers = #tpu.dot_dimension_numbers<[1], [0], [0], [1], [0, 0, 1, 1], [], []>, transpose_lhs_hint = false} : vector<1000x128xf32>, vector<128x128xf32>, vector<1000x128xf32> -> vector<1000x128xf32>
    %get3A_17 = arith.constant 0 : index
    %get3A_18 = arith.constant 0 : index
    %get3A_19 = vector.load %arg5[%get3A_17, %get3A_18] : memref<1x128xf32, #tpu.memory_space<vmem>>, vector<1x128xf32>
    %add3A_20 = vector.broadcast %get3A_19 : vector<1x128xf32> to vector<1000x128xf32>
    %add3A_21 = arith.addf %dot_general3A_16, %add3A_20 : vector<1000x128xf32>
    %max3A = arith.constant 0.000000e+00 : f32
    %max3A_22 = vector.broadcast %max3A : f32 to vector<1000x128xf32>
    %max3A_23 = arith.maximumf %add3A_21, %max3A_22 : vector<1000x128xf32>
    %get3A_24 = arith.constant 0 : index
    %get3A_25 = arith.constant 0 : index
    %get3A_26 = vector.load %arg6[%get3A_24, %get3A_25] : memref<128x128xf32, #tpu.memory_space<vmem>>, vector<128x128xf32>
    %dot_general3A_27 = arith.constant dense<0.000000e+00> : vector<1000x128xf32>
    %dot_general3A_28 = tpu.matmul %max3A_23, %get3A_26, %dot_general3A_27 {dimension_numbers = #tpu.dot_dimension_numbers<[1], [0], [0], [1], [0, 0, 1, 1], [], []>, transpose_lhs_hint = false} : vector<1000x128xf32>, vector<128x128xf32>, vector<1000x128xf32> -> vector<1000x128xf32>
    %get3A_29 = arith.constant 0 : index
    %get3A_30 = arith.constant 0 : index
    %get3A_31 = vector.load %arg7[%get3A_29, %get3A_30] : memref<1x128xf32, #tpu.memory_space<vmem>>, vector<1x128xf32>
    %add3A_32 = vector.broadcast %get3A_31 : vector<1x128xf32> to vector<1000x128xf32>
    %add3A_33 = arith.addf %dot_general3A_28, %add3A_32 : vector<1000x128xf32>
    %max3A_34 = arith.constant 0.000000e+00 : f32
    %max3A_35 = vector.broadcast %max3A_34 : f32 to vector<1000x128xf32>
    %max3A_36 = arith.maximumf %add3A_33, %max3A_35 : vector<1000x128xf32>
    %get3A_37 = arith.constant 0 : index
    %get3A_38 = arith.constant 0 : index
    %get3A_39 = arith.constant 0 : index
    %get3A_40 = vector.load %arg3[%get3A_37, %get3A_38, %get3A_39] : memref<1x1x1000xi32, #tpu.memory_space<vmem>>, vector<1x1x1000xi32>
    %get3A_41 = vector.shape_cast %get3A_40 : vector<1x1x1000xi32> to vector<1000xi32>
    %iota3A = tpu.iota {dimensions = array<i32: 0>} : vector<64x1000xi32>
    %broadcast_in_dim3A = vector.shape_cast %get3A_41 : vector<1000xi32> to vector<1x1000xi32>
    %eq3A = vector.broadcast %broadcast_in_dim3A : vector<1x1000xi32> to vector<64x1000xi32>
    %eq3A_42 = arith.cmpi eq, %iota3A, %eq3A : vector<64x1000xi32>
    %convert_element_type3A = arith.extui %eq3A_42 : vector<64x1000xi1> to vector<64x1000xi32>
    %convert_element_type3A_43 = arith.sitofp %convert_element_type3A : vector<64x1000xi32> to vector<64x1000xf32>
    %dot_general3A_44 = arith.constant dense<0.000000e+00> : vector<64x128xf32>
    %dot_general3A_45 = tpu.matmul %convert_element_type3A_43, %max3A_36, %dot_general3A_44 {dimension_numbers = #tpu.dot_dimension_numbers<[1], [0], [0], [1], [0, 0, 1, 1], [], []>, transpose_lhs_hint = false} : vector<64x1000xf32>, vector<1000x128xf32>, vector<64x128xf32> -> vector<64x128xf32>
    %eq3A_46 = arith.constant 0 : i32
    %eq3A_47 = arith.cmpi eq, %arg0, %eq3A_46 : i32
    %convert_element_type3A_48 = arith.extui %eq3A_47 : i1 to i32
    %cond3A = arith.constant 0 : i32
    %cond3A_49 = arith.cmpi ne, %convert_element_type3A_48, %cond3A : i32
    scf.if %cond3A_49 {
      %swap3A = arith.constant 0 : index
      %swap3A_59 = arith.constant 0 : index
      %swap3A_60 = vector.load %arg13[%swap3A, %swap3A_59] : memref<64x128xf32, #tpu.memory_space<vmem>>, vector<64x128xf32>
      tpu.vector_store %arg13[%swap3A, %swap3A_59], %dot_general3A_45 {strides = array<i32>} : memref<64x128xf32, #tpu.memory_space<vmem>>, vector<64x128xf32>,
    } else {
    }
    %gt3A = arith.constant 0 : i32
    %gt3A_50 = arith.cmpi sgt, %arg0, %gt3A : i32
    %convert_element_type3A_51 = arith.extui %gt3A_50 : i1 to i32
    %cond3A_52 = arith.constant 0 : i32
    %cond3A_53 = arith.cmpi ne, %convert_element_type3A_51, %cond3A_52 : i32
    scf.if %cond3A_53 {
      %get3A_59 = arith.constant 0 : index
      %get3A_60 = arith.constant 0 : index
      %get3A_61 = vector.load %arg13[%get3A_59, %get3A_60] : memref<64x128xf32, #tpu.memory_space<vmem>>, vector<64x128xf32>
      %add3A_62 = arith.addf %get3A_61, %dot_general3A_45 : vector<64x128xf32>
      %swap3A = arith.constant 0 : index
      %swap3A_63 = arith.constant 0 : index
      %swap3A_64 = vector.load %arg13[%swap3A, %swap3A_63] : memref<64x128xf32, #tpu.memory_space<vmem>>, vector<64x128xf32>
      tpu.vector_store %arg13[%swap3A, %swap3A_63], %add3A_62 {strides = array<i32>} : memref<64x128xf32, #tpu.memory_space<vmem>>, vector<64x128xf32>,
    } else {
    }
    %eq3A_54 = arith.constant 9 : i32
    %eq3A_55 = arith.cmpi eq, %arg0, %eq3A_54 : i32
    %convert_element_type3A_56 = arith.extui %eq3A_55 : i1 to i32
    %cond3A_57 = arith.constant 0 : i32
    %cond3A_58 = arith.cmpi ne, %convert_element_type3A_56, %cond3A_57 : i32
    scf.if %cond3A_58 {
      %get3A_59 = arith.constant 0 : index
      %get3A_60 = arith.constant 0 : index
      %get3A_61 = vector.load %arg13[%get3A_59, %get3A_60] : memref<64x128xf32, #tpu.memory_space<vmem>>, vector<64x128xf32>
      %get3A_62 = arith.constant 0 : index
      %get3A_63 = arith.constant 0 : index
      %get3A_64 = vector.load %arg8[%get3A_62, %get3A_63] : memref<128x128xf32, #tpu.memory_space<vmem>>, vector<128x128xf32>
      %dot_general3A_65 = arith.constant dense<0.000000e+00> : vector<64x128xf32>
      %dot_general3A_66 = tpu.matmul %get3A_61, %get3A_64, %dot_general3A_65 {dimension_numbers = #tpu.dot_dimension_numbers<[1], [0], [0], [1], [0, 0, 1, 1], [], []>, transpose_lhs_hint = false} : vector<64x128xf32>, vector<128x128xf32>, vector<64x128xf32> -> vector<64x128xf32>
      %get3A_67 = arith.constant 0 : index
      %get3A_68 = arith.constant 0 : index
      %get3A_69 = vector.load %arg9[%get3A_67, %get3A_68] : memref<1x128xf32, #tpu.memory_space<vmem>>, vector<1x128xf32>
      %add3A_70 = vector.broadcast %get3A_69 : vector<1x128xf32> to vector<64x128xf32>
      %add3A_71 = arith.addf %dot_general3A_66, %add3A_70 : vector<64x128xf32>
      %max3A_72 = arith.constant 0.000000e+00 : f32
      %max3A_73 = vector.broadcast %max3A_72 : f32 to vector<64x128xf32>
      %max3A_74 = arith.maximumf %add3A_71, %max3A_73 : vector<64x128xf32>
      %get3A_75 = arith.constant 0 : index
      %get3A_76 = arith.constant 0 : index
      %get3A_77 = vector.load %arg10[%get3A_75, %get3A_76] : memref<128x128xf32, #tpu.memory_space<vmem>>, vector<128x128xf32>
      %dot_general3A_78 = arith.constant dense<0.000000e+00> : vector<64x128xf32>
      %dot_general3A_79 = tpu.matmul %max3A_74, %get3A_77, %dot_general3A_78 {dimension_numbers = #tpu.dot_dimension_numbers<[1], [0], [0], [1], [0, 0, 1, 1], [], []>, transpose_lhs_hint = false} : vector<64x128xf32>, vector<128x128xf32>, vector<64x128xf32> -> vector<64x128xf32>
      %get3A_80 = arith.constant 0 : index
      %get3A_81 = arith.constant 0 : index
      %get3A_82 = vector.load %arg11[%get3A_80, %get3A_81] : memref<1x128xf32, #tpu.memory_space<vmem>>, vector<1x128xf32>
      %add3A_83 = vector.broadcast %get3A_82 : vector<1x128xf32> to vector<64x128xf32>
      %add3A_84 = arith.addf %dot_general3A_79, %add3A_83 : vector<64x128xf32>
      %swap3A = arith.constant 0 : index
      %swap3A_85 = arith.constant 0 : index
      %swap3A_86 = vector.load %arg12[%swap3A, %swap3A_85] : memref<64x128xf32, #tpu.memory_space<vmem>>, vector<64x128xf32>
      tpu.vector_store %arg12[%swap3A, %swap3A_85], %add3A_84 {strides = array<i32>} : memref<64x128xf32, #tpu.memory_space<vmem>>, vector<64x128xf32>,
    } else {
    }
    return
  }
  func.func @transform_0(%arg0: i32) -> (i32, i32) {
    %c0_i32 = arith.constant 0 : i32
    %c0_i32_0 = arith.constant 0 : i32
    return %arg0, %c0_i32 : i32, i32
  }
  func.func @transform_1(%arg0: i32) -> (i32, i32, i32) {
    %c0_i32 = arith.constant 0 : i32
    %c0_i32_0 = arith.constant 0 : i32
    %c0_i32_1 = arith.constant 0 : i32
    return %c0_i32, %arg0, %c0_i32_0 : i32, i32, i32
  }
  func.func @transform_2(%arg0: i32) -> (i32, i32, i32) {
    %c0_i32 = arith.constant 0 : i32
    %c0_i32_0 = arith.constant 0 : i32
    %c0_i32_1 = arith.constant 0 : i32
    return %arg0, %c0_i32, %c0_i32_0 : i32, i32, i32
  }
  func.func @transform_3(%arg0: i32) -> (i32, i32) {
    %c0_i32 = arith.constant 0 : i32
    %c0_i32_0 = arith.constant 0 : i32
    %c0_i32_1 = arith.constant 0 : i32
    return %c0_i32, %c0_i32_0 : i32, i32
  }
  func.func @transform_4(%arg0: i32) -> (i32, i32) {
    %c0_i32 = arith.constant 0 : i32
    %c0_i32_0 = arith.constant 0 : i32
    %c0_i32_1 = arith.constant 0 : i32
    return %c0_i32, %c0_i32_0 : i32, i32
  }
  func.func @transform_5(%arg0: i32) -> (i32, i32) {
    %c0_i32 = arith.constant 0 : i32
    %c0_i32_0 = arith.constant 0 : i32
    %c0_i32_1 = arith.constant 0 : i32
    return %c0_i32, %c0_i32_0 : i32, i32
  }
  func.func @transform_6(%arg0: i32) -> (i32, i32) {
    %c0_i32 = arith.constant 0 : i32
    %c0_i32_0 = arith.constant 0 : i32
    %c0_i32_1 = arith.constant 0 : i32
    return %c0_i32, %c0_i32_0 : i32, i32
  }
  func.func @transform_7(%arg0: i32) -> (i32, i32) {
    %c0_i32 = arith.constant 0 : i32
    %c0_i32_0 = arith.constant 0 : i32
    %c0_i32_1 = arith.constant 0 : i32
    return %c0_i32, %c0_i32_0 : i32, i32
  }
  func.func @transform_8(%arg0: i32) -> (i32, i32) {
    %c0_i32 = arith.constant 0 : i32
    %c0_i32_0 = arith.constant 0 : i32
    %c0_i32_1 = arith.constant 0 : i32
    return %c0_i32, %c0_i32_0 : i32, i32
  }
  func.func @transform_9(%arg0: i32) -> (i32, i32) {
    %c0_i32 = arith.constant 0 : i32
    %c0_i32_0 = arith.constant 0 : i32
    %c0_i32_1 = arith.constant 0 : i32
    return %c0_i32, %c0_i32_0 : i32, i32
  }
  func.func @transform_10(%arg0: i32) -> (i32, i32) {
    %c0_i32 = arith.constant 0 : i32
    %c0_i32_0 = arith.constant 0 : i32
    %c0_i32_1 = arith.constant 0 : i32
    return %c0_i32, %c0_i32_0 : i32, i32
  }
  func.func @transform_11(%arg0: i32) -> (i32, i32) {
    %c0_i32 = arith.constant 0 : i32
    %c0_i32_0 = arith.constant 0 : i32
    %c0_i32_1 = arith.constant 0 : i32
    return %c0_i32, %c0_i32_0 : i32, i32
  }
}

</mosaic_0001>

<sc_bundles>
// kernel: kernel.11.cloned.1.call-start
scs
__scs_entry_jumppad:
0x0: {  	(pc) =	sbr.rel $0x88, $3  }
0x1: {  	(tag) =	ssettag $0x0;
	lr =	simm.s32 $0x1  }
0x2: {  	[smem:$0x3F8E] =	sst lr;
	_ =	strace $0xD0000000  }
0x3: {  	_ = 	snop  }
0x4: {  	_ = 	snop  }
0x5: {  	_ = 	snop  }
0x6: {  	_ = 	snop  }
0x7: {  	_ = 	snop  }
__scs_overlays_trampoline_lowered:
0x8: {  	[smem:$0x3F9D] =	sst s0  }
0x9: {  	[smem:$0x3F9E] =	sst s1  }
0xa: {  	[smem:$0x3F9F] =	sst s2  }
0xb: {  	[smem:$0x3FA0] =	sst s3  }
0xc: {  	[smem:$0x3FA1] =	sst s4  }
0xd: {  	[smem:$0x3FA2] =	sst s5  }
0xe: {  	[smem:$0x3FA3] =	sst s6  }
0xf: {  	[smem:$0x3FA4] =	sst s7  }
0x10: {  	[smem:$0x3FA5] =	sst s8  }
0x11: {  	[smem:$0x3FA6] =	sst s9;
	s0 =	simm.s32 @!p0 $0x0  }
0x12: {  	s1 =	sld [smem:$0x3F8C];
	s0 =	simm.s32 @p0 $0x1  }
0x13: {  	[smem:$0x3FA7] =	sst s0;
	s0 =	simm.s32 @!p1 $0x0  }
0x14: {  	s2 =	sld [smem:$0x3F8B];
	s0 =	simm.s32 @p1 $0x1  }
0x15: {  	[smem:$0x3FA8] =	sst s0;
	s0 =	simm.s32 @!p2 $0x0  }
0x16: {  	s3 =	sld [smem:$0x3FDB];
	s0 =	simm.s32 @p2 $0x1  }
0x17: {  	s4 =	simm.s32 $0x1BF5;
	[smem:$0x3FAA] =	sst s0  }
0x18: {  	s0 =	sld [smem:$0x3F8D];
	_ =	swait.ge [sflag:s4], $0x0  }
0x19: {  	s7 =	sld [smem:$0x3F8E]  }
0x1a: {  	s8 =	sadd.s32 $0xFFFFE003, lr  }
0x1b: {  	s9 =	sadd.s32 $0xFFFFFEF7, lr;
	s5 =	simm.s32 $0xFFFFFFFF;
	p2 =	slt.u32 s8, $0xFFFFF086  }
0x1c: {  	p1 =	slt.u32 s9, $0xF7A;
	s5 =	simm.s32 @!p2 $0x0  }
0x1d: {  	s5 =	simm.s32 @p1 $0x1;
	p0 =	seq.s32 s7, s2  }
0x1e: {  	s7 =	smul.u32 @!p0 $0xF7A, s2;
	p2 =	seq.s32 @!p0 s5, $0x0  }
0x1f: {  	s9 =	smul.u32 $0xF7A, s1;
	s8 =	simm.s32 @!p0 $0x1BF5;
	p2 =	por !p2, p0  }
0x20: {  	[sflag:s8] =	ssyncset.s32 @!p0 $0xFFFFF086;
	s6 =	sadd.s32 @!p0 s3, s7;
	s7 =	simm.s32 @!p0 $0x108  }
0x21: {  	s3 =	sadd.s32 s3, s9;
	s6 =	sadd.s32 @!p0 $0x88, s6;
	s7 =	simm.s32 @p2 $0x1082  }
0x22: {  	[simem:s7], [sflag:s8] =	dma.local @!p0 [hbm:s6], $0xF7A  }
0x23: {  	s9 =	sor.u32 $0xD0000000, s2;
	s6 =	simm.s32 $0x108;
	_ =	swait.ge @!p0 [sflag:s8], $0x0  }
0x24: {  	s3 =	sadd.s32 $0x88, s3;
	s6 =	simm.s32 @!p1 $0x1082;
	[sflag:s4] =	ssyncset.s32 $0xFFFFF086  }
0x25: {  	[simem:s6], [sflag:s4] =	dma.local [hbm:s3], $0xF7A  }
0x26: {  	[smem:$0x3F8E] =	sst s1;
	(tag) =	ssettag s2;
	_ =	strace s9  }
0x27: {  	s1 =	sld [smem:$0x3F9E]  }
0x28: {  	s2 =	sld [smem:$0x3F9F]  }
0x29: {  	s4 =	sld [smem:$0x3FA1]  }
0x2a: {  	p0 =	seq.s32 s5, $0x0;
	s5 =	sld [smem:$0x3FA2]  }
0x2b: {  	s6 =	sld [smem:$0x3FA3]  }
0x2c: {  	s7 =	sld [smem:$0x3FA4]  }
0x2d: {  	s3 =	simm.s32 $0x108;
	s8 =	sld [smem:$0x3FA5]  }
0x2e: {  	s3 =	simm.s32 @!p0 $0x1082;
	s9 =	sld [smem:$0x3FA6]  }
0x2f: {  	lr =	sadd.s32 s0, s3;
	s0 =	sld [smem:$0x3F9D]  }
0x30: {  	s3 =	sld [smem:$0x3FA0]  }
0x31: {  	[smem:$0x3FA9] =	sst s10  }
0x32: {  	s10 =	sld [smem:$0x3FA7];
	_ =	sdelay $0x3  }
0x33: {  	p0 =	seq.s32 s10, $0x1;
	s10 =	sld [smem:$0x3FA9];
	_ =	sdelay $0x3  }
0x34: {  	[smem:$0x3FA9] =	sst s10  }
0x35: {  	s10 =	sld [smem:$0x3FA8];
	_ =	sdelay $0x3  }
0x36: {  	p1 =	seq.s32 s10, $0x1;
	s10 =	sld [smem:$0x3FA9];
	_ =	sdelay $0x3  }
0x37: {  	[smem:$0x3FA9] =	sst s10  }
0x38: {  	s10 =	sld [smem:$0x3FAA]  }
0x39: {  	_ = 	snop;
	(pc) =	sbr.ind lr, $3  }
0x3a: {  	_ = 	snop  }
0x3b: {  	_ = 	snop  }
0x3c: {  	p2 =	seq.s32 s10, $0x1;
	s10 =	sld [smem:$0x3FA9]  }
0x3d: {  	_ =	shalt  }
0x3e: {  	_ =	shalt  }
0x3f: {  	_ =	shalt  }
0x40: {  	_ =	shalt  }
0x41: {  	_ =	shalt  }
0x42: {  	_ =	shalt  }
0x43: {  	_ =	shalt  }
0x44: {  	_ =	shalt  }
0x45: {  	_ =	shalt  }
0x46: {  	_ =	shalt  }
0x47: {  	_ =	shalt  }
0x48: {  	_ =	shalt  }
0x49: {  	_ =	shalt  }
0x4a: {  	_ =	shalt  }
0x4b: {  	_ =	shalt  }
0x4c: {  	_ =	shalt  }
0x4d: {  	_ =	shalt  }
0x4e: {  	_ =	shalt  }
0x4f: {  	_ =	shalt  }
0x50: {  	_ =	shalt  }
0x51: {  	_ =	shalt  }
0x52: {  	_ =	shalt  }
0x53: {  	_ =	shalt  }
0x54: {  	_ =	shalt  }
0x55: {  	_ =	shalt  }
0x56: {  	_ =	shalt  }
0x57: {  	_ =	shalt  }
0x58: {  	_ =	shalt  }
0x59: {  	_ =	shalt  }
0x5a: {  	_ =	shalt  }
0x5b: {  	_ =	shalt  }
0x5c: {  	_ =	shalt  }
0x5d: {  	_ =	shalt  }
0x5e: {  	_ =	shalt  }
0x5f: {  	_ =	shalt  }
0x60: {  	_ =	shalt  }
0x61: {  	_ =	shalt  }
0x62: {  	_ =	shalt  }
0x63: {  	_ =	shalt  }
0x64: {  	_ =	shalt  }
0x65: {  	_ =	shalt  }
0x66: {  	_ =	shalt  }
0x67: {  	_ =	shalt  }
0x68: {  	_ =	shalt  }
0x69: {  	_ =	shalt  }
0x6a: {  	_ =	shalt  }
0x6b: {  	_ =	shalt  }
0x6c: {  	_ =	shalt  }
0x6d: {  	_ =	shalt  }
0x6e: {  	_ =	shalt  }
0x6f: {  	_ =	shalt  }
0x70: {  	_ =	shalt  }
0x71: {  	_ =	shalt  }
0x72: {  	_ =	shalt  }
0x73: {  	_ =	shalt  }
0x74: {  	_ =	shalt  }
0x75: {  	_ =	shalt  }
0x76: {  	_ =	shalt  }
0x77: {  	_ =	shalt  }
0x78: {  	_ =	shalt  }
0x79: {  	_ =	shalt  }
0x7a: {  	_ =	shalt  }
0x7b: {  	_ =	shalt  }
0x7c: {  	_ =	shalt  }
0x7d: {  	_ =	shalt  }
0x7e: {  	_ =	shalt  }
0x7f: {  	_ =	shalt  }
0x80: {  	_ =	shalt  }
0x81: {  	_ =	shalt  }
0x82: {  	_ =	shalt  }
0x83: {  	_ =	shalt  }
0x84: {  	_ =	shalt  }
0x85: {  	_ =	shalt  }
0x86: {  	_ =	shalt  }
0x87: {  	_ =	shalt  }
.Lfunc_end0:
.L_simem_size_0:
called_computation.1_lowered:
.L_overlay_start_0:
0x88: {  	s2 =	sld [smem:$0x3FD9]  }
0x89: {  	s3 =	sld [smem:$0x3FFE];
	_ =	sdelay $0x1  }
0x8a: {  	s1 =	srdreg.scid  }
0x8b: {  	s0 =	sand.u32 $0x1, s1  }
0x8c: {  	s16 =	sshll.u32 s0, $0xA;
	s2 =	sadd.s32 s3, s2  }
0x8d: {  	s2 =	sadd.s32 s2, s16  }
0x8e: {  	[smem:$0x3FB5] =	sst s2  }
0x8f: {  	_ = 	snop  }
0x90: {  	(tm) =	ssettm $0x1  }
0x91: {  	s17 =	sld [smem:$0x3FFB];
	_ =	sdelay $0x3  }
0x92: {  	_ =	strace s17  }
0x93: {  	s2 =	sld [smem:$0x3FFC];
	_ =	sdelay $0x3  }
0x94: {  	_ =	strace s2  }
0x95: {  	s2 =	sld [smem:$0x3FFD];
	_ =	sdelay $0x3  }
0x96: {  	_ =	strace s2  }
0x97: {  	_ =	strace $0x8FFFFFFF  }
0x98: {  	s18 =	sld [smem:$0x3FDB];
	_ =	sdelay $0x1  }
0x99: {  	s19 =	simm.s32 $_scs_section_size  }
0x9a: {  	s4 =	simm.s32 $_size__tile_overlayer_lowered;
	s5 =	simm.s32 $_tile_overlayer_lowered  }
0x9b: {  	s22 =	simm.s32 $0x1BFF;
	s21 =	sshll.u32 s5, $0x1;
	s2 =	sadd.s32 s19, s18  }
0x9c: {  	s6 =	simm.s32 $0x0;
	s20 =	sshll.u32 s4, $0x1;
	s4 =	sadd.s32 s21, s2  }
0x9d: {  	[timem:s6], [sflag:s22] =	dma.local [hbm:s4], s20  }
0x9e: {  	_ =	swait.ge [sflag:s22], s20  }
0x9f: {  	s3 =	ssub.s32 $0x0, s20;
	[sflag:s22] =	ssyncset.done $0x0  }
0xa0: {  	[sflag:s22] =	ssyncadd.s32 s3;
	_ =	sdelay $0x1  }
0xa1: {  	s23 =	simm.s32 $0x1B8B  }
0xa2: {  	_ =	swait.ge [sflag:s23], $0x1  }
0xa3: {  	[sflag:s23] =	ssyncset.done $0x0  }
0xa4: {  	s25 =	simm.s32 $0x1B8E;
	s24 =	sld [smem:$0x3FFE];
	[sflag:s23] =	ssyncadd.s32 $0xFFFFFFFF  }
0xa5: {  	s26 =	simm.s32 $execute0_lowered;
	[smem:$0x3FD2] =	sst s25  }
0xa6: {  	s4 =	sshll.u32 s26, $0x1;
	_ =	strace $0x80000049;
	[dreg:$0x1] =	wrdreg $0xFFFFFFFF  }
0xa7: {  	s28 =	simm.s32 $_size_execute0_lowered;
	s2 =	sadd.s32 s2, s4;
	[dreg:$0x0] =	wrdreg $0x0  }
0xa8: {  	s4 =	sshll.u32 s28, $0x1;
	[dreg:$0x2] =	wrdreg s2  }
0xa9: {  	[dreg:$0x3] =	wrdreg s4  }
0xaa: {  	[dreg:$0x4] =	wrdreg $0xC0  }
0xab: {  	_ =	task [dreg:s6], $0x5FFFF  }
0xac: {  	[dreg:$0x1] =	wrdreg $0xFFFFFFFF  }
0xad: {  	[dreg:$0x0] =	wrdreg $0x60  }
0xae: {  	[dreg:$0x2] =	wrdreg s24  }
0xaf: {  	[dreg:$0x3] =	wrdreg $0x0  }
0xb0: {  	[dreg:$0x4] =	wrdreg $0x9  }
0xb1: {  	_ =	task.clear_ibuf [dreg:s6], $0x5FFFF;
	_ =	strace $0x90000049  }
0xb2: {  	s29 =	simm.s32 $0x9;
	_ =	strace $0x8000004B  }
0xb3: {  	_ =	swait.ge [sflag:s29], $0x1  }
0xb4: {  	[sflag:s29] =	ssyncadd.s32 $0xFFFFFFFF  }
0xb5: {  	_ =	strace $0x9000004B  }
0xb6: {  	_ =	sfence  }
0xb7: {  	s30 =	sld [smem:$0x0];
	_ =	sdelay $0x2  }
0xb8: {  	s31 =	sshll.u32 s1, $0xD;
	s1 =	sshrl.u32 s1, $0x2  }
0xb9: {  	s3 =	sand.u32 $0x4000, s31;
	s1 =	sadd.s32 s1, s30  }
0xba: {  	s0 =	sor.u32 s3, s0;
	s1 =	sshll.u32 s1, $0x11  }
0xbb: {  	s0 =	sor.u32 s1, s0  }
0xbc: {  	s0 =	sadd.s32 $0x8F2B, s0  }
0xbd: {  	[sflag:s0] =	ssyncadd.remote.s32 $0x1  }
0xbe: {  	_ =	sfence.sel $0xFFFF  }
0xbf: {  	[dreg:$0x0] =	wrdreg $0xFFFFFFFF;
	(pc) =	sbr.abs _section_cstart, $3  }
0xc0: {  	[dreg:$0x1] =	wrdreg $0xFFFFFFFF  }
0xc1: {  	_ =	task.clear_ibuf [dreg:s6], $0x2FFFF;
	_ =	strace $0x9FFFFFFF  }
0xc2: {  	(tm) =	ssettm $0x7FFFFFFF  }
0xc3: {  	_ =	shalt  }
tec
execute0_lowered:
.L_overlay_start_1:
0x0: {  	(tag) =	ssettag $0x1  }
0x1: {  	s0 =	rddreg [dreg:$0x0]  }
0x2: {  	s2 =	rddreg [dreg:$0x1]  }
0x3: {  	s1 =	simm.s32 $0x0;
	s3 =	stileid.u32;
	s24 =	srdreg.scid  }
0x4: {  	s14 =	simm.s32 $0x7;
	s16 =	simm.s32 $0x80;
	s17 =	simm.s32 $0x17000  }
0x5: {  	s19 =	simm.s32 $0x1B000;
	s22 =	simm.s32 $0x1;
	s7 =	smul.u32 $0x14000, s3  }
0x6: {  	s23 =	simm.s32 $0x3;
	[smem:$0x7FF] =	sst s1;
	s25 =	smul.u32 $0x3000, s3  }
0x7: {  	s1 =	sand.u32 $0x1, s24;
	s4 =	sadd.s32 $0x44200, s0;
	s11 =	smul.u32 $0x50000, s3  }
0x8: {  	s5 =	sadd.s32 $0x4200, s0;
	s6 =	sadd.s32 $0x10200, s0;
	s8 =	smul.u32 $0x140000, s1  }
0x9: {  	_ =	strace $0x8000004A;
	s10 =	smul.u32 $0x30000, s1;
	s1 =	ssub.s32 $0x2, s1  }
0xa: {  	s9 =	sshrl.u32 s7, $0x3;
	s12 =	sshrl.u32 s1, $0x1;
	s26 =	sshrl.u32 s11, $0x2  }
0xb: {  	s9 =	sadd.s32 s9, s0;
	s7 =	sadd.s32 s7, s8;
	s1 =	ssub.s32 s1, s12  }
0xc: {  	s29 =	sadd.s32 s26, s2;
	s7 =	sshrl.u32 s7, $0x3;
	s9 =	sadd.s32 $0x1C200, s9  }
0xd: {  	s30 =	smax.u32 s1, $0x1;
	s0 =	sadd.s32 s7, s0;
	[dreg:$0x5] =	wrdreg s9  }
0xe: {  	s7 =	sadd.s32 s25, s10;
	[dreg:$0x7] =	wrdreg s30;
	s10 =	sshrl.u32 s29, $0x3  }
0xf: {  	s8 =	sshrl.u32 s7, $0x3;
	s0 =	sadd.s32 $0x6B400, s0;
	[dreg:$0x8] =	wrdreg s10  }
0x10: {  	s31 =	sshll.u32 s3, $0x6;
	s28 =	sadd.s32 s5, s8;
	[dreg:$0x6] =	wrdreg s0  }
0x11: {  	s24 =	simm.s32 $0x2;
	s8 =	sadd.s32 s6, s8;
	[dreg:$0x3] =	wrdreg s28  }
0x12: {  	s26 =	simm.s32 $0x0;
	s9 =	sor.u32 $0x1C07, s31;
	[dreg:$0x4] =	wrdreg s8  }
.LBB2_1:
0x13: {  	s0 =	simm.s32 $0x0;
	s1 =	rddreg [dreg:$0x3];
	s3 =	simm.s32 $0x14000  }
0x14: {  	[tilespmem:s3], [sflag:$0x7] =	stream.linear.gather [hbm4b:s1+s0], $0xA00, $0x38;
	[tilespmem:$0x1F000] =	vst v63  }
0x15: {  	_ =	swait.ge [sflag:s14], $0xA00  }
0x16: {  	[sflag:s14] =	ssyncset.done $0x0  }
0x17: {  	s8 =	simm.s32 $0x15800;
	s25 =	rddreg [dreg:$0x4];
	[sflag:s14] =	ssyncadd.s32 $0xFFFFF600  }
0x18: {  	[tilespmem:s8], [sflag:$0x7] =	stream.linear.gather [hbm4b:s25+s0], $0xA00, $0x38;
	[tilespmem:$0x1F000] =	vst v63  }
0x19: {  	s0 =	smul.u32 $0xCD, s0  }
0x1a: {  	s11 =	simm.s32 $0x14080;
	s21 =	smov.u32 s9;
	_ =	swait.ge [sflag:s14], $0xA00  }
0x1b: {  	s28 =	simm.s32 $0x14100;
	[sflag:s14] =	ssyncset.done $0x0;
	s0 =	sshrl.u32 s0, $0xB  }
0x1c: {  	s20 =	smulhi.u32 $0xCCCCCCCD, s24;
	[sflag:s14] =	ssyncadd.s32 $0xFFFFF600;
	s8 =	sand.u32 $0x1F, s0  }
0x1d: {  	[tilespmem:s17], [sflag:$0x1] =	stream.indirect.gather [hbm4b:s4+s16], $0x80, s3, s16, $0xb8;
	[tilespmem:$0x1F000] =	vst v63  }
0x1e: {  	s29 =	simm.s32 $0x4;
	s0 =	sand.u32 $0x1, s0;
	s13 =	smul.u32 $0xA, s8  }
0x1f: {  	p0 =	por $0x1, $0x1;
	p3 =	por $0x0, $0x0;
	s15 =	smul.u32 $0x3000, s0  }
0x20: {  	s31 =	simm.s32 $0x6;
	s30 =	simm.s32 $0x1;
	s0 =	smul.u32 @!p0 $0x3000, s0  }
0x21: {  	[tilespmem:s19], [sflag:$0x2] =	stream.indirect.gather [hbm4b:s4+s16], $0x80, s11, s16, $0xb8;
	[tilespmem:$0x1F000] =	vst v63  }
0x22: {  	s12 =	rddreg [dreg:$0x5];
	s1 =	ssub.s32 $0x0, s13;
	s0 =	sshrl.u32 @!p0 s0, $0x2  }
0x23: {  	[spmem:s10], [sflag:s9] =	dma.local [hbm:s12], $0x2800  }
0x24: {  	s10 =	simm.s32 @!p0 $0x80;
	s9 =	sshrl.u32 s15, $0x2;
	s11 =	sand.u32 $0xFF, s1  }
0x25: {  	s1 =	sand.u32 @!p3 $0xFF, s1;
	_ =	swait.ge [sflag:s14], $0x2800;
	s13 =	sshll.u32 @!p0 s11, $0x8  }
0x26: {  	p4 =	sne.s32 @!p3 s1, $0x0;
	p1 =	sne.s32 @!p3 s1, $0x9;
	s18 =	sshll.u32 s11, $0x8  }
0x27: {  	s11 =	simm.s32 @!p0 $0x4;
	[sflag:s14] =	ssyncset.done $0x0;
	s0 =	sadd.s32 @!p0 s13, s0  }
0x28: {  	p1 =	por p1, p3;
	p2 =	por p4, p3;
	s1 =	sadd.s32 s18, s9  }
0x29: {  	s9 =	sshrl.u32 s20, $0x4;
	s18 =	smul.u32 $0xCD, s30;
	[sflag:s14] =	ssyncadd.s32 $0xFFFFD800  }
0x2a: {  	s8 =	sadd.s32 @!p2 $0x1, s8;
	s0 =	sadd.s32 @!p0 $0x14080, s0;
	s15 =	simm.s32 @!p2 $0xC00  }
0x2b: {  	s25 =	smul.u32 $0xFFFFD800, s9;
	s9 =	simm.s32 @!p2 $0x0;
	s13 =	sand.u32 @!p2 $0x1, s8  }
0x2c: {  	[bflag:$0x0] =	sbarrier.arrive $0xFFFF;
	s8 =	smul.u32 @!p2 $0xC00, s8;
	p5 =	seq.s32 @!p2 s13, $0x1  }
0x2d: {  	s13 =	simm.s32 @!p0 $0x1B000;
	_ =	swait.ge @!p0 [sflag:s11], $0x4000;
	p4 =	por @!p3 !p5, p4  }
0x2e: {  	s8 =	sadd.s32 @!p2 s7, s8;
	[sflag:s11] =	ssyncset.done @!p0 $0x0;
	p3 =	por !p4, p3  }
0x2f: {  	s8 =	sshrl.u32 @!p2 s8, $0x3;
	[sflag:s11] =	ssyncadd.s32 @!p0 $0xFFFFC000;
	s15 =	simm.s32 @!p3 $0x0  }
0x30: {  	[tilespmem:s13], [sflag:$0x2] =	stream.indirect.gather @!p0 [hbm4b:s4+s10], $0x80, s0, s10, $0xb8;
	[tilespmem:$0x1F000] =	vst v63  }
0x31: {  	s0 =	sadd.s32 @!p2 s5, s8;
	p0 =	por $0x0, $0x0;
	s10 =	sshra.s32 s25, $0x2  }
0x32: {  	s11 =	sor.u32 @!p2 $0x14000, s15;
	s13 =	sadd.s32 @!p2 $0x15800, s15;
	s15 =	sadd.s32 @!p2 s6, s8  }
0x33: {  	[tilespmem:s11], [sflag:$0x5] =	stream.linear.gather @!p2 [hbm4b:s0+s9], $0xA00, $0x38;
	[tilespmem:$0x1F000] =	vst v63  }
0x34: {  	s8 =	simm.s32 @!p1 $0x6;
	s11 =	sshrl.u32 s18, $0xB;
	s0 =	simm.s32 $0x2  }
.LBB2_2:
0x35: {  	s18 =	sand.u32 $0x1F, s11;
	s11 =	sand.u32 $0x1, s11;
	s10 =	sadd.s32 s10, s28  }
0x36: {  	s12 =	smov.u32 s0;
	s0 =	smov.u32 s29;
	s29 =	smov.u32 s31  }
0x37: {  	[tilespmem:s13], [sflag:$0x6] =	stream.linear.gather @!p2 [hbm4b:s15+s9], $0xA00, $0x38;
	[tilespmem:$0x1F000] =	vst v63  }
0x38: {  	p3 =	seq.s32 s0, $0x2;
	s13 =	sadd.s32 $0x15800, s1;
	s1 =	simm.s32 @!p1 $0x5  }
0x39: {  	s9 =	smul.u32 $0x3000, s11;
	p2 =	seq.s32 s12, $0x50;
	_ =	swait.ge [sflag:s22], $0x4000  }
0x3a: {  	s11 =	smul.u32 @!p3 $0x3000, s11;
	s3 =	simm.s32 @!p2 $0xC00;
	[sflag:s22] =	ssyncset.done $0x0  }
0x3b: {  	s25 =	smul.u32 $0xA, s18;
	s15 =	simm.s32 @!p3 $0x80;
	[sflag:s22] =	ssyncadd.s32 $0xFFFFC000  }
0x3c: {  	[spmem:s2] =	stream.indirect.scatter.add.f32 [tilespmem:s17], [sflag:$0x3], $0x80, s13, s16, $0xb8;
	[tilespmem:$0x1F000] =	vst v63  }
0x3d: {  	s25 =	ssub.s32 s30, s25;
	s9 =	sshrl.u32 s9, $0x2;
	_ =	swait.ge @!p1 [sflag:s1], $0xA00  }
0x3e: {  	s11 =	sshrl.u32 @!p3 s11, $0x2;
	s20 =	sand.u32 @!p0 $0xFF, s25;
	[sflag:s1] =	ssyncset.done @!p1 $0x0  }
0x3f: {  	p4 =	sne.s32 @!p0 s20, $0x0;
	[sflag:s1] =	ssyncadd.s32 @!p1 $0xFFFFF600;
	s1 =	smul.u32 @!p2 $0xCD, s12  }
0x40: {  	p5 =	sne.s32 @!p0 s20, $0x9;
	s12 =	sand.u32 $0xFF, s25;
	_ =	swait.ge @!p1 [sflag:s8], $0xA00  }
0x41: {  	s20 =	sshll.u32 @!p3 s12, $0x8;
	[sflag:s8] =	ssyncset.done @!p1 $0x0;
	s1 =	sshrl.u32 @!p2 s1, $0xC  }
0x42: {  	s11 =	sadd.s32 @!p3 s20, s11;
	[sflag:s8] =	ssyncadd.s32 @!p1 $0xFFFFF600;
	s1 =	sand.u32 @!p2 $0x1, s1  }
0x43: {  	s8 =	sshll.u32 s12, $0x8;
	p1 =	por p5, p0;
	p5 =	seq.s32 @!p2 s1, $0x1  }
0x44: {  	s12 =	simm.s32 @!p2 $0x80;
	_ =	swait.ge [sflag:s23], $0x4000;
	p5 =	por !p5, p2  }
0x45: {  	s1 =	sadd.s32 s8, s9;
	[sflag:s23] =	ssyncset.done $0x0;
	s3 =	simm.s32 @p5 $0x0  }
0x46: {  	s8 =	simm.s32 @!p2 $0x17000;
	[sflag:s23] =	ssyncadd.s32 $0xFFFFC000;
	s3 =	sadd.s32 @!p2 s3, s10  }
0x47: {  	[tilespmem:s8], [sflag:$0x1] =	stream.indirect.gather @!p2 [hbm4b:s4+s12], $0x80, s3, s12, $0xb8;
	[tilespmem:$0x1F000] =	vst v63  }
0x48: {  	s31 =	sadd.s32 $0x2, s31;
	s28 =	sadd.s32 $0x100, s28;
	_ =	swait.ge [sflag:s24], $0x4000  }
0x49: {  	p2 =	por p4, p0;
	s3 =	sadd.s32 $0x80, s13;
	[sflag:s24] =	ssyncset.done $0x0  }
0x4a: {  	s8 =	smulhi.u32 $0xCCCCCCCD, s0;
	s9 =	sadd.s32 @!p2 $0x1, s18;
	[sflag:s24] =	ssyncadd.s32 $0xFFFFC000  }
0x4b: {  	s10 =	simm.s32 @!p3 $0x4;
	s12 =	smul.u32 @!p2 $0xC00, s9;
	s9 =	sand.u32 @!p2 $0x1, s9  }
0x4c: {  	s13 =	simm.s32 @!p3 $0x1B000;
	s8 =	sshrl.u32 s8, $0x4;
	p5 =	seq.s32 @!p2 s9, $0x1  }
0x4d: {  	s9 =	sadd.s32 @!p3 $0x14080, s11;
	s11 =	sadd.s32 @!p2 s7, s12;
	p4 =	por @!p0 !p5, p4  }
0x4e: {  	[spmem:s2] =	stream.indirect.scatter.add.f32 [tilespmem:s19], [sflag:$0x4], $0x80, s3, s16, $0xb8;
	[tilespmem:$0x1F000] =	vst v63  }
0x4f: {  	p0 =	por !p4, p0;
	s3 =	simm.s32 @!p2 $0xC00;
	_ =	swait.ge @!p3 [sflag:s10], $0x4000  }
0x50: {  	s11 =	sshrl.u32 @!p2 s11, $0x3;
	s3 =	simm.s32 @!p0 $0x0;
	[sflag:s10] =	ssyncset.done @!p3 $0x0  }
0x51: {  	s12 =	sadd.s32 @!p2 s5, s11;
	[sflag:s10] =	ssyncadd.s32 @!p3 $0xFFFFC000;
	s10 =	sor.u32 @!p2 $0x14000, s3  }
0x52: {  	[tilespmem:s13], [sflag:$0x2] =	stream.indirect.gather @!p3 [hbm4b:s4+s15], $0x80, s9, s15, $0xb8;
	[tilespmem:$0x1F000] =	vst v63  }
0x53: {  	p3 =	sne.s32 s31, $0x52  }
.Ltmp0:
0x54: {  	s13 =	sadd.s32 @!p2 $0x15800, s3;
	s15 =	sadd.s32 @!p2 s6, s11;
	(pc) =	sbr.rel @p3 .LBB2_2-.Ltmp0, $4  }
0x55: {  	s30 =	sadd.s32 $0x1, s30;
	s3 =	smul.u32 $0xFFFFD800, s8  }
0x56: {  	p0 =	sgt.u32 s30, $0x1D;
	s8 =	smul.u32 $0xCD, s30;
	s9 =	simm.s32 @!p2 $0x0  }
0x57: {  	[tilespmem:s10], [sflag:$0x5] =	stream.linear.gather @!p2 [hbm4b:s12+s9], $0xA00, $0x38;
	[tilespmem:$0x1F000] =	vst v63  }
0x58: {  	s11 =	sshrl.u32 s8, $0xB;
	s8 =	simm.s32 @!p1 $0x6;
	s10 =	sshra.s32 s3, $0x2  }
0x59: {  	[tilespmem:s13], [sflag:$0x6] =	stream.linear.gather @!p2 [hbm4b:s15+s9], $0xA00, $0x38;
	[tilespmem:$0x1F000] =	vst v63  }
0x5a: {  	_ =	swait.ge [sflag:s22], $0x4000  }
0x5b: {  	[sflag:s22] =	ssyncset.done $0x0  }
0x5c: {  	s1 =	sadd.s32 $0x15800, s1;
	s3 =	simm.s32 @!p1 $0x5;
	[sflag:s22] =	ssyncadd.s32 $0xFFFFC000  }
0x5d: {  	[spmem:s2] =	stream.indirect.scatter.add.f32 [tilespmem:s17], [sflag:$0x3], $0x80, s1, s16, $0xb8;
	[tilespmem:$0x1F000] =	vst v63  }
0x5e: {  	p3 =	seq.s32 s0, $0x50;
	s9 =	sand.u32 $0x1F, s11;
	_ =	swait.ge @!p1 [sflag:s3], $0xA00  }
0x5f: {  	s11 =	sand.u32 $0x1, s11;
	s0 =	smul.u32 @!p3 $0xCD, s0;
	[sflag:s3] =	ssyncset.done @!p1 $0x0  }
0x60: {  	p2 =	seq.s32 s29, $0x2;
	s25 =	smulhi.u32 $0xCCCCCCCD, s29;
	[sflag:s3] =	ssyncadd.s32 @!p1 $0xFFFFF600  }
0x61: {  	s15 =	smul.u32 $0xA, s9;
	s0 =	sshrl.u32 @!p3 s0, $0xC;
	_ =	swait.ge @!p1 [sflag:s8], $0xA00  }
0x62: {  	s18 =	smul.u32 $0x3000, s11;
	s0 =	sand.u32 @!p3 $0x1, s0;
	[sflag:s8] =	ssyncset.done @!p1 $0x0  }
0x63: {  	s3 =	sadd.s32 s10, s28;
	[sflag:s8] =	ssyncadd.s32 @!p1 $0xFFFFF600;
	p1 =	seq.s32 @!p3 s0, $0x1  }
0x64: {  	s10 =	simm.s32 @!p3 $0xC00;
	_ =	swait.ge [sflag:s23], $0x4000;
	p1 =	por !p1, p3  }
0x65: {  	s8 =	simm.s32 @!p3 $0x80;
	[sflag:s23] =	ssyncset.done $0x0;
	s10 =	simm.s32 @p1 $0x0  }
0x66: {  	[sflag:s23] =	ssyncadd.s32 $0xFFFFC000;
	s3 =	sadd.s32 @!p3 s10, s3;
	s10 =	simm.s32 @!p3 $0x17000  }
0x67: {  	[tilespmem:s10], [sflag:$0x1] =	stream.indirect.gather @!p3 [hbm4b:s4+s8], $0x80, s3, s8, $0xb8;
	[tilespmem:$0x1F000] =	vst v63  }
0x68: {  	s1 =	sadd.s32 $0x80, s1;
	s0 =	ssub.s32 s30, s15;
	s3 =	smul.u32 @!p2 $0x3000, s11  }
0x69: {  	s8 =	simm.s32 @!p2 $0x80;
	s10 =	sand.u32 @!p0 $0xFF, s0;
	s0 =	sand.u32 $0xFF, s0  }
0x6a: {  	p3 =	sne.s32 @!p0 s10, $0x0;
	s12 =	sshll.u32 @!p2 s0, $0x8;
	_ =	swait.ge [sflag:s24], $0x4000  }
0x6b: {  	s3 =	sshrl.u32 @!p2 s3, $0x2;
	p1 =	por p3, p0;
	[sflag:s24] =	ssyncset.done $0x0  }
0x6c: {  	s3 =	sadd.s32 @!p2 s12, s3;
	s9 =	sadd.s32 @!p1 $0x1, s9;
	[sflag:s24] =	ssyncadd.s32 $0xFFFFC000  }
0x6d: {  	[spmem:s2] =	stream.indirect.scatter.add.f32 [tilespmem:s19], [sflag:$0x4], $0x80, s1, s16, $0xb8;
	[tilespmem:$0x1F000] =	vst v63  }
0x6e: {  	s1 =	simm.s32 @!p2 $0x4;
	s12 =	smul.u32 @!p1 $0xC00, s9;
	s9 =	sand.u32 @!p1 $0x1, s9  }
0x6f: {  	s3 =	sadd.s32 @!p2 $0x14080, s3;
	p4 =	seq.s32 @!p1 s9, $0x1;
	_ =	swait.ge @!p2 [sflag:s1], $0x4000  }
0x70: {  	s12 =	sadd.s32 @!p1 s7, s12;
	p3 =	por @!p0 !p4, p3;
	[sflag:s1] =	ssyncset.done @!p2 $0x0  }
0x71: {  	[sflag:s1] =	ssyncadd.s32 @!p2 $0xFFFFC000;
	s1 =	simm.s32 @!p1 $0xC00;
	p3 =	por !p3, p0  }
0x72: {  	s9 =	simm.s32 @!p2 $0x1B000;
	s12 =	sshrl.u32 @!p1 s12, $0x3;
	s1 =	simm.s32 @!p3 $0x0  }
0x73: {  	[tilespmem:s9], [sflag:$0x2] =	stream.indirect.gather @!p2 [hbm4b:s4+s8], $0x80, s3, s8, $0xb8;
	[tilespmem:$0x1F000] =	vst v63  }
0x74: {  	s8 =	sadd.s32 @!p1 s5, s12;
	s9 =	simm.s32 @!p1 $0x0;
	s3 =	sor.u32 @!p1 $0x14000, s1  }
0x75: {  	[tilespmem:s3], [sflag:$0x5] =	stream.linear.gather @!p1 [hbm4b:s8+s9], $0xA00, $0x38;
	[tilespmem:$0x1F000] =	vst v63  }
0x76: {  	s20 =	sshrl.u32 s18, $0x2;
	s1 =	sadd.s32 @!p1 $0x15800, s1;
	s8 =	sadd.s32 @!p1 s6, s12  }
0x77: {  	[tilespmem:s1], [sflag:$0x6] =	stream.linear.gather @!p1 [hbm4b:s8+s9], $0xA00, $0x38;
	[tilespmem:$0x1F000] =	vst v63  }
0x78: {  	s0 =	sshll.u32 s0, $0x8;
	p1 =	sne.s32 @!p0 s10, $0x9;
	_ =	swait.ge [sflag:s22], $0x4000  }
0x79: {  	s0 =	sadd.s32 s0, s20;
	p1 =	por p1, p0;
	[sflag:s22] =	ssyncset.done $0x0  }
0x7a: {  	s0 =	sadd.s32 $0x15800, s0;
	s3 =	simm.s32 @!p1 $0x5;
	[sflag:s22] =	ssyncadd.s32 $0xFFFFC000  }
0x7b: {  	[spmem:s2] =	stream.indirect.scatter.add.f32 [tilespmem:s17], [sflag:$0x3], $0x80, s0, s16, $0xb8;
	[tilespmem:$0x1F000] =	vst v63  }
0x7c: {  	p0 =	seq.s32 s29, $0x50;
	_ =	swait.ge @!p1 [sflag:s3], $0xA00  }
0x7d: {  	s1 =	sshrl.u32 s25, $0x4;
	s8 =	smul.u32 @!p0 $0xCD, s29;
	[sflag:s3] =	ssyncset.done @!p1 $0x0  }
0x7e: {  	s1 =	smul.u32 $0xFFFFD800, s1;
	[sflag:s3] =	ssyncadd.s32 @!p1 $0xFFFFF600;
	s3 =	simm.s32 @!p1 $0x6  }
0x7f: {  	s28 =	sadd.s32 $0x100, s28;
	s8 =	sshrl.u32 @!p0 s8, $0xC;
	_ =	swait.ge @!p1 [sflag:s3], $0xA00  }
0x80: {  	s1 =	sshra.s32 s1, $0x2;
	s8 =	sand.u32 @!p0 $0x1, s8;
	[sflag:s3] =	ssyncset.done @!p1 $0x0  }
0x81: {  	s1 =	sadd.s32 s1, s28;
	[sflag:s3] =	ssyncadd.s32 @!p1 $0xFFFFF600;
	p1 =	seq.s32 @!p0 s8, $0x1  }
0x82: {  	s3 =	simm.s32 @!p0 $0xC00;
	_ =	swait.ge [sflag:s23], $0x4000;
	p1 =	por !p1, p0  }
0x83: {  	s8 =	simm.s32 @!p0 $0x80;
	[sflag:s23] =	ssyncset.done $0x0;
	s3 =	simm.s32 @p1 $0x0  }
0x84: {  	[sflag:s23] =	ssyncadd.s32 $0xFFFFC000;
	s1 =	sadd.s32 @!p0 s3, s1;
	s3 =	simm.s32 @!p0 $0x17000  }
0x85: {  	[tilespmem:s3], [sflag:$0x1] =	stream.indirect.gather @!p0 [hbm4b:s4+s8], $0x80, s1, s8, $0xb8;
	[tilespmem:$0x1F000] =	vst v63  }
0x86: {  	_ =	swait.ge [sflag:s24], $0x4000  }
0x87: {  	[sflag:s24] =	ssyncset.done $0x0  }
0x88: {  	s29 =	simm.s32 $0x4;
	s0 =	sadd.s32 $0x80, s0;
	[sflag:s24] =	ssyncadd.s32 $0xFFFFC000  }
0x89: {  	[spmem:s2] =	stream.indirect.scatter.add.f32 [tilespmem:s19], [sflag:$0x4], $0x80, s0, s16, $0xb8;
	[tilespmem:$0x1F000] =	vst v63  }
0x8a: {  	_ =	swait.ge [sflag:s29], $0x4000  }
0x8b: {  	[sflag:s29] =	ssyncset.done $0x0  }
0x8c: {  	[sflag:s29] =	ssyncadd.s32 $0xFFFFC000  }
0x8d: {  	[bflag:$0x0] =	sbarrier.arrive $0xFFFF  }
0x8e: {  	s30 =	rddreg [dreg:$0x6]  }
0x8f: {  	s10 =	rddreg [dreg:$0x8]  }
0x90: {  	[hbm:s30], [sflag:s21] =	dma.local [spmem:s10], $0x2800  }
0x91: {  	_ =	swait.ge [sflag:s14], $0x2800  }
0x92: {  	s26 =	sadd.s32 $0x1, s26;
	s31 =	rddreg [dreg:$0x7]  }
0x93: {  	p0 =	sne.s32 s26, s31  }
.Ltmp1:
0x94: {  	_ = 	snop;
	(pc) =	sbr.rel @p0 .LBB2_1-.Ltmp1, $3  }
0x95: {  	_ =	sdelay $0x1  }
0x96: {  	[sflag:s14] =	ssyncset.done $0x0  }
0x97: {  	s9 =	smov.u32 s21;
	[sflag:s14] =	ssyncadd.s32 $0xFFFFD800  }
0x98: {  	_ =	sfence.sel $0x180000  }
0x99: {  	[bflag:$0x0] =	sbarrier.arrive $0xFFFF  }
0x9a: {  	_ =	strace $0x9000004A  }
0x9b: {  	s0 =	stileid.u32;
	[bflag:$0x2] =	sbarrier.arrive $0xFFFF  }
0x9c: {  	p0 =	sne.s32 s0, $0x0;
	s0 =	rddreg [dreg:$0x2]  }
0x9d: {  	s0 =	sadd.s32 @!p0 $0x100000, s0  }
0x9e: {  	[sflag:s0] =	ssyncadd.tile.s32 @!p0 $0x1;
	_ =	shalt  }
.Lfunc_end2:
_tile_overlayer_lowered:
.L_overlay_start_2:
0x9f: {  	(tag) =	ssettag $0x2  }
0xa0: {  	s0 =	rddreg [dreg:$0x0];
	s2 =	stileid.u32  }
0xa1: {  	s1 =	rddreg [dreg:$0x1];
	p0 =	sne.s32 s2, $0x0  }
0xa2: {  	s3 =	rddreg [dreg:$0x2];
	[bflag:$0x3] =	sbarrier.arrive $0xFFFF;
	s2 =	simm.s32 @!p0 $0x1C07  }
0xa3: {  	[timem:s3], [sflag:s2] =	dma.local @!p0 [hbm:s0], s1  }
0xa4: {  	s0 =	simm.s32 @!p0 $0x7  }
0xa5: {  	_ =	swait.ge @!p0 [sflag:s0], s1  }
0xa6: {  	s1 =	ssub.s32 @!p0 $0x0, s1;
	[sflag:s0] =	ssyncset.done @!p0 $0x0  }
0xa7: {  	[sflag:s0] =	ssyncadd.s32 @!p0 s1  }
0xa8: {  	[bflag:$0x3] =	sbarrier.arrive $0xFFFF  }
0xa9: {  	_ =	shalt  }

// kernel: kernel.14.cloned.1.call-start
scs
__scs_entry_jumppad:
0x0: {  	(pc) =	sbr.rel $0x88, $3  }
0x1: {  	(tag) =	ssettag $0x0;
	lr =	simm.s32 $0x1  }
0x2: {  	[smem:$0x3F8E] =	sst lr;
	_ =	strace $0xD0000000  }
0x3: {  	_ = 	snop  }
0x4: {  	_ = 	snop  }
0x5: {  	_ = 	snop  }
0x6: {  	_ = 	snop  }
0x7: {  	_ = 	snop  }
__scs_overlays_trampoline_lowered:
0x8: {  	[smem:$0x3F9D] =	sst s0  }
0x9: {  	[smem:$0x3F9E] =	sst s1  }
0xa: {  	[smem:$0x3F9F] =	sst s2  }
0xb: {  	[smem:$0x3FA0] =	sst s3  }
0xc: {  	[smem:$0x3FA1] =	sst s4  }
0xd: {  	[smem:$0x3FA2] =	sst s5  }
0xe: {  	[smem:$0x3FA3] =	sst s6  }
0xf: {  	[smem:$0x3FA4] =	sst s7  }
0x10: {  	[smem:$0x3FA5] =	sst s8  }
0x11: {  	[smem:$0x3FA6] =	sst s9;
	s0 =	simm.s32 @!p0 $0x0  }
0x12: {  	s1 =	sld [smem:$0x3F8C];
	s0 =	simm.s32 @p0 $0x1  }
0x13: {  	[smem:$0x3FA7] =	sst s0;
	s0 =	simm.s32 @!p1 $0x0  }
0x14: {  	s2 =	sld [smem:$0x3F8B];
	s0 =	simm.s32 @p1 $0x1  }
0x15: {  	[smem:$0x3FA8] =	sst s0;
	s0 =	simm.s32 @!p2 $0x0  }
0x16: {  	s3 =	sld [smem:$0x3FDB];
	s0 =	simm.s32 @p2 $0x1  }
0x17: {  	s4 =	simm.s32 $0x1BF5;
	[smem:$0x3FAA] =	sst s0  }
0x18: {  	s0 =	sld [smem:$0x3F8D];
	_ =	swait.ge [sflag:s4], $0x0  }
0x19: {  	s7 =	sld [smem:$0x3F8E]  }
0x1a: {  	s8 =	sadd.s32 $0xFFFFE003, lr  }
0x1b: {  	s9 =	sadd.s32 $0xFFFFFEF7, lr;
	s5 =	simm.s32 $0xFFFFFFFF;
	p2 =	slt.u32 s8, $0xFFFFF086  }
0x1c: {  	p1 =	slt.u32 s9, $0xF7A;
	s5 =	simm.s32 @!p2 $0x0  }
0x1d: {  	s5 =	simm.s32 @p1 $0x1;
	p0 =	seq.s32 s7, s2  }
0x1e: {  	s7 =	smul.u32 @!p0 $0xF7A, s2;
	p2 =	seq.s32 @!p0 s5, $0x0  }
0x1f: {  	s9 =	smul.u32 $0xF7A, s1;
	s8 =	simm.s32 @!p0 $0x1BF5;
	p2 =	por !p2, p0  }
0x20: {  	[sflag:s8] =	ssyncset.s32 @!p0 $0xFFFFF086;
	s6 =	sadd.s32 @!p0 s3, s7;
	s7 =	simm.s32 @!p0 $0x108  }
0x21: {  	s3 =	sadd.s32 s3, s9;
	s6 =	sadd.s32 @!p0 $0x88, s6;
	s7 =	simm.s32 @p2 $0x1082  }
0x22: {  	[simem:s7], [sflag:s8] =	dma.local @!p0 [hbm:s6], $0xF7A  }
0x23: {  	s9 =	sor.u32 $0xD0000000, s2;
	s6 =	simm.s32 $0x108;
	_ =	swait.ge @!p0 [sflag:s8], $0x0  }
0x24: {  	s3 =	sadd.s32 $0x88, s3;
	s6 =	simm.s32 @!p1 $0x1082;
	[sflag:s4] =	ssyncset.s32 $0xFFFFF086  }
0x25: {  	[simem:s6], [sflag:s4] =	dma.local [hbm:s3], $0xF7A  }
0x26: {  	[smem:$0x3F8E] =	sst s1;
	(tag) =	ssettag s2;
	_ =	strace s9  }
0x27: {  	s1 =	sld [smem:$0x3F9E]  }
0x28: {  	s2 =	sld [smem:$0x3F9F]  }
0x29: {  	s4 =	sld [smem:$0x3FA1]  }
0x2a: {  	p0 =	seq.s32 s5, $0x0;
	s5 =	sld [smem:$0x3FA2]  }
0x2b: {  	s6 =	sld [smem:$0x3FA3]  }
0x2c: {  	s7 =	sld [smem:$0x3FA4]  }
0x2d: {  	s3 =	simm.s32 $0x108;
	s8 =	sld [smem:$0x3FA5]  }
0x2e: {  	s3 =	simm.s32 @!p0 $0x1082;
	s9 =	sld [smem:$0x3FA6]  }
0x2f: {  	lr =	sadd.s32 s0, s3;
	s0 =	sld [smem:$0x3F9D]  }
0x30: {  	s3 =	sld [smem:$0x3FA0]  }
0x31: {  	[smem:$0x3FA9] =	sst s10  }
0x32: {  	s10 =	sld [smem:$0x3FA7];
	_ =	sdelay $0x3  }
0x33: {  	p0 =	seq.s32 s10, $0x1;
	s10 =	sld [smem:$0x3FA9];
	_ =	sdelay $0x3  }
0x34: {  	[smem:$0x3FA9] =	sst s10  }
0x35: {  	s10 =	sld [smem:$0x3FA8];
	_ =	sdelay $0x3  }
0x36: {  	p1 =	seq.s32 s10, $0x1;
	s10 =	sld [smem:$0x3FA9];
	_ =	sdelay $0x3  }
0x37: {  	[smem:$0x3FA9] =	sst s10  }
0x38: {  	s10 =	sld [smem:$0x3FAA]  }
0x39: {  	_ = 	snop;
	(pc) =	sbr.ind lr, $3  }
0x3a: {  	_ = 	snop  }
0x3b: {  	_ = 	snop  }
0x3c: {  	p2 =	seq.s32 s10, $0x1;
	s10 =	sld [smem:$0x3FA9]  }
0x3d: {  	_ =	shalt  }
0x3e: {  	_ =	shalt  }
0x3f: {  	_ =	shalt  }
0x40: {  	_ =	shalt  }
0x41: {  	_ =	shalt  }
0x42: {  	_ =	shalt  }
0x43: {  	_ =	shalt  }
0x44: {  	_ =	shalt  }
0x45: {  	_ =	shalt  }
0x46: {  	_ =	shalt  }
0x47: {  	_ =	shalt  }
0x48: {  	_ =	shalt  }
0x49: {  	_ =	shalt  }
0x4a: {  	_ =	shalt  }
0x4b: {  	_ =	shalt  }
0x4c: {  	_ =	shalt  }
0x4d: {  	_ =	shalt  }
0x4e: {  	_ =	shalt  }
0x4f: {  	_ =	shalt  }
0x50: {  	_ =	shalt  }
0x51: {  	_ =	shalt  }
0x52: {  	_ =	shalt  }
0x53: {  	_ =	shalt  }
0x54: {  	_ =	shalt  }
0x55: {  	_ =	shalt  }
0x56: {  	_ =	shalt  }
0x57: {  	_ =	shalt  }
0x58: {  	_ =	shalt  }
0x59: {  	_ =	shalt  }
0x5a: {  	_ =	shalt  }
0x5b: {  	_ =	shalt  }
0x5c: {  	_ =	shalt  }
0x5d: {  	_ =	shalt  }
0x5e: {  	_ =	shalt  }
0x5f: {  	_ =	shalt  }
0x60: {  	_ =	shalt  }
0x61: {  	_ =	shalt  }
0x62: {  	_ =	shalt  }
0x63: {  	_ =	shalt  }
0x64: {  	_ =	shalt  }
0x65: {  	_ =	shalt  }
0x66: {  	_ =	shalt  }
0x67: {  	_ =	shalt  }
0x68: {  	_ =	shalt  }
0x69: {  	_ =	shalt  }
0x6a: {  	_ =	shalt  }
0x6b: {  	_ =	shalt  }
0x6c: {  	_ =	shalt  }
0x6d: {  	_ =	shalt  }
0x6e: {  	_ =	shalt  }
0x6f: {  	_ =	shalt  }
0x70: {  	_ =	shalt  }
0x71: {  	_ =	shalt  }
0x72: {  	_ =	shalt  }
0x73: {  	_ =	shalt  }
0x74: {  	_ =	shalt  }
0x75: {  	_ =	shalt  }
0x76: {  	_ =	shalt  }
0x77: {  	_ =	shalt  }
0x78: {  	_ =	shalt  }
0x79: {  	_ =	shalt  }
0x7a: {  	_ =	shalt  }
0x7b: {  	_ =	shalt  }
0x7c: {  	_ =	shalt  }
0x7d: {  	_ =	shalt  }
0x7e: {  	_ =	shalt  }
0x7f: {  	_ =	shalt  }
0x80: {  	_ =	shalt  }
0x81: {  	_ =	shalt  }
0x82: {  	_ =	shalt  }
0x83: {  	_ =	shalt  }
0x84: {  	_ =	shalt  }
0x85: {  	_ =	shalt  }
0x86: {  	_ =	shalt  }
0x87: {  	_ =	shalt  }
.Lfunc_end0:
.L_simem_size_0:
called_computation.2_lowered:
.L_overlay_start_0:
0x88: {  	s2 =	sld [smem:$0x3FD9]  }
0x89: {  	s3 =	sld [smem:$0x3FFE];
	_ =	sdelay $0x1  }
0x8a: {  	s1 =	srdreg.scid  }
0x8b: {  	s0 =	sand.u32 $0x1, s1  }
0x8c: {  	s16 =	sshll.u32 s0, $0xA;
	s2 =	sadd.s32 s3, s2  }
0x8d: {  	s2 =	sadd.s32 s2, s16  }
0x8e: {  	[smem:$0x3FB5] =	sst s2  }
0x8f: {  	_ = 	snop  }
0x90: {  	(tm) =	ssettm $0x1  }
0x91: {  	s17 =	sld [smem:$0x3FFB];
	_ =	sdelay $0x3  }
0x92: {  	_ =	strace s17  }
0x93: {  	s2 =	sld [smem:$0x3FFC];
	_ =	sdelay $0x3  }
0x94: {  	_ =	strace s2  }
0x95: {  	s2 =	sld [smem:$0x3FFD];
	_ =	sdelay $0x3  }
0x96: {  	_ =	strace s2  }
0x97: {  	_ =	strace $0x8FFFFFFF  }
0x98: {  	s18 =	sld [smem:$0x3FDB];
	_ =	sdelay $0x1  }
0x99: {  	s19 =	simm.s32 $_scs_section_size  }
0x9a: {  	s4 =	simm.s32 $_size__tile_overlayer_lowered;
	s5 =	simm.s32 $_tile_overlayer_lowered  }
0x9b: {  	s22 =	simm.s32 $0x1BFF;
	s21 =	sshll.u32 s5, $0x1;
	s2 =	sadd.s32 s19, s18  }
0x9c: {  	s6 =	simm.s32 $0x0;
	s20 =	sshll.u32 s4, $0x1;
	s4 =	sadd.s32 s21, s2  }
0x9d: {  	[timem:s6], [sflag:s22] =	dma.local [hbm:s4], s20  }
0x9e: {  	_ =	swait.ge [sflag:s22], s20  }
0x9f: {  	s3 =	ssub.s32 $0x0, s20;
	[sflag:s22] =	ssyncset.done $0x0  }
0xa0: {  	[sflag:s22] =	ssyncadd.s32 s3;
	_ =	sdelay $0x1  }
0xa1: {  	s23 =	simm.s32 $0x1B8B  }
0xa2: {  	_ =	swait.ge [sflag:s23], $0x1  }
0xa3: {  	[sflag:s23] =	ssyncset.done $0x0  }
0xa4: {  	s25 =	simm.s32 $0x1B8E;
	s24 =	sld [smem:$0x3FFE];
	[sflag:s23] =	ssyncadd.s32 $0xFFFFFFFF  }
0xa5: {  	s26 =	simm.s32 $execute0_lowered;
	[smem:$0x3FD2] =	sst s25  }
0xa6: {  	s4 =	sshll.u32 s26, $0x1;
	_ =	strace $0x8000004C;
	[dreg:$0x1] =	wrdreg $0xFFFFFFFF  }
0xa7: {  	s28 =	simm.s32 $_size_execute0_lowered;
	s2 =	sadd.s32 s2, s4;
	[dreg:$0x0] =	wrdreg $0x0  }
0xa8: {  	s4 =	sshll.u32 s28, $0x1;
	[dreg:$0x2] =	wrdreg s2  }
0xa9: {  	[dreg:$0x3] =	wrdreg s4  }
0xaa: {  	[dreg:$0x4] =	wrdreg $0xC0  }
0xab: {  	_ =	task [dreg:s6], $0x5FFFF  }
0xac: {  	[dreg:$0x1] =	wrdreg $0xFFFFFFFF  }
0xad: {  	[dreg:$0x0] =	wrdreg $0x60  }
0xae: {  	[dreg:$0x2] =	wrdreg s24  }
0xaf: {  	[dreg:$0x3] =	wrdreg $0x0  }
0xb0: {  	[dreg:$0x4] =	wrdreg $0x9  }
0xb1: {  	_ =	task.clear_ibuf [dreg:s6], $0x5FFFF;
	_ =	strace $0x9000004C  }
0xb2: {  	s29 =	simm.s32 $0x9;
	_ =	strace $0x8000004E  }
0xb3: {  	_ =	swait.ge [sflag:s29], $0x1  }
0xb4: {  	[sflag:s29] =	ssyncadd.s32 $0xFFFFFFFF  }
0xb5: {  	_ =	strace $0x9000004E  }
0xb6: {  	_ =	sfence  }
0xb7: {  	s30 =	sld [smem:$0x0];
	_ =	sdelay $0x2  }
0xb8: {  	s31 =	sshll.u32 s1, $0xD;
	s1 =	sshrl.u32 s1, $0x2  }
0xb9: {  	s3 =	sand.u32 $0x4000, s31;
	s1 =	sadd.s32 s1, s30  }
0xba: {  	s0 =	sor.u32 s3, s0;
	s1 =	sshll.u32 s1, $0x11  }
0xbb: {  	s0 =	sor.u32 s1, s0  }
0xbc: {  	s0 =	sadd.s32 $0x8F2B, s0  }
0xbd: {  	[sflag:s0] =	ssyncadd.remote.s32 $0x1  }
0xbe: {  	_ =	sfence.sel $0xFFFF  }
0xbf: {  	[dreg:$0x0] =	wrdreg $0xFFFFFFFF;
	(pc) =	sbr.abs _section_cstart, $3  }
0xc0: {  	[dreg:$0x1] =	wrdreg $0xFFFFFFFF  }
0xc1: {  	_ =	task.clear_ibuf [dreg:s6], $0x2FFFF;
	_ =	strace $0x9FFFFFFF  }
0xc2: {  	(tm) =	ssettm $0x7FFFFFFF  }
0xc3: {  	_ =	shalt  }
tec
execute0_lowered:
.L_overlay_start_1:
0x0: {  	(tag) =	ssettag $0x1  }
0x1: {  	s0 =	rddreg [dreg:$0x0]  }
0x2: {  	s2 =	rddreg [dreg:$0x1]  }
0x3: {  	s1 =	simm.s32 $0x0;
	s3 =	stileid.u32;
	s24 =	srdreg.scid  }
0x4: {  	s14 =	simm.s32 $0x7;
	s16 =	simm.s32 $0x80;
	s17 =	simm.s32 $0x17000  }
0x5: {  	s19 =	simm.s32 $0x1B000;
	s22 =	simm.s32 $0x1;
	s7 =	smul.u32 $0x14000, s3  }
0x6: {  	s23 =	simm.s32 $0x3;
	[smem:$0x7FF] =	sst s1;
	s25 =	smul.u32 $0x3000, s3  }
0x7: {  	s1 =	sand.u32 $0x1, s24;
	s4 =	sadd.s32 $0x44200, s0;
	s11 =	smul.u32 $0x50000, s3  }
0x8: {  	s5 =	sadd.s32 $0x4200, s0;
	s6 =	sadd.s32 $0x10200, s0;
	s8 =	smul.u32 $0x140000, s1  }
0x9: {  	_ =	strace $0x8000004D;
	s10 =	smul.u32 $0x30000, s1;
	s1 =	ssub.s32 $0x2, s1  }
0xa: {  	s9 =	sshrl.u32 s7, $0x3;
	s12 =	sshrl.u32 s1, $0x1;
	s26 =	sshrl.u32 s11, $0x2  }
0xb: {  	s9 =	sadd.s32 s9, s0;
	s7 =	sadd.s32 s7, s8;
	s1 =	ssub.s32 s1, s12  }
0xc: {  	s29 =	sadd.s32 s26, s2;
	s7 =	sshrl.u32 s7, $0x3;
	s9 =	sadd.s32 $0x1C200, s9  }
0xd: {  	s30 =	smax.u32 s1, $0x1;
	s0 =	sadd.s32 s7, s0;
	[dreg:$0x5] =	wrdreg s9  }
0xe: {  	s7 =	sadd.s32 s25, s10;
	[dreg:$0x7] =	wrdreg s30;
	s10 =	sshrl.u32 s29, $0x3  }
0xf: {  	s8 =	sshrl.u32 s7, $0x3;
	s0 =	sadd.s32 $0x6B400, s0;
	[dreg:$0x8] =	wrdreg s10  }
0x10: {  	s31 =	sshll.u32 s3, $0x6;
	s28 =	sadd.s32 s5, s8;
	[dreg:$0x6] =	wrdreg s0  }
0x11: {  	s24 =	simm.s32 $0x2;
	s8 =	sadd.s32 s6, s8;
	[dreg:$0x3] =	wrdreg s28  }
0x12: {  	s26 =	simm.s32 $0x0;
	s9 =	sor.u32 $0x1C07, s31;
	[dreg:$0x4] =	wrdreg s8  }
.LBB2_1:
0x13: {  	s0 =	simm.s32 $0x0;
	s1 =	rddreg [dreg:$0x3];
	s3 =	simm.s32 $0x14000  }
0x14: {  	[tilespmem:s3], [sflag:$0x7] =	stream.linear.gather [hbm4b:s1+s0], $0xA00, $0x38;
	[tilespmem:$0x1F000] =	vst v63  }
0x15: {  	_ =	swait.ge [sflag:s14], $0xA00  }
0x16: {  	[sflag:s14] =	ssyncset.done $0x0  }
0x17: {  	s8 =	simm.s32 $0x15800;
	s25 =	rddreg [dreg:$0x4];
	[sflag:s14] =	ssyncadd.s32 $0xFFFFF600  }
0x18: {  	[tilespmem:s8], [sflag:$0x7] =	stream.linear.gather [hbm4b:s25+s0], $0xA00, $0x38;
	[tilespmem:$0x1F000] =	vst v63  }
0x19: {  	s0 =	smul.u32 $0xCD, s0  }
0x1a: {  	s11 =	simm.s32 $0x14080;
	s21 =	smov.u32 s9;
	_ =	swait.ge [sflag:s14], $0xA00  }
0x1b: {  	s28 =	simm.s32 $0x14100;
	[sflag:s14] =	ssyncset.done $0x0;
	s0 =	sshrl.u32 s0, $0xB  }
0x1c: {  	s20 =	smulhi.u32 $0xCCCCCCCD, s24;
	[sflag:s14] =	ssyncadd.s32 $0xFFFFF600;
	s8 =	sand.u32 $0x1F, s0  }
0x1d: {  	[tilespmem:s17], [sflag:$0x1] =	stream.indirect.gather [hbm4b:s4+s16], $0x80, s3, s16, $0xb8;
	[tilespmem:$0x1F000] =	vst v63  }
0x1e: {  	s29 =	simm.s32 $0x4;
	s0 =	sand.u32 $0x1, s0;
	s13 =	smul.u32 $0xA, s8  }
0x1f: {  	p0 =	por $0x1, $0x1;
	p3 =	por $0x0, $0x0;
	s15 =	smul.u32 $0x3000, s0  }
0x20: {  	s31 =	simm.s32 $0x6;
	s30 =	simm.s32 $0x1;
	s0 =	smul.u32 @!p0 $0x3000, s0  }
0x21: {  	[tilespmem:s19], [sflag:$0x2] =	stream.indirect.gather [hbm4b:s4+s16], $0x80, s11, s16, $0xb8;
	[tilespmem:$0x1F000] =	vst v63  }
0x22: {  	s12 =	rddreg [dreg:$0x5];
	s1 =	ssub.s32 $0x0, s13;
	s0 =	sshrl.u32 @!p0 s0, $0x2  }
0x23: {  	[spmem:s10], [sflag:s9] =	dma.local [hbm:s12], $0x2800  }
0x24: {  	s10 =	simm.s32 @!p0 $0x80;
	s9 =	sshrl.u32 s15, $0x2;
	s11 =	sand.u32 $0xFF, s1  }
0x25: {  	s1 =	sand.u32 @!p3 $0xFF, s1;
	_ =	swait.ge [sflag:s14], $0x2800;
	s13 =	sshll.u32 @!p0 s11, $0x8  }
0x26: {  	p4 =	sne.s32 @!p3 s1, $0x0;
	p1 =	sne.s32 @!p3 s1, $0x9;
	s18 =	sshll.u32 s11, $0x8  }
0x27: {  	s11 =	simm.s32 @!p0 $0x4;
	[sflag:s14] =	ssyncset.done $0x0;
	s0 =	sadd.s32 @!p0 s13, s0  }
0x28: {  	p1 =	por p1, p3;
	p2 =	por p4, p3;
	s1 =	sadd.s32 s18, s9  }
0x29: {  	s9 =	sshrl.u32 s20, $0x4;
	s18 =	smul.u32 $0xCD, s30;
	[sflag:s14] =	ssyncadd.s32 $0xFFFFD800  }
0x2a: {  	s8 =	sadd.s32 @!p2 $0x1, s8;
	s0 =	sadd.s32 @!p0 $0x14080, s0;
	s15 =	simm.s32 @!p2 $0xC00  }
0x2b: {  	s25 =	smul.u32 $0xFFFFD800, s9;
	s9 =	simm.s32 @!p2 $0x0;
	s13 =	sand.u32 @!p2 $0x1, s8  }
0x2c: {  	[bflag:$0x0] =	sbarrier.arrive $0xFFFF;
	s8 =	smul.u32 @!p2 $0xC00, s8;
	p5 =	seq.s32 @!p2 s13, $0x1  }
0x2d: {  	s13 =	simm.s32 @!p0 $0x1B000;
	_ =	swait.ge @!p0 [sflag:s11], $0x4000;
	p4 =	por @!p3 !p5, p4  }
0x2e: {  	s8 =	sadd.s32 @!p2 s7, s8;
	[sflag:s11] =	ssyncset.done @!p0 $0x0;
	p3 =	por !p4, p3  }
0x2f: {  	s8 =	sshrl.u32 @!p2 s8, $0x3;
	[sflag:s11] =	ssyncadd.s32 @!p0 $0xFFFFC000;
	s15 =	simm.s32 @!p3 $0x0  }
0x30: {  	[tilespmem:s13], [sflag:$0x2] =	stream.indirect.gather @!p0 [hbm4b:s4+s10], $0x80, s0, s10, $0xb8;
	[tilespmem:$0x1F000] =	vst v63  }
0x31: {  	s0 =	sadd.s32 @!p2 s5, s8;
	p0 =	por $0x0, $0x0;
	s10 =	sshra.s32 s25, $0x2  }
0x32: {  	s11 =	sor.u32 @!p2 $0x14000, s15;
	s13 =	sadd.s32 @!p2 $0x15800, s15;
	s15 =	sadd.s32 @!p2 s6, s8  }
0x33: {  	[tilespmem:s11], [sflag:$0x5] =	stream.linear.gather @!p2 [hbm4b:s0+s9], $0xA00, $0x38;
	[tilespmem:$0x1F000] =	vst v63  }
0x34: {  	s8 =	simm.s32 @!p1 $0x6;
	s11 =	sshrl.u32 s18, $0xB;
	s0 =	simm.s32 $0x2  }
.LBB2_2:
0x35: {  	s18 =	sand.u32 $0x1F, s11;
	s11 =	sand.u32 $0x1, s11;
	s10 =	sadd.s32 s10, s28  }
0x36: {  	s12 =	smov.u32 s0;
	s0 =	smov.u32 s29;
	s29 =	smov.u32 s31  }
0x37: {  	[tilespmem:s13], [sflag:$0x6] =	stream.linear.gather @!p2 [hbm4b:s15+s9], $0xA00, $0x38;
	[tilespmem:$0x1F000] =	vst v63  }
0x38: {  	p3 =	seq.s32 s0, $0x2;
	s13 =	sadd.s32 $0x15800, s1;
	s1 =	simm.s32 @!p1 $0x5  }
0x39: {  	s9 =	smul.u32 $0x3000, s11;
	p2 =	seq.s32 s12, $0x50;
	_ =	swait.ge [sflag:s22], $0x4000  }
0x3a: {  	s11 =	smul.u32 @!p3 $0x3000, s11;
	s3 =	simm.s32 @!p2 $0xC00;
	[sflag:s22] =	ssyncset.done $0x0  }
0x3b: {  	s25 =	smul.u32 $0xA, s18;
	s15 =	simm.s32 @!p3 $0x80;
	[sflag:s22] =	ssyncadd.s32 $0xFFFFC000  }
0x3c: {  	[spmem:s2] =	stream.indirect.scatter.add.f32 [tilespmem:s17], [sflag:$0x3], $0x80, s13, s16, $0xb8;
	[tilespmem:$0x1F000] =	vst v63  }
0x3d: {  	s25 =	ssub.s32 s30, s25;
	s9 =	sshrl.u32 s9, $0x2;
	_ =	swait.ge @!p1 [sflag:s1], $0xA00  }
0x3e: {  	s11 =	sshrl.u32 @!p3 s11, $0x2;
	s20 =	sand.u32 @!p0 $0xFF, s25;
	[sflag:s1] =	ssyncset.done @!p1 $0x0  }
0x3f: {  	p4 =	sne.s32 @!p0 s20, $0x0;
	[sflag:s1] =	ssyncadd.s32 @!p1 $0xFFFFF600;
	s1 =	smul.u32 @!p2 $0xCD, s12  }
0x40: {  	p5 =	sne.s32 @!p0 s20, $0x9;
	s12 =	sand.u32 $0xFF, s25;
	_ =	swait.ge @!p1 [sflag:s8], $0xA00  }
0x41: {  	s20 =	sshll.u32 @!p3 s12, $0x8;
	[sflag:s8] =	ssyncset.done @!p1 $0x0;
	s1 =	sshrl.u32 @!p2 s1, $0xC  }
0x42: {  	s11 =	sadd.s32 @!p3 s20, s11;
	[sflag:s8] =	ssyncadd.s32 @!p1 $0xFFFFF600;
	s1 =	sand.u32 @!p2 $0x1, s1  }
0x43: {  	s8 =	sshll.u32 s12, $0x8;
	p1 =	por p5, p0;
	p5 =	seq.s32 @!p2 s1, $0x1  }
0x44: {  	s12 =	simm.s32 @!p2 $0x80;
	_ =	swait.ge [sflag:s23], $0x4000;
	p5 =	por !p5, p2  }
0x45: {  	s1 =	sadd.s32 s8, s9;
	[sflag:s23] =	ssyncset.done $0x0;
	s3 =	simm.s32 @p5 $0x0  }
0x46: {  	s8 =	simm.s32 @!p2 $0x17000;
	[sflag:s23] =	ssyncadd.s32 $0xFFFFC000;
	s3 =	sadd.s32 @!p2 s3, s10  }
0x47: {  	[tilespmem:s8], [sflag:$0x1] =	stream.indirect.gather @!p2 [hbm4b:s4+s12], $0x80, s3, s12, $0xb8;
	[tilespmem:$0x1F000] =	vst v63  }
0x48: {  	s31 =	sadd.s32 $0x2, s31;
	s28 =	sadd.s32 $0x100, s28;
	_ =	swait.ge [sflag:s24], $0x4000  }
0x49: {  	p2 =	por p4, p0;
	s3 =	sadd.s32 $0x80, s13;
	[sflag:s24] =	ssyncset.done $0x0  }
0x4a: {  	s8 =	smulhi.u32 $0xCCCCCCCD, s0;
	s9 =	sadd.s32 @!p2 $0x1, s18;
	[sflag:s24] =	ssyncadd.s32 $0xFFFFC000  }
0x4b: {  	s10 =	simm.s32 @!p3 $0x4;
	s12 =	smul.u32 @!p2 $0xC00, s9;
	s9 =	sand.u32 @!p2 $0x1, s9  }
0x4c: {  	s13 =	simm.s32 @!p3 $0x1B000;
	s8 =	sshrl.u32 s8, $0x4;
	p5 =	seq.s32 @!p2 s9, $0x1  }
0x4d: {  	s9 =	sadd.s32 @!p3 $0x14080, s11;
	s11 =	sadd.s32 @!p2 s7, s12;
	p4 =	por @!p0 !p5, p4  }
0x4e: {  	[spmem:s2] =	stream.indirect.scatter.add.f32 [tilespmem:s19], [sflag:$0x4], $0x80, s3, s16, $0xb8;
	[tilespmem:$0x1F000] =	vst v63  }
0x4f: {  	p0 =	por !p4, p0;
	s3 =	simm.s32 @!p2 $0xC00;
	_ =	swait.ge @!p3 [sflag:s10], $0x4000  }
0x50: {  	s11 =	sshrl.u32 @!p2 s11, $0x3;
	s3 =	simm.s32 @!p0 $0x0;
	[sflag:s10] =	ssyncset.done @!p3 $0x0  }
0x51: {  	s12 =	sadd.s32 @!p2 s5, s11;
	[sflag:s10] =	ssyncadd.s32 @!p3 $0xFFFFC000;
	s10 =	sor.u32 @!p2 $0x14000, s3  }
0x52: {  	[tilespmem:s13], [sflag:$0x2] =	stream.indirect.gather @!p3 [hbm4b:s4+s15], $0x80, s9, s15, $0xb8;
	[tilespmem:$0x1F000] =	vst v63  }
0x53: {  	p3 =	sne.s32 s31, $0x52  }
.Ltmp0:
0x54: {  	s13 =	sadd.s32 @!p2 $0x15800, s3;
	s15 =	sadd.s32 @!p2 s6, s11;
	(pc) =	sbr.rel @p3 .LBB2_2-.Ltmp0, $4  }
0x55: {  	s30 =	sadd.s32 $0x1, s30;
	s3 =	smul.u32 $0xFFFFD800, s8  }
0x56: {  	p0 =	sgt.u32 s30, $0x1D;
	s8 =	smul.u32 $0xCD, s30;
	s9 =	simm.s32 @!p2 $0x0  }
0x57: {  	[tilespmem:s10], [sflag:$0x5] =	stream.linear.gather @!p2 [hbm4b:s12+s9], $0xA00, $0x38;
	[tilespmem:$0x1F000] =	vst v63  }
0x58: {  	s11 =	sshrl.u32 s8, $0xB;
	s8 =	simm.s32 @!p1 $0x6;
	s10 =	sshra.s32 s3, $0x2  }
0x59: {  	[tilespmem:s13], [sflag:$0x6] =	stream.linear.gather @!p2 [hbm4b:s15+s9], $0xA00, $0x38;
	[tilespmem:$0x1F000] =	vst v63  }
0x5a: {  	_ =	swait.ge [sflag:s22], $0x4000  }
0x5b: {  	[sflag:s22] =	ssyncset.done $0x0  }
0x5c: {  	s1 =	sadd.s32 $0x15800, s1;
	s3 =	simm.s32 @!p1 $0x5;
	[sflag:s22] =	ssyncadd.s32 $0xFFFFC000  }
0x5d: {  	[spmem:s2] =	stream.indirect.scatter.add.f32 [tilespmem:s17], [sflag:$0x3], $0x80, s1, s16, $0xb8;
	[tilespmem:$0x1F000] =	vst v63  }
0x5e: {  	p3 =	seq.s32 s0, $0x50;
	s9 =	sand.u32 $0x1F, s11;
	_ =	swait.ge @!p1 [sflag:s3], $0xA00  }
0x5f: {  	s11 =	sand.u32 $0x1, s11;
	s0 =	smul.u32 @!p3 $0xCD, s0;
	[sflag:s3] =	ssyncset.done @!p1 $0x0  }
0x60: {  	p2 =	seq.s32 s29, $0x2;
	s25 =	smulhi.u32 $0xCCCCCCCD, s29;
	[sflag:s3] =	ssyncadd.s32 @!p1 $0xFFFFF600  }
0x61: {  	s15 =	smul.u32 $0xA, s9;
	s0 =	sshrl.u32 @!p3 s0, $0xC;
	_ =	swait.ge @!p1 [sflag:s8], $0xA00  }
0x62: {  	s18 =	smul.u32 $0x3000, s11;
	s0 =	sand.u32 @!p3 $0x1, s0;
	[sflag:s8] =	ssyncset.done @!p1 $0x0  }
0x63: {  	s3 =	sadd.s32 s10, s28;
	[sflag:s8] =	ssyncadd.s32 @!p1 $0xFFFFF600;
	p1 =	seq.s32 @!p3 s0, $0x1  }
0x64: {  	s10 =	simm.s32 @!p3 $0xC00;
	_ =	swait.ge [sflag:s23], $0x4000;
	p1 =	por !p1, p3  }
0x65: {  	s8 =	simm.s32 @!p3 $0x80;
	[sflag:s23] =	ssyncset.done $0x0;
	s10 =	simm.s32 @p1 $0x0  }
0x66: {  	[sflag:s23] =	ssyncadd.s32 $0xFFFFC000;
	s3 =	sadd.s32 @!p3 s10, s3;
	s10 =	simm.s32 @!p3 $0x17000  }
0x67: {  	[tilespmem:s10], [sflag:$0x1] =	stream.indirect.gather @!p3 [hbm4b:s4+s8], $0x80, s3, s8, $0xb8;
	[tilespmem:$0x1F000] =	vst v63  }
0x68: {  	s1 =	sadd.s32 $0x80, s1;
	s0 =	ssub.s32 s30, s15;
	s3 =	smul.u32 @!p2 $0x3000, s11  }
0x69: {  	s8 =	simm.s32 @!p2 $0x80;
	s10 =	sand.u32 @!p0 $0xFF, s0;
	s0 =	sand.u32 $0xFF, s0  }
0x6a: {  	p3 =	sne.s32 @!p0 s10, $0x0;
	s12 =	sshll.u32 @!p2 s0, $0x8;
	_ =	swait.ge [sflag:s24], $0x4000  }
0x6b: {  	s3 =	sshrl.u32 @!p2 s3, $0x2;
	p1 =	por p3, p0;
	[sflag:s24] =	ssyncset.done $0x0  }
0x6c: {  	s3 =	sadd.s32 @!p2 s12, s3;
	s9 =	sadd.s32 @!p1 $0x1, s9;
	[sflag:s24] =	ssyncadd.s32 $0xFFFFC000  }
0x6d: {  	[spmem:s2] =	stream.indirect.scatter.add.f32 [tilespmem:s19], [sflag:$0x4], $0x80, s1, s16, $0xb8;
	[tilespmem:$0x1F000] =	vst v63  }
0x6e: {  	s1 =	simm.s32 @!p2 $0x4;
	s12 =	smul.u32 @!p1 $0xC00, s9;
	s9 =	sand.u32 @!p1 $0x1, s9  }
0x6f: {  	s3 =	sadd.s32 @!p2 $0x14080, s3;
	p4 =	seq.s32 @!p1 s9, $0x1;
	_ =	swait.ge @!p2 [sflag:s1], $0x4000  }
0x70: {  	s12 =	sadd.s32 @!p1 s7, s12;
	p3 =	por @!p0 !p4, p3;
	[sflag:s1] =	ssyncset.done @!p2 $0x0  }
0x71: {  	[sflag:s1] =	ssyncadd.s32 @!p2 $0xFFFFC000;
	s1 =	simm.s32 @!p1 $0xC00;
	p3 =	por !p3, p0  }
0x72: {  	s9 =	simm.s32 @!p2 $0x1B000;
	s12 =	sshrl.u32 @!p1 s12, $0x3;
	s1 =	simm.s32 @!p3 $0x0  }
0x73: {  	[tilespmem:s9], [sflag:$0x2] =	stream.indirect.gather @!p2 [hbm4b:s4+s8], $0x80, s3, s8, $0xb8;
	[tilespmem:$0x1F000] =	vst v63  }
0x74: {  	s8 =	sadd.s32 @!p1 s5, s12;
	s9 =	simm.s32 @!p1 $0x0;
	s3 =	sor.u32 @!p1 $0x14000, s1  }
0x75: {  	[tilespmem:s3], [sflag:$0x5] =	stream.linear.gather @!p1 [hbm4b:s8+s9], $0xA00, $0x38;
	[tilespmem:$0x1F000] =	vst v63  }
0x76: {  	s20 =	sshrl.u32 s18, $0x2;
	s1 =	sadd.s32 @!p1 $0x15800, s1;
	s8 =	sadd.s32 @!p1 s6, s12  }
0x77: {  	[tilespmem:s1], [sflag:$0x6] =	stream.linear.gather @!p1 [hbm4b:s8+s9], $0xA00, $0x38;
	[tilespmem:$0x1F000] =	vst v63  }
0x78: {  	s0 =	sshll.u32 s0, $0x8;
	p1 =	sne.s32 @!p0 s10, $0x9;
	_ =	swait.ge [sflag:s22], $0x4000  }
0x79: {  	s0 =	sadd.s32 s0, s20;
	p1 =	por p1, p0;
	[sflag:s22] =	ssyncset.done $0x0  }
0x7a: {  	s0 =	sadd.s32 $0x15800, s0;
	s3 =	simm.s32 @!p1 $0x5;
	[sflag:s22] =	ssyncadd.s32 $0xFFFFC000  }
0x7b: {  	[spmem:s2] =	stream.indirect.scatter.add.f32 [tilespmem:s17], [sflag:$0x3], $0x80, s0, s16, $0xb8;
	[tilespmem:$0x1F000] =	vst v63  }
0x7c: {  	p0 =	seq.s32 s29, $0x50;
	_ =	swait.ge @!p1 [sflag:s3], $0xA00  }
0x7d: {  	s1 =	sshrl.u32 s25, $0x4;
	s8 =	smul.u32 @!p0 $0xCD, s29;
	[sflag:s3] =	ssyncset.done @!p1 $0x0  }
0x7e: {  	s1 =	smul.u32 $0xFFFFD800, s1;
	[sflag:s3] =	ssyncadd.s32 @!p1 $0xFFFFF600;
	s3 =	simm.s32 @!p1 $0x6  }
0x7f: {  	s28 =	sadd.s32 $0x100, s28;
	s8 =	sshrl.u32 @!p0 s8, $0xC;
	_ =	swait.ge @!p1 [sflag:s3], $0xA00  }
0x80: {  	s1 =	sshra.s32 s1, $0x2;
	s8 =	sand.u32 @!p0 $0x1, s8;
	[sflag:s3] =	ssyncset.done @!p1 $0x0  }
0x81: {  	s1 =	sadd.s32 s1, s28;
	[sflag:s3] =	ssyncadd.s32 @!p1 $0xFFFFF600;
	p1 =	seq.s32 @!p0 s8, $0x1  }
0x82: {  	s3 =	simm.s32 @!p0 $0xC00;
	_ =	swait.ge [sflag:s23], $0x4000;
	p1 =	por !p1, p0  }
0x83: {  	s8 =	simm.s32 @!p0 $0x80;
	[sflag:s23] =	ssyncset.done $0x0;
	s3 =	simm.s32 @p1 $0x0  }
0x84: {  	[sflag:s23] =	ssyncadd.s32 $0xFFFFC000;
	s1 =	sadd.s32 @!p0 s3, s1;
	s3 =	simm.s32 @!p0 $0x17000  }
0x85: {  	[tilespmem:s3], [sflag:$0x1] =	stream.indirect.gather @!p0 [hbm4b:s4+s8], $0x80, s1, s8, $0xb8;
	[tilespmem:$0x1F000] =	vst v63  }
0x86: {  	_ =	swait.ge [sflag:s24], $0x4000  }
0x87: {  	[sflag:s24] =	ssyncset.done $0x0  }
0x88: {  	s29 =	simm.s32 $0x4;
	s0 =	sadd.s32 $0x80, s0;
	[sflag:s24] =	ssyncadd.s32 $0xFFFFC000  }
0x89: {  	[spmem:s2] =	stream.indirect.scatter.add.f32 [tilespmem:s19], [sflag:$0x4], $0x80, s0, s16, $0xb8;
	[tilespmem:$0x1F000] =	vst v63  }
0x8a: {  	_ =	swait.ge [sflag:s29], $0x4000  }
0x8b: {  	[sflag:s29] =	ssyncset.done $0x0  }
0x8c: {  	[sflag:s29] =	ssyncadd.s32 $0xFFFFC000  }
0x8d: {  	[bflag:$0x0] =	sbarrier.arrive $0xFFFF  }
0x8e: {  	s30 =	rddreg [dreg:$0x6]  }
0x8f: {  	s10 =	rddreg [dreg:$0x8]  }
0x90: {  	[hbm:s30], [sflag:s21] =	dma.local [spmem:s10], $0x2800  }
0x91: {  	_ =	swait.ge [sflag:s14], $0x2800  }
0x92: {  	s26 =	sadd.s32 $0x1, s26;
	s31 =	rddreg [dreg:$0x7]  }
0x93: {  	p0 =	sne.s32 s26, s31  }
.Ltmp1:
0x94: {  	_ = 	snop;
	(pc) =	sbr.rel @p0 .LBB2_1-.Ltmp1, $3  }
0x95: {  	_ =	sdelay $0x1  }
0x96: {  	[sflag:s14] =	ssyncset.done $0x0  }
0x97: {  	s9 =	smov.u32 s21;
	[sflag:s14] =	ssyncadd.s32 $0xFFFFD800  }
0x98: {  	_ =	sfence.sel $0x180000  }
0x99: {  	[bflag:$0x0] =	sbarrier.arrive $0xFFFF  }
0x9a: {  	_ =	strace $0x9000004D  }
0x9b: {  	s0 =	stileid.u32;
	[bflag:$0x2] =	sbarrier.arrive $0xFFFF  }
0x9c: {  	p0 =	sne.s32 s0, $0x0;
	s0 =	rddreg [dreg:$0x2]  }
0x9d: {  	s0 =	sadd.s32 @!p0 $0x100000, s0  }
0x9e: {  	[sflag:s0] =	ssyncadd.tile.s32 @!p0 $0x1;
	_ =	shalt  }
.Lfunc_end2:
_tile_overlayer_lowered:
.L_overlay_start_2:
0x9f: {  	(tag) =	ssettag $0x2  }
0xa0: {  	s0 =	rddreg [dreg:$0x0];
	s2 =	stileid.u32  }
0xa1: {  	s1 =	rddreg [dreg:$0x1];
	p0 =	sne.s32 s2, $0x0  }
0xa2: {  	s3 =	rddreg [dreg:$0x2];
	[bflag:$0x3] =	sbarrier.arrive $0xFFFF;
	s2 =	simm.s32 @!p0 $0x1C07  }
0xa3: {  	[timem:s3], [sflag:s2] =	dma.local @!p0 [hbm:s0], s1  }
0xa4: {  	s0 =	simm.s32 @!p0 $0x7  }
0xa5: {  	_ =	swait.ge @!p0 [sflag:s0], s1  }
0xa6: {  	s1 =	ssub.s32 @!p0 $0x0, s1;
	[sflag:s0] =	ssyncset.done @!p0 $0x0  }
0xa7: {  	[sflag:s0] =	ssyncadd.s32 @!p0 s1  }
0xa8: {  	[bflag:$0x3] =	sbarrier.arrive $0xFFFF  }
0xa9: {  	_ =	shalt  }

// kernel: kernel.8.cloned.1.call-start
scs
__scs_entry_jumppad:
0x0: {  	(pc) =	sbr.rel $0x88, $3  }
0x1: {  	(tag) =	ssettag $0x0;
	lr =	simm.s32 $0x1  }
0x2: {  	[smem:$0x3F8E] =	sst lr;
	_ =	strace $0xD0000000  }
0x3: {  	_ = 	snop  }
0x4: {  	_ = 	snop  }
0x5: {  	_ = 	snop  }
0x6: {  	_ = 	snop  }
0x7: {  	_ = 	snop  }
__scs_overlays_trampoline_lowered:
0x8: {  	[smem:$0x3F9D] =	sst s0  }
0x9: {  	[smem:$0x3F9E] =	sst s1  }
0xa: {  	[smem:$0x3F9F] =	sst s2  }
0xb: {  	[smem:$0x3FA0] =	sst s3  }
0xc: {  	[smem:$0x3FA1] =	sst s4  }
0xd: {  	[smem:$0x3FA2] =	sst s5  }
0xe: {  	[smem:$0x3FA3] =	sst s6  }
0xf: {  	[smem:$0x3FA4] =	sst s7  }
0x10: {  	[smem:$0x3FA5] =	sst s8  }
0x11: {  	[smem:$0x3FA6] =	sst s9;
	s0 =	simm.s32 @!p0 $0x0  }
0x12: {  	s1 =	sld [smem:$0x3F8C];
	s0 =	simm.s32 @p0 $0x1  }
0x13: {  	[smem:$0x3FA7] =	sst s0;
	s0 =	simm.s32 @!p1 $0x0  }
0x14: {  	s2 =	sld [smem:$0x3F8B];
	s0 =	simm.s32 @p1 $0x1  }
0x15: {  	[smem:$0x3FA8] =	sst s0;
	s0 =	simm.s32 @!p2 $0x0  }
0x16: {  	s3 =	sld [smem:$0x3FDB];
	s0 =	simm.s32 @p2 $0x1  }
0x17: {  	s4 =	simm.s32 $0x1BF5;
	[smem:$0x3FAA] =	sst s0  }
0x18: {  	s0 =	sld [smem:$0x3F8D];
	_ =	swait.ge [sflag:s4], $0x0  }
0x19: {  	s7 =	sld [smem:$0x3F8E]  }
0x1a: {  	s8 =	sadd.s32 $0xFFFFE003, lr  }
0x1b: {  	s9 =	sadd.s32 $0xFFFFFEF7, lr;
	s5 =	simm.s32 $0xFFFFFFFF;
	p2 =	slt.u32 s8, $0xFFFFF086  }
0x1c: {  	p1 =	slt.u32 s9, $0xF7A;
	s5 =	simm.s32 @!p2 $0x0  }
0x1d: {  	s5 =	simm.s32 @p1 $0x1;
	p0 =	seq.s32 s7, s2  }
0x1e: {  	s7 =	smul.u32 @!p0 $0xF7A, s2;
	p2 =	seq.s32 @!p0 s5, $0x0  }
0x1f: {  	s9 =	smul.u32 $0xF7A, s1;
	s8 =	simm.s32 @!p0 $0x1BF5;
	p2 =	por !p2, p0  }
0x20: {  	[sflag:s8] =	ssyncset.s32 @!p0 $0xFFFFF086;
	s6 =	sadd.s32 @!p0 s3, s7;
	s7 =	simm.s32 @!p0 $0x108  }
0x21: {  	s3 =	sadd.s32 s3, s9;
	s6 =	sadd.s32 @!p0 $0x88, s6;
	s7 =	simm.s32 @p2 $0x1082  }
0x22: {  	[simem:s7], [sflag:s8] =	dma.local @!p0 [hbm:s6], $0xF7A  }
0x23: {  	s9 =	sor.u32 $0xD0000000, s2;
	s6 =	simm.s32 $0x108;
	_ =	swait.ge @!p0 [sflag:s8], $0x0  }
0x24: {  	s3 =	sadd.s32 $0x88, s3;
	s6 =	simm.s32 @!p1 $0x1082;
	[sflag:s4] =	ssyncset.s32 $0xFFFFF086  }
0x25: {  	[simem:s6], [sflag:s4] =	dma.local [hbm:s3], $0xF7A  }
0x26: {  	[smem:$0x3F8E] =	sst s1;
	(tag) =	ssettag s2;
	_ =	strace s9  }
0x27: {  	s1 =	sld [smem:$0x3F9E]  }
0x28: {  	s2 =	sld [smem:$0x3F9F]  }
0x29: {  	s4 =	sld [smem:$0x3FA1]  }
0x2a: {  	p0 =	seq.s32 s5, $0x0;
	s5 =	sld [smem:$0x3FA2]  }
0x2b: {  	s6 =	sld [smem:$0x3FA3]  }
0x2c: {  	s7 =	sld [smem:$0x3FA4]  }
0x2d: {  	s3 =	simm.s32 $0x108;
	s8 =	sld [smem:$0x3FA5]  }
0x2e: {  	s3 =	simm.s32 @!p0 $0x1082;
	s9 =	sld [smem:$0x3FA6]  }
0x2f: {  	lr =	sadd.s32 s0, s3;
	s0 =	sld [smem:$0x3F9D]  }
0x30: {  	s3 =	sld [smem:$0x3FA0]  }
0x31: {  	[smem:$0x3FA9] =	sst s10  }
0x32: {  	s10 =	sld [smem:$0x3FA7];
	_ =	sdelay $0x3  }
0x33: {  	p0 =	seq.s32 s10, $0x1;
	s10 =	sld [smem:$0x3FA9];
	_ =	sdelay $0x3  }
0x34: {  	[smem:$0x3FA9] =	sst s10  }
0x35: {  	s10 =	sld [smem:$0x3FA8];
	_ =	sdelay $0x3  }
0x36: {  	p1 =	seq.s32 s10, $0x1;
	s10 =	sld [smem:$0x3FA9];
	_ =	sdelay $0x3  }
0x37: {  	[smem:$0x3FA9] =	sst s10  }
0x38: {  	s10 =	sld [smem:$0x3FAA]  }
0x39: {  	_ = 	snop;
	(pc) =	sbr.ind lr, $3  }
0x3a: {  	_ = 	snop  }
0x3b: {  	_ = 	snop  }
0x3c: {  	p2 =	seq.s32 s10, $0x1;
	s10 =	sld [smem:$0x3FA9]  }
0x3d: {  	_ =	shalt  }
0x3e: {  	_ =	shalt  }
0x3f: {  	_ =	shalt  }
0x40: {  	_ =	shalt  }
0x41: {  	_ =	shalt  }
0x42: {  	_ =	shalt  }
0x43: {  	_ =	shalt  }
0x44: {  	_ =	shalt  }
0x45: {  	_ =	shalt  }
0x46: {  	_ =	shalt  }
0x47: {  	_ =	shalt  }
0x48: {  	_ =	shalt  }
0x49: {  	_ =	shalt  }
0x4a: {  	_ =	shalt  }
0x4b: {  	_ =	shalt  }
0x4c: {  	_ =	shalt  }
0x4d: {  	_ =	shalt  }
0x4e: {  	_ =	shalt  }
0x4f: {  	_ =	shalt  }
0x50: {  	_ =	shalt  }
0x51: {  	_ =	shalt  }
0x52: {  	_ =	shalt  }
0x53: {  	_ =	shalt  }
0x54: {  	_ =	shalt  }
0x55: {  	_ =	shalt  }
0x56: {  	_ =	shalt  }
0x57: {  	_ =	shalt  }
0x58: {  	_ =	shalt  }
0x59: {  	_ =	shalt  }
0x5a: {  	_ =	shalt  }
0x5b: {  	_ =	shalt  }
0x5c: {  	_ =	shalt  }
0x5d: {  	_ =	shalt  }
0x5e: {  	_ =	shalt  }
0x5f: {  	_ =	shalt  }
0x60: {  	_ =	shalt  }
0x61: {  	_ =	shalt  }
0x62: {  	_ =	shalt  }
0x63: {  	_ =	shalt  }
0x64: {  	_ =	shalt  }
0x65: {  	_ =	shalt  }
0x66: {  	_ =	shalt  }
0x67: {  	_ =	shalt  }
0x68: {  	_ =	shalt  }
0x69: {  	_ =	shalt  }
0x6a: {  	_ =	shalt  }
0x6b: {  	_ =	shalt  }
0x6c: {  	_ =	shalt  }
0x6d: {  	_ =	shalt  }
0x6e: {  	_ =	shalt  }
0x6f: {  	_ =	shalt  }
0x70: {  	_ =	shalt  }
0x71: {  	_ =	shalt  }
0x72: {  	_ =	shalt  }
0x73: {  	_ =	shalt  }
0x74: {  	_ =	shalt  }
0x75: {  	_ =	shalt  }
0x76: {  	_ =	shalt  }
0x77: {  	_ =	shalt  }
0x78: {  	_ =	shalt  }
0x79: {  	_ =	shalt  }
0x7a: {  	_ =	shalt  }
0x7b: {  	_ =	shalt  }
0x7c: {  	_ =	shalt  }
0x7d: {  	_ =	shalt  }
0x7e: {  	_ =	shalt  }
0x7f: {  	_ =	shalt  }
0x80: {  	_ =	shalt  }
0x81: {  	_ =	shalt  }
0x82: {  	_ =	shalt  }
0x83: {  	_ =	shalt  }
0x84: {  	_ =	shalt  }
0x85: {  	_ =	shalt  }
0x86: {  	_ =	shalt  }
0x87: {  	_ =	shalt  }
.Lfunc_end0:
.L_simem_size_0:
called_computation_lowered:
.L_overlay_start_0:
0x88: {  	s2 =	sld [smem:$0x3FD9]  }
0x89: {  	s3 =	sld [smem:$0x3FFE];
	_ =	sdelay $0x1  }
0x8a: {  	s1 =	srdreg.scid  }
0x8b: {  	s0 =	sand.u32 $0x1, s1  }
0x8c: {  	s17 =	sshll.u32 s0, $0xA;
	s2 =	sadd.s32 s3, s2  }
0x8d: {  	s2 =	sadd.s32 s2, s17  }
0x8e: {  	[smem:$0x3FB5] =	sst s2  }
0x8f: {  	_ = 	snop  }
0x90: {  	s2 =	sld [smem:$0x3FC9];
	(tm) =	ssettm $0x1  }
0x91: {  	s18 =	sld [smem:$0x3FFB];
	_ =	sdelay $0x3  }
0x92: {  	_ =	strace s18  }
0x93: {  	s3 =	sld [smem:$0x3FFC];
	_ =	sdelay $0x3  }
0x94: {  	_ =	strace s3  }
0x95: {  	s3 =	sld [smem:$0x3FFD];
	_ =	sdelay $0x3  }
0x96: {  	_ =	strace s3  }
0x97: {  	_ =	strace $0x8FFFFFFF  }
0x98: {  	s19 =	sld [smem:$0x3FDB];
	_ =	sdelay $0x1  }
0x99: {  	s4 =	simm.s32 $_scs_section_size  }
0x9a: {  	s5 =	simm.s32 $_size__tile_overlayer_lowered;
	s6 =	simm.s32 $_tile_overlayer_lowered  }
0x9b: {  	s22 =	simm.s32 $0x1BFF;
	s21 =	sshll.u32 s6, $0x1;
	s3 =	sadd.s32 s4, s19  }
0x9c: {  	s7 =	simm.s32 $0x0;
	s20 =	sshll.u32 s5, $0x1;
	s5 =	sadd.s32 s21, s3  }
0x9d: {  	[timem:s7], [sflag:s22] =	dma.local [hbm:s5], s20  }
0x9e: {  	_ =	swait.ge [sflag:s22], s20  }
0x9f: {  	s4 =	ssub.s32 $0x0, s20;
	[sflag:s22] =	ssyncset.done $0x0  }
0xa0: {  	[sflag:s22] =	ssyncadd.s32 s4;
	_ =	sdelay $0x1  }
0xa1: {  	s23 =	simm.s32 $0x1B8B  }
0xa2: {  	_ =	swait.ge [sflag:s23], $0x1  }
0xa3: {  	[sflag:s23] =	ssyncset.done $0x0  }
0xa4: {  	s25 =	simm.s32 $0x1B8E;
	s24 =	sld [smem:$0x3FFE];
	[sflag:s23] =	ssyncadd.s32 $0xFFFFFFFF  }
0xa5: {  	s26 =	simm.s32 $execute0_lowered;
	[smem:$0x3FD2] =	sst s25  }
0xa6: {  	s5 =	sshll.u32 s26, $0x1;
	_ =	strace $0x80000046;
	[dreg:$0x1] =	wrdreg $0xFFFFFFFF  }
0xa7: {  	s28 =	simm.s32 $_size_execute0_lowered;
	s3 =	sadd.s32 s3, s5;
	[dreg:$0x0] =	wrdreg $0x0  }
0xa8: {  	s5 =	sshll.u32 s28, $0x1;
	[dreg:$0x2] =	wrdreg s3  }
0xa9: {  	[dreg:$0x3] =	wrdreg s5  }
0xaa: {  	[dreg:$0x4] =	wrdreg $0xC0  }
0xab: {  	_ =	task [dreg:s7], $0x5FFFF  }
0xac: {  	[dreg:$0x1] =	wrdreg $0xFFFFFFFF  }
0xad: {  	[dreg:$0x0] =	wrdreg $0x60  }
0xae: {  	[dreg:$0x2] =	wrdreg s2  }
0xaf: {  	[dreg:$0x3] =	wrdreg s24  }
0xb0: {  	[dreg:$0x4] =	wrdreg $0x0  }
0xb1: {  	[dreg:$0x5] =	wrdreg $0x9  }
0xb2: {  	_ =	task.clear_ibuf [dreg:s7], $0x6FFFF;
	_ =	strace $0x90000046  }
0xb3: {  	s29 =	simm.s32 $0x9;
	_ =	strace $0x80000048  }
0xb4: {  	_ =	swait.ge [sflag:s29], $0x1  }
0xb5: {  	[sflag:s29] =	ssyncadd.s32 $0xFFFFFFFF  }
0xb6: {  	_ =	strace $0x90000048  }
0xb7: {  	_ =	sfence  }
0xb8: {  	s30 =	sld [smem:$0x0];
	_ =	sdelay $0x2  }
0xb9: {  	s31 =	sshll.u32 s1, $0xD;
	s1 =	sshrl.u32 s1, $0x2  }
0xba: {  	s3 =	sand.u32 $0x4000, s31;
	s1 =	sadd.s32 s1, s30  }
0xbb: {  	s0 =	sor.u32 s3, s0;
	s1 =	sshll.u32 s1, $0x11  }
0xbc: {  	s0 =	sor.u32 s1, s0  }
0xbd: {  	s0 =	sadd.s32 $0x8F2B, s0  }
0xbe: {  	[sflag:s0] =	ssyncadd.remote.s32 $0x1  }
0xbf: {  	_ =	sfence.sel $0xFFFF  }
0xc0: {  	[dreg:$0x0] =	wrdreg $0xFFFFFFFF;
	(pc) =	sbr.abs _section_cstart, $3  }
0xc1: {  	[dreg:$0x1] =	wrdreg $0xFFFFFFFF  }
0xc2: {  	_ =	task.clear_ibuf [dreg:s7], $0x2FFFF;
	_ =	strace $0x9FFFFFFF  }
0xc3: {  	(tm) =	ssettm $0x7FFFFFFF  }
tec
execute0_lowered:
.L_overlay_start_1:
0x0: {  	(tag) =	ssettag $0x1  }
0x1: {  	s1 =	rddreg [dreg:$0x0]  }
0x2: {  	s0 =	rddreg [dreg:$0x1]  }
0x3: {  	s3 =	rddreg [dreg:$0x2];
	s5 =	simm.s32 $0x0;
	s4 =	stileid.u32  }
0x4: {  	s2 =	srdreg.scid;
	s14 =	simm.s32 $0x7;
	s16 =	simm.s32 $0x80  }
0x5: {  	s17 =	simm.s32 $0x17000;
	s19 =	simm.s32 $0x1B000;
	s7 =	smul.u32 $0x14000, s4  }
0x6: {  	s22 =	simm.s32 $0x1;
	s23 =	simm.s32 $0x3;
	s25 =	smul.u32 $0x3000, s4  }
0x7: {  	[smem:$0x7FF] =	sst s5;
	s2 =	sand.u32 $0x1, s2;
	s11 =	smul.u32 $0x50000, s4  }
0x8: {  	s5 =	sadd.s32 $0x4200, s0;
	s6 =	sadd.s32 $0x10200, s0;
	s8 =	smul.u32 $0x140000, s2  }
0x9: {  	_ =	strace $0x80000047;
	s10 =	smul.u32 $0x30000, s2;
	s2 =	ssub.s32 $0x2, s2  }
0xa: {  	s9 =	sshrl.u32 s7, $0x3;
	s12 =	sshrl.u32 s2, $0x1;
	s26 =	sshrl.u32 s11, $0x2  }
0xb: {  	s9 =	sadd.s32 s9, s0;
	s7 =	sadd.s32 s7, s8;
	s2 =	ssub.s32 s2, s12  }
0xc: {  	s29 =	sadd.s32 s26, s3;
	s7 =	sshrl.u32 s7, $0x3;
	s9 =	sadd.s32 $0x1C200, s9  }
0xd: {  	s30 =	smax.u32 s2, $0x1;
	s0 =	sadd.s32 s7, s0;
	[dreg:$0x6] =	wrdreg s9  }
0xe: {  	s7 =	sadd.s32 s25, s10;
	[dreg:$0x8] =	wrdreg s30;
	s10 =	sshrl.u32 s29, $0x3  }
0xf: {  	s8 =	sshrl.u32 s7, $0x3;
	s0 =	sadd.s32 $0x44200, s0;
	[dreg:$0x9] =	wrdreg s10  }
0x10: {  	s24 =	simm.s32 $0x2;
	s28 =	sadd.s32 s5, s8;
	[dreg:$0x7] =	wrdreg s0  }
0x11: {  	s31 =	sshll.u32 s4, $0x6;
	s8 =	sadd.s32 s6, s8;
	[dreg:$0x4] =	wrdreg s28  }
0x12: {  	s26 =	simm.s32 $0x0;
	s9 =	sor.u32 $0x1C07, s31;
	[dreg:$0x5] =	wrdreg s8  }
.LBB2_1:
0x13: {  	s0 =	simm.s32 $0x0;
	s2 =	rddreg [dreg:$0x4];
	s4 =	simm.s32 $0x14000  }
0x14: {  	[tilespmem:s4], [sflag:$0x7] =	stream.linear.gather [hbm4b:s2+s0], $0xA00, $0x38;
	[tilespmem:$0x1F000] =	vst v63  }
0x15: {  	_ =	swait.ge [sflag:s14], $0xA00  }
0x16: {  	[sflag:s14] =	ssyncset.done $0x0  }
0x17: {  	s8 =	simm.s32 $0x15800;
	s25 =	rddreg [dreg:$0x5];
	[sflag:s14] =	ssyncadd.s32 $0xFFFFF600  }
0x18: {  	[tilespmem:s8], [sflag:$0x7] =	stream.linear.gather [hbm4b:s25+s0], $0xA00, $0x38;
	[tilespmem:$0x1F000] =	vst v63  }
0x19: {  	s0 =	smul.u32 $0xCD, s0  }
0x1a: {  	s11 =	simm.s32 $0x14080;
	s21 =	smov.u32 s9;
	_ =	swait.ge [sflag:s14], $0xA00  }
0x1b: {  	s28 =	simm.s32 $0x14100;
	[sflag:s14] =	ssyncset.done $0x0;
	s0 =	sshrl.u32 s0, $0xB  }
0x1c: {  	s20 =	smulhi.u32 $0xCCCCCCCD, s24;
	[sflag:s14] =	ssyncadd.s32 $0xFFFFF600;
	s8 =	sand.u32 $0x1F, s0  }
0x1d: {  	[tilespmem:s17], [sflag:$0x1] =	stream.indirect.gather [hbm4b:s1+s16], $0x80, s4, s16, $0xb8;
	[tilespmem:$0x1F000] =	vst v63  }
0x1e: {  	s29 =	simm.s32 $0x4;
	s0 =	sand.u32 $0x1, s0;
	s13 =	smul.u32 $0xA, s8  }
0x1f: {  	p0 =	por $0x1, $0x1;
	p3 =	por $0x0, $0x0;
	s15 =	smul.u32 $0x3000, s0  }
0x20: {  	s31 =	simm.s32 $0x6;
	s30 =	simm.s32 $0x1;
	s0 =	smul.u32 @!p0 $0x3000, s0  }
0x21: {  	[tilespmem:s19], [sflag:$0x2] =	stream.indirect.gather [hbm4b:s1+s16], $0x80, s11, s16, $0xb8;
	[tilespmem:$0x1F000] =	vst v63  }
0x22: {  	s12 =	rddreg [dreg:$0x6];
	s2 =	ssub.s32 $0x0, s13;
	s0 =	sshrl.u32 @!p0 s0, $0x2  }
0x23: {  	[spmem:s10], [sflag:s9] =	dma.local [hbm:s12], $0x2800  }
0x24: {  	s10 =	simm.s32 @!p0 $0x80;
	s9 =	sshrl.u32 s15, $0x2;
	s11 =	sand.u32 $0xFF, s2  }
0x25: {  	s2 =	sand.u32 @!p3 $0xFF, s2;
	_ =	swait.ge [sflag:s14], $0x2800;
	s13 =	sshll.u32 @!p0 s11, $0x8  }
0x26: {  	p4 =	sne.s32 @!p3 s2, $0x0;
	p1 =	sne.s32 @!p3 s2, $0x9;
	s18 =	sshll.u32 s11, $0x8  }
0x27: {  	s11 =	simm.s32 @!p0 $0x4;
	[sflag:s14] =	ssyncset.done $0x0;
	s0 =	sadd.s32 @!p0 s13, s0  }
0x28: {  	p1 =	por p1, p3;
	p2 =	por p4, p3;
	s2 =	sadd.s32 s18, s9  }
0x29: {  	s9 =	sshrl.u32 s20, $0x4;
	s18 =	smul.u32 $0xCD, s30;
	[sflag:s14] =	ssyncadd.s32 $0xFFFFD800  }
0x2a: {  	s8 =	sadd.s32 @!p2 $0x1, s8;
	s0 =	sadd.s32 @!p0 $0x14080, s0;
	s15 =	simm.s32 @!p2 $0xC00  }
0x2b: {  	s25 =	smul.u32 $0xFFFFD800, s9;
	s9 =	simm.s32 @!p2 $0x0;
	s13 =	sand.u32 @!p2 $0x1, s8  }
0x2c: {  	[bflag:$0x0] =	sbarrier.arrive $0xFFFF;
	s8 =	smul.u32 @!p2 $0xC00, s8;
	p5 =	seq.s32 @!p2 s13, $0x1  }
0x2d: {  	s13 =	simm.s32 @!p0 $0x1B000;
	_ =	swait.ge @!p0 [sflag:s11], $0x4000;
	p4 =	por @!p3 !p5, p4  }
0x2e: {  	s8 =	sadd.s32 @!p2 s7, s8;
	[sflag:s11] =	ssyncset.done @!p0 $0x0;
	p3 =	por !p4, p3  }
0x2f: {  	s8 =	sshrl.u32 @!p2 s8, $0x3;
	[sflag:s11] =	ssyncadd.s32 @!p0 $0xFFFFC000;
	s15 =	simm.s32 @!p3 $0x0  }
0x30: {  	[tilespmem:s13], [sflag:$0x2] =	stream.indirect.gather @!p0 [hbm4b:s1+s10], $0x80, s0, s10, $0xb8;
	[tilespmem:$0x1F000] =	vst v63  }
0x31: {  	s0 =	sadd.s32 @!p2 s5, s8;
	p0 =	por $0x0, $0x0;
	s10 =	sshra.s32 s25, $0x2  }
0x32: {  	s11 =	sor.u32 @!p2 $0x14000, s15;
	s13 =	sadd.s32 @!p2 $0x15800, s15;
	s15 =	sadd.s32 @!p2 s6, s8  }
0x33: {  	[tilespmem:s11], [sflag:$0x5] =	stream.linear.gather @!p2 [hbm4b:s0+s9], $0xA00, $0x38;
	[tilespmem:$0x1F000] =	vst v63  }
0x34: {  	s8 =	simm.s32 @!p1 $0x6;
	s11 =	sshrl.u32 s18, $0xB;
	s0 =	simm.s32 $0x2  }
.LBB2_2:
0x35: {  	s18 =	sand.u32 $0x1F, s11;
	s11 =	sand.u32 $0x1, s11;
	s10 =	sadd.s32 s10, s28  }
0x36: {  	s12 =	smov.u32 s0;
	s0 =	smov.u32 s29;
	s29 =	smov.u32 s31  }
0x37: {  	[tilespmem:s13], [sflag:$0x6] =	stream.linear.gather @!p2 [hbm4b:s15+s9], $0xA00, $0x38;
	[tilespmem:$0x1F000] =	vst v63  }
0x38: {  	p3 =	seq.s32 s0, $0x2;
	s13 =	sadd.s32 $0x15800, s2;
	s2 =	simm.s32 @!p1 $0x5  }
0x39: {  	s9 =	smul.u32 $0x3000, s11;
	p2 =	seq.s32 s12, $0x50;
	_ =	swait.ge [sflag:s22], $0x4000  }
0x3a: {  	s11 =	smul.u32 @!p3 $0x3000, s11;
	s4 =	simm.s32 @!p2 $0xC00;
	[sflag:s22] =	ssyncset.done $0x0  }
0x3b: {  	s25 =	smul.u32 $0xA, s18;
	s15 =	simm.s32 @!p3 $0x80;
	[sflag:s22] =	ssyncadd.s32 $0xFFFFC000  }
0x3c: {  	[spmem:s3] =	stream.indirect.scatter.add.f32 [tilespmem:s17], [sflag:$0x3], $0x80, s13, s16, $0xb8;
	[tilespmem:$0x1F000] =	vst v63  }
0x3d: {  	s25 =	ssub.s32 s30, s25;
	s9 =	sshrl.u32 s9, $0x2;
	_ =	swait.ge @!p1 [sflag:s2], $0xA00  }
0x3e: {  	s11 =	sshrl.u32 @!p3 s11, $0x2;
	s20 =	sand.u32 @!p0 $0xFF, s25;
	[sflag:s2] =	ssyncset.done @!p1 $0x0  }
0x3f: {  	p4 =	sne.s32 @!p0 s20, $0x0;
	[sflag:s2] =	ssyncadd.s32 @!p1 $0xFFFFF600;
	s2 =	smul.u32 @!p2 $0xCD, s12  }
0x40: {  	p5 =	sne.s32 @!p0 s20, $0x9;
	s12 =	sand.u32 $0xFF, s25;
	_ =	swait.ge @!p1 [sflag:s8], $0xA00  }
0x41: {  	s20 =	sshll.u32 @!p3 s12, $0x8;
	[sflag:s8] =	ssyncset.done @!p1 $0x0;
	s2 =	sshrl.u32 @!p2 s2, $0xC  }
0x42: {  	s11 =	sadd.s32 @!p3 s20, s11;
	[sflag:s8] =	ssyncadd.s32 @!p1 $0xFFFFF600;
	s2 =	sand.u32 @!p2 $0x1, s2  }
0x43: {  	s8 =	sshll.u32 s12, $0x8;
	p1 =	por p5, p0;
	p5 =	seq.s32 @!p2 s2, $0x1  }
0x44: {  	s12 =	simm.s32 @!p2 $0x80;
	_ =	swait.ge [sflag:s23], $0x4000;
	p5 =	por !p5, p2  }
0x45: {  	s2 =	sadd.s32 s8, s9;
	[sflag:s23] =	ssyncset.done $0x0;
	s4 =	simm.s32 @p5 $0x0  }
0x46: {  	s8 =	simm.s32 @!p2 $0x17000;
	[sflag:s23] =	ssyncadd.s32 $0xFFFFC000;
	s4 =	sadd.s32 @!p2 s4, s10  }
0x47: {  	[tilespmem:s8], [sflag:$0x1] =	stream.indirect.gather @!p2 [hbm4b:s1+s12], $0x80, s4, s12, $0xb8;
	[tilespmem:$0x1F000] =	vst v63  }
0x48: {  	s31 =	sadd.s32 $0x2, s31;
	s28 =	sadd.s32 $0x100, s28;
	_ =	swait.ge [sflag:s24], $0x4000  }
0x49: {  	p2 =	por p4, p0;
	s4 =	sadd.s32 $0x80, s13;
	[sflag:s24] =	ssyncset.done $0x0  }
0x4a: {  	s8 =	smulhi.u32 $0xCCCCCCCD, s0;
	s9 =	sadd.s32 @!p2 $0x1, s18;
	[sflag:s24] =	ssyncadd.s32 $0xFFFFC000  }
0x4b: {  	s10 =	simm.s32 @!p3 $0x4;
	s12 =	smul.u32 @!p2 $0xC00, s9;
	s9 =	sand.u32 @!p2 $0x1, s9  }
0x4c: {  	s13 =	simm.s32 @!p3 $0x1B000;
	s8 =	sshrl.u32 s8, $0x4;
	p5 =	seq.s32 @!p2 s9, $0x1  }
0x4d: {  	s9 =	sadd.s32 @!p3 $0x14080, s11;
	s11 =	sadd.s32 @!p2 s7, s12;
	p4 =	por @!p0 !p5, p4  }
0x4e: {  	[spmem:s3] =	stream.indirect.scatter.add.f32 [tilespmem:s19], [sflag:$0x4], $0x80, s4, s16, $0xb8;
	[tilespmem:$0x1F000] =	vst v63  }
0x4f: {  	p0 =	por !p4, p0;
	s4 =	simm.s32 @!p2 $0xC00;
	_ =	swait.ge @!p3 [sflag:s10], $0x4000  }
0x50: {  	s11 =	sshrl.u32 @!p2 s11, $0x3;
	s4 =	simm.s32 @!p0 $0x0;
	[sflag:s10] =	ssyncset.done @!p3 $0x0  }
0x51: {  	s12 =	sadd.s32 @!p2 s5, s11;
	[sflag:s10] =	ssyncadd.s32 @!p3 $0xFFFFC000;
	s10 =	sor.u32 @!p2 $0x14000, s4  }
0x52: {  	[tilespmem:s13], [sflag:$0x2] =	stream.indirect.gather @!p3 [hbm4b:s1+s15], $0x80, s9, s15, $0xb8;
	[tilespmem:$0x1F000] =	vst v63  }
0x53: {  	p3 =	sne.s32 s31, $0x52  }
.Ltmp0:
0x54: {  	s13 =	sadd.s32 @!p2 $0x15800, s4;
	s15 =	sadd.s32 @!p2 s6, s11;
	(pc) =	sbr.rel @p3 .LBB2_2-.Ltmp0, $4  }
0x55: {  	s30 =	sadd.s32 $0x1, s30;
	s4 =	smul.u32 $0xFFFFD800, s8  }
0x56: {  	p0 =	sgt.u32 s30, $0x1D;
	s8 =	smul.u32 $0xCD, s30;
	s9 =	simm.s32 @!p2 $0x0  }
0x57: {  	[tilespmem:s10], [sflag:$0x5] =	stream.linear.gather @!p2 [hbm4b:s12+s9], $0xA00, $0x38;
	[tilespmem:$0x1F000] =	vst v63  }
0x58: {  	s11 =	sshrl.u32 s8, $0xB;
	s8 =	simm.s32 @!p1 $0x6;
	s10 =	sshra.s32 s4, $0x2  }
0x59: {  	[tilespmem:s13], [sflag:$0x6] =	stream.linear.gather @!p2 [hbm4b:s15+s9], $0xA00, $0x38;
	[tilespmem:$0x1F000] =	vst v63  }
0x5a: {  	_ =	swait.ge [sflag:s22], $0x4000  }
0x5b: {  	[sflag:s22] =	ssyncset.done $0x0  }
0x5c: {  	s2 =	sadd.s32 $0x15800, s2;
	s4 =	simm.s32 @!p1 $0x5;
	[sflag:s22] =	ssyncadd.s32 $0xFFFFC000  }
0x5d: {  	[spmem:s3] =	stream.indirect.scatter.add.f32 [tilespmem:s17], [sflag:$0x3], $0x80, s2, s16, $0xb8;
	[tilespmem:$0x1F000] =	vst v63  }
0x5e: {  	p3 =	seq.s32 s0, $0x50;
	s9 =	sand.u32 $0x1F, s11;
	_ =	swait.ge @!p1 [sflag:s4], $0xA00  }
0x5f: {  	s11 =	sand.u32 $0x1, s11;
	s0 =	smul.u32 @!p3 $0xCD, s0;
	[sflag:s4] =	ssyncset.done @!p1 $0x0  }
0x60: {  	p2 =	seq.s32 s29, $0x2;
	s25 =	smulhi.u32 $0xCCCCCCCD, s29;
	[sflag:s4] =	ssyncadd.s32 @!p1 $0xFFFFF600  }
0x61: {  	s15 =	smul.u32 $0xA, s9;
	s0 =	sshrl.u32 @!p3 s0, $0xC;
	_ =	swait.ge @!p1 [sflag:s8], $0xA00  }
0x62: {  	s18 =	smul.u32 $0x3000, s11;
	s0 =	sand.u32 @!p3 $0x1, s0;
	[sflag:s8] =	ssyncset.done @!p1 $0x0  }
0x63: {  	s4 =	sadd.s32 s10, s28;
	[sflag:s8] =	ssyncadd.s32 @!p1 $0xFFFFF600;
	p1 =	seq.s32 @!p3 s0, $0x1  }
0x64: {  	s10 =	simm.s32 @!p3 $0xC00;
	_ =	swait.ge [sflag:s23], $0x4000;
	p1 =	por !p1, p3  }
0x65: {  	s8 =	simm.s32 @!p3 $0x80;
	[sflag:s23] =	ssyncset.done $0x0;
	s10 =	simm.s32 @p1 $0x0  }
0x66: {  	[sflag:s23] =	ssyncadd.s32 $0xFFFFC000;
	s4 =	sadd.s32 @!p3 s10, s4;
	s10 =	simm.s32 @!p3 $0x17000  }
0x67: {  	[tilespmem:s10], [sflag:$0x1] =	stream.indirect.gather @!p3 [hbm4b:s1+s8], $0x80, s4, s8, $0xb8;
	[tilespmem:$0x1F000] =	vst v63  }
0x68: {  	s2 =	sadd.s32 $0x80, s2;
	s0 =	ssub.s32 s30, s15;
	s4 =	smul.u32 @!p2 $0x3000, s11  }
0x69: {  	s8 =	simm.s32 @!p2 $0x80;
	s10 =	sand.u32 @!p0 $0xFF, s0;
	s0 =	sand.u32 $0xFF, s0  }
0x6a: {  	p3 =	sne.s32 @!p0 s10, $0x0;
	s12 =	sshll.u32 @!p2 s0, $0x8;
	_ =	swait.ge [sflag:s24], $0x4000  }
0x6b: {  	s4 =	sshrl.u32 @!p2 s4, $0x2;
	p1 =	por p3, p0;
	[sflag:s24] =	ssyncset.done $0x0  }
0x6c: {  	s4 =	sadd.s32 @!p2 s12, s4;
	s9 =	sadd.s32 @!p1 $0x1, s9;
	[sflag:s24] =	ssyncadd.s32 $0xFFFFC000  }
0x6d: {  	[spmem:s3] =	stream.indirect.scatter.add.f32 [tilespmem:s19], [sflag:$0x4], $0x80, s2, s16, $0xb8;
	[tilespmem:$0x1F000] =	vst v63  }
0x6e: {  	s2 =	simm.s32 @!p2 $0x4;
	s12 =	smul.u32 @!p1 $0xC00, s9;
	s9 =	sand.u32 @!p1 $0x1, s9  }
0x6f: {  	s4 =	sadd.s32 @!p2 $0x14080, s4;
	p4 =	seq.s32 @!p1 s9, $0x1;
	_ =	swait.ge @!p2 [sflag:s2], $0x4000  }
0x70: {  	s12 =	sadd.s32 @!p1 s7, s12;
	p3 =	por @!p0 !p4, p3;
	[sflag:s2] =	ssyncset.done @!p2 $0x0  }
0x71: {  	[sflag:s2] =	ssyncadd.s32 @!p2 $0xFFFFC000;
	s2 =	simm.s32 @!p1 $0xC00;
	p3 =	por !p3, p0  }
0x72: {  	s9 =	simm.s32 @!p2 $0x1B000;
	s12 =	sshrl.u32 @!p1 s12, $0x3;
	s2 =	simm.s32 @!p3 $0x0  }
0x73: {  	[tilespmem:s9], [sflag:$0x2] =	stream.indirect.gather @!p2 [hbm4b:s1+s8], $0x80, s4, s8, $0xb8;
	[tilespmem:$0x1F000] =	vst v63  }
0x74: {  	s8 =	sadd.s32 @!p1 s5, s12;
	s9 =	simm.s32 @!p1 $0x0;
	s4 =	sor.u32 @!p1 $0x14000, s2  }
0x75: {  	[tilespmem:s4], [sflag:$0x5] =	stream.linear.gather @!p1 [hbm4b:s8+s9], $0xA00, $0x38;
	[tilespmem:$0x1F000] =	vst v63  }
0x76: {  	s20 =	sshrl.u32 s18, $0x2;
	s2 =	sadd.s32 @!p1 $0x15800, s2;
	s8 =	sadd.s32 @!p1 s6, s12  }
0x77: {  	[tilespmem:s2], [sflag:$0x6] =	stream.linear.gather @!p1 [hbm4b:s8+s9], $0xA00, $0x38;
	[tilespmem:$0x1F000] =	vst v63  }
0x78: {  	s0 =	sshll.u32 s0, $0x8;
	p1 =	sne.s32 @!p0 s10, $0x9;
	_ =	swait.ge [sflag:s22], $0x4000  }
0x79: {  	s0 =	sadd.s32 s0, s20;
	p1 =	por p1, p0;
	[sflag:s22] =	ssyncset.done $0x0  }
0x7a: {  	s0 =	sadd.s32 $0x15800, s0;
	s4 =	simm.s32 @!p1 $0x5;
	[sflag:s22] =	ssyncadd.s32 $0xFFFFC000  }
0x7b: {  	[spmem:s3] =	stream.indirect.scatter.add.f32 [tilespmem:s17], [sflag:$0x3], $0x80, s0, s16, $0xb8;
	[tilespmem:$0x1F000] =	vst v63  }
0x7c: {  	p0 =	seq.s32 s29, $0x50;
	_ =	swait.ge @!p1 [sflag:s4], $0xA00  }
0x7d: {  	s2 =	sshrl.u32 s25, $0x4;
	s8 =	smul.u32 @!p0 $0xCD, s29;
	[sflag:s4] =	ssyncset.done @!p1 $0x0  }
0x7e: {  	s2 =	smul.u32 $0xFFFFD800, s2;
	[sflag:s4] =	ssyncadd.s32 @!p1 $0xFFFFF600;
	s4 =	simm.s32 @!p1 $0x6  }
0x7f: {  	s28 =	sadd.s32 $0x100, s28;
	s8 =	sshrl.u32 @!p0 s8, $0xC;
	_ =	swait.ge @!p1 [sflag:s4], $0xA00  }
0x80: {  	s2 =	sshra.s32 s2, $0x2;
	s8 =	sand.u32 @!p0 $0x1, s8;
	[sflag:s4] =	ssyncset.done @!p1 $0x0  }
0x81: {  	s2 =	sadd.s32 s2, s28;
	[sflag:s4] =	ssyncadd.s32 @!p1 $0xFFFFF600;
	p1 =	seq.s32 @!p0 s8, $0x1  }
0x82: {  	s4 =	simm.s32 @!p0 $0xC00;
	_ =	swait.ge [sflag:s23], $0x4000;
	p1 =	por !p1, p0  }
0x83: {  	s8 =	simm.s32 @!p0 $0x80;
	[sflag:s23] =	ssyncset.done $0x0;
	s4 =	simm.s32 @p1 $0x0  }
0x84: {  	[sflag:s23] =	ssyncadd.s32 $0xFFFFC000;
	s2 =	sadd.s32 @!p0 s4, s2;
	s4 =	simm.s32 @!p0 $0x17000  }
0x85: {  	[tilespmem:s4], [sflag:$0x1] =	stream.indirect.gather @!p0 [hbm4b:s1+s8], $0x80, s2, s8, $0xb8;
	[tilespmem:$0x1F000] =	vst v63  }
0x86: {  	_ =	swait.ge [sflag:s24], $0x4000  }
0x87: {  	[sflag:s24] =	ssyncset.done $0x0  }
0x88: {  	s29 =	simm.s32 $0x4;
	s0 =	sadd.s32 $0x80, s0;
	[sflag:s24] =	ssyncadd.s32 $0xFFFFC000  }
0x89: {  	[spmem:s3] =	stream.indirect.scatter.add.f32 [tilespmem:s19], [sflag:$0x4], $0x80, s0, s16, $0xb8;
	[tilespmem:$0x1F000] =	vst v63  }
0x8a: {  	_ =	swait.ge [sflag:s29], $0x4000  }
0x8b: {  	[sflag:s29] =	ssyncset.done $0x0  }
0x8c: {  	[sflag:s29] =	ssyncadd.s32 $0xFFFFC000  }
0x8d: {  	[bflag:$0x0] =	sbarrier.arrive $0xFFFF  }
0x8e: {  	s30 =	rddreg [dreg:$0x7]  }
0x8f: {  	s10 =	rddreg [dreg:$0x9]  }
0x90: {  	[hbm:s30], [sflag:s21] =	dma.local [spmem:s10], $0x2800  }
0x91: {  	_ =	swait.ge [sflag:s14], $0x2800  }
0x92: {  	s26 =	sadd.s32 $0x1, s26;
	s31 =	rddreg [dreg:$0x8]  }
0x93: {  	p0 =	sne.s32 s26, s31  }
.Ltmp1:
0x94: {  	_ = 	snop;
	(pc) =	sbr.rel @p0 .LBB2_1-.Ltmp1, $3  }
0x95: {  	_ =	sdelay $0x1  }
0x96: {  	[sflag:s14] =	ssyncset.done $0x0  }
0x97: {  	s9 =	smov.u32 s21;
	[sflag:s14] =	ssyncadd.s32 $0xFFFFD800  }
0x98: {  	_ =	sfence.sel $0x180000  }
0x99: {  	[bflag:$0x0] =	sbarrier.arrive $0xFFFF  }
0x9a: {  	_ =	strace $0x90000047  }
0x9b: {  	s0 =	stileid.u32;
	[bflag:$0x2] =	sbarrier.arrive $0xFFFF  }
0x9c: {  	p0 =	sne.s32 s0, $0x0;
	s0 =	rddreg [dreg:$0x3]  }
0x9d: {  	s0 =	sadd.s32 @!p0 $0x100000, s0  }
0x9e: {  	[sflag:s0] =	ssyncadd.tile.s32 @!p0 $0x1;
	_ =	shalt  }
.Lfunc_end2:
_tile_overlayer_lowered:
.L_overlay_start_2:
0x9f: {  	(tag) =	ssettag $0x2  }
0xa0: {  	s0 =	rddreg [dreg:$0x0];
	s2 =	stileid.u32  }
0xa1: {  	s1 =	rddreg [dreg:$0x1];
	p0 =	sne.s32 s2, $0x0  }
0xa2: {  	s3 =	rddreg [dreg:$0x2];
	[bflag:$0x3] =	sbarrier.arrive $0xFFFF;
	s2 =	simm.s32 @!p0 $0x1C07  }
0xa3: {  	[timem:s3], [sflag:s2] =	dma.local @!p0 [hbm:s0], s1  }
0xa4: {  	s0 =	simm.s32 @!p0 $0x7  }
0xa5: {  	_ =	swait.ge @!p0 [sflag:s0], s1  }
0xa6: {  	s1 =	ssub.s32 @!p0 $0x0, s1;
	[sflag:s0] =	ssyncset.done @!p0 $0x0  }
0xa7: {  	[sflag:s0] =	ssyncadd.s32 @!p0 s1  }
0xa8: {  	[bflag:$0x3] =	sbarrier.arrive $0xFFFF  }
0xa9: {  	_ =	shalt  }

</sc_bundles>
